<compile_context>
chip_gen: v7x
topology: tpu7x:2x2x1
jax: 0.10.2.dev20260603
libtpu: 0.0.44.dev20260713+nightly
codegen_flags: <defaults>
</compile_context>

<pallas_src>
import functools

import jax
import jax.numpy as jnp
from jax import lax
from jax.experimental import pallas as pl
from jax.experimental.pallas import tpu as pltpu
from jax.experimental.pallas import tpu_sc as plsc

NC = 2
NS = 16
NW = NC * NS

CH = 128
CT = 16
LANES = 16


def _mesh():
    return plsc.VectorSubcoreMesh(
        core_axis_name="c", subcore_axis_name="s", num_cores=NC, num_subcores=NS
    )


def _agg(src_a, dst_a, src_b, dst_b, g, h, n, with_gather):
    _, nch, _ = src_a.shape
    rows_per = n // NS

    scratch = [
        pltpu.VMEM((nch, CH), jnp.int32),
        pltpu.VMEM((nch, CH), jnp.int32),
        pltpu.VMEM((CT,), jnp.int32),
        pltpu.VMEM((CT,), jnp.int32),
        pltpu.VMEM((CH, h), jnp.float32),
        pltpu.VMEM((CH, h), jnp.float32),
        pltpu.VMEM((CH, h), jnp.float32),
        pltpu.VMEM((CH, h), jnp.float32),
        pltpu.VMEM((CT, h), jnp.float32),
        pltpu.VMEM((rows_per, h), jnp.float32),
        pltpu.VMEM_SHARED((n, h), jnp.float32),
        pltpu.SemaphoreType.DMA,
        pltpu.SemaphoreType.DMA,
    ]

    @functools.partial(
        pl.kernel,
        out_type=jax.ShapeDtypeStruct((NC, n, h), jnp.float32),
        mesh=_mesh(),
        scratch_types=scratch,
        compiler_params=pltpu.CompilerParams(use_tc_tiling_on_sc=False),
    )
    def body(srca_hbm, dsta_hbm, srcb_hbm, dstb_hbm, g_hbm, out_hbm,
             src_v, dst_v, srct_v, dstt_v,
             ra0_v, ra1_v, rb0_v, rb1_v, rt_v, z_v, acc, sem0, sem1):
        c = lax.axis_index("c")
        s = lax.axis_index("s")
        wid = s * NC + c
        base = s * rows_per

        zv = jnp.zeros((LANES,), jnp.float32)

        def zloop(i, carry):
            for k in range(h // LANES):
                z_v[i, pl.ds(k * LANES, LANES)] = zv
            return carry

        lax.fori_loop(0, rows_per, zloop, 0)
        pltpu.sync_copy(z_v, acc.at[pl.ds(base, rows_per)])

        if not with_gather:
            ov = jnp.ones((LANES,), jnp.float32)

            def oloop(i, carry):
                for k in range(h // LANES):
                    ra0_v[i, pl.ds(k * LANES, LANES)] = ov
                return carry

            lax.fori_loop(0, CH, oloop, 0)

            def otail(i, carry):
                for k in range(h // LANES):
                    rt_v[i, pl.ds(k * LANES, LANES)] = ov
                return carry

            lax.fori_loop(0, CT, otail, 0)

        pltpu.sync_copy(srca_hbm.at[wid], src_v)
        pltpu.sync_copy(dsta_hbm.at[wid], dst_v)
        pltpu.sync_copy(srcb_hbm.at[wid], srct_v)
        pltpu.sync_copy(dstb_hbm.at[wid], dstt_v)
        plsc.subcore_barrier()

        if with_gather:
            banks = ((sem0, ra0_v, ra1_v), (sem1, rb0_v, rb1_v))
            ngrp = nch // 2
            npairs = max((ngrp - 2) // 2, 0)

            def issue(gi, bank):
                sem, r0, r1 = bank
                pltpu.async_copy(g_hbm.at[src_v.at[2 * gi]], r0, sem)
                pltpu.async_copy(g_hbm.at[src_v.at[2 * gi + 1]], r1, sem)

            def drain(gi, bank):
                sem, r0, r1 = bank
                pltpu.make_async_copy(g_hbm.at[src_v.at[2 * gi]], r0, sem).wait()
                pltpu.make_async_copy(g_hbm.at[src_v.at[2 * gi + 1]], r1, sem).wait()
                pltpu.sync_copy(r0, acc.at[dst_v.at[2 * gi]], add=True)
                pltpu.sync_copy(r1, acc.at[dst_v.at[2 * gi + 1]], add=True)

            issue(0, banks[0])
            issue(1, banks[1])

            def step(t, carry):
                ga = 2 * t
                drain(ga, banks[0])
                issue(ga + 2, banks[0])
                drain(ga + 1, banks[1])
                issue(ga + 3, banks[1])
                return carry

            lax.fori_loop(0, npairs, step, 0)
            for k, gi in enumerate(range(2 * npairs, ngrp)):
                if k < 2:
                    drain(gi, banks[k])
                else:
                    sem, r0, r1 = banks[0]
                    pltpu.async_copy(g_hbm.at[src_v.at[2 * gi]], r0, sem).wait()
                    pltpu.sync_copy(r0, acc.at[dst_v.at[2 * gi]], add=True)
                    pltpu.async_copy(g_hbm.at[src_v.at[2 * gi + 1]], r1, sem).wait()
                    pltpu.sync_copy(r1, acc.at[dst_v.at[2 * gi + 1]], add=True)
            for j in range(2 * ngrp, nch):
                cp = pltpu.async_copy(g_hbm.at[src_v.at[j]], ra0_v, sem0)
                cp.wait()
                pltpu.sync_copy(ra0_v, acc.at[dst_v.at[j]], add=True)
            pltpu.async_copy(g_hbm.at[srct_v], rt_v, sem0).wait()
            pltpu.sync_copy(rt_v, acc.at[dstt_v], add=True)
        else:
            def step(j, carry):
                pltpu.sync_copy(ra0_v, acc.at[dst_v.at[j]], add=True)
                return carry

            lax.fori_loop(0, nch, step, 0)
            pltpu.sync_copy(rt_v, acc.at[dstt_v], add=True)

        plsc.subcore_barrier()
        pltpu.sync_copy(acc.at[pl.ds(base, rows_per)],
                        out_hbm.at[c, pl.ds(base, rows_per)])

    return body(src_a, dst_a, src_b, dst_b, g)


def _tc1(x, W1, degp, np_, bn):
    n, f = x.shape
    h1 = W1.shape[1]
    grid = (n // bn,)

    def body(x_ref, w_ref, degp_ref, g_ref, dis_ref):
        deg = degp_ref[0][:, 0:1] + degp_ref[1][:, 0:1] + 1.0
        dis = lax.rsqrt(deg)
        hm = jnp.dot(x_ref[...], w_ref[...], preferred_element_type=jnp.float32)
        g_ref[...] = hm * dis
        dis_ref[...] = dis

    return pl.pallas_call(
        body,
        grid=grid,
        in_specs=[
            pl.BlockSpec((bn, f), lambda i: (i, 0)),
            pl.BlockSpec((f, h1), lambda i: (0, 0)),
            pl.BlockSpec((NC, bn, 16), lambda i: (0, i, 0)),
        ],
        out_specs=[
            pl.BlockSpec((bn, h1), lambda i: (i, 0)),
            pl.BlockSpec((bn, 1), lambda i: (i, 0)),
        ],
        out_shape=[
            jax.ShapeDtypeStruct((np_, h1), jnp.float32),
            jax.ShapeDtypeStruct((np_, 1), jnp.float32),
        ],
    )(x, W1, degp)


def _tc2(s1p, g1, dis, b1, W2, bn):
    _, n, h1 = s1p.shape
    h2 = W2.shape[1]
    grid = (n // bn,)

    def body(sp_ref, g1_ref, dis_ref, b1_ref, w2_ref, g2_ref):
        dis = dis_ref[...]
        agg = sp_ref[0] + sp_ref[1] + g1_ref[...]
        hidden = jnp.maximum(dis * agg + b1_ref[...], 0.0)
        hm = jnp.dot(hidden, w2_ref[...], preferred_element_type=jnp.float32)
        g2_ref[...] = hm * dis

    return pl.pallas_call(
        body,
        grid=grid,
        in_specs=[
            pl.BlockSpec((NC, bn, h1), lambda i: (0, i, 0)),
            pl.BlockSpec((bn, h1), lambda i: (i, 0)),
            pl.BlockSpec((bn, 1), lambda i: (i, 0)),
            pl.BlockSpec((1, h1), lambda i: (0, 0)),
            pl.BlockSpec((h1, h2), lambda i: (0, 0)),
        ],
        out_specs=pl.BlockSpec((bn, h2), lambda i: (i, 0)),
        out_shape=jax.ShapeDtypeStruct((n, h2), jnp.float32),
    )(s1p, g1, dis, b1, W2)


def _tc3(s2p, g2, dis, b2, bn):
    _, n, h2 = s2p.shape
    grid = (n // bn,)

    def body(sp_ref, g2_ref, dis_ref, b2_ref, out_ref):
        agg = sp_ref[0] + sp_ref[1] + g2_ref[...]
        out_ref[...] = dis_ref[...] * agg + b2_ref[...]

    return pl.pallas_call(
        body,
        grid=grid,
        in_specs=[
            pl.BlockSpec((NC, bn, h2), lambda i: (0, i, 0)),
            pl.BlockSpec((bn, h2), lambda i: (i, 0)),
            pl.BlockSpec((bn, 1), lambda i: (i, 0)),
            pl.BlockSpec((1, h2), lambda i: (0, 0)),
        ],
        out_specs=pl.BlockSpec((bn, h2), lambda i: (i, 0)),
        out_shape=jax.ShapeDtypeStruct((n, h2), jnp.float32),
    )(s2p, g2, dis, b2)


def kernel(x, edge_index, W1, b1, W2, b2):
    n, f = x.shape
    e = edge_index.shape[1]
    h1 = W1.shape[1]
    h2 = W2.shape[1]

    np_ = 10240

    ew = e // NW
    nch = (ew - CT) // CH
    e0 = edge_index[0].reshape(NW, ew)
    e1 = edge_index[1].reshape(NW, ew)
    src_a = e0[:, : nch * CH].reshape(NW, nch, CH)
    dst_a = e1[:, : nch * CH].reshape(NW, nch, CH)
    src_b = e0[:, nch * CH :]
    dst_b = e1[:, nch * CH :]

    gdummy = jnp.zeros((8, h1), jnp.float32)
    degp = _agg(src_a, dst_a, src_b, dst_b, gdummy, h1, np_, with_gather=False)
    g1, dis = _tc1(x, W1, degp, np_, bn=2000)
    s1p = _agg(src_a, dst_a, src_b, dst_b, g1, h1, np_, with_gather=True)
    g2 = _tc2(s1p, g1, dis, b1.reshape(1, h1), W2, bn=1280)
    s2p = _agg(src_a, dst_a, src_b, dst_b, g2, h2, np_, with_gather=True)
    out = _tc3(s2p, g2, dis, b2.reshape(1, h2), bn=1280)
    return out[:n]

# --- scband reference (transcript-rebuilt; emitter-appended) ---
"""Pipeline reference for scband-gnn-22832046145825 (READ-ONLY COPY).

The authoritative reference and input builder live on the scoring server;
editing this copy changes nothing except your own understanding.
"""

import jax, jax.numpy as jnp
import numpy as np

N = 10000
E = 320000
F = 128
H1 = 16
H2 = 32


def gcn_conv(x, edge_index, W, b, num_nodes):
    # GCNConv: out = D^{-1/2} (A + I) D^{-1/2} X W + b
    src = edge_index[0]
    dst = edge_index[1]
    loop = jnp.arange(num_nodes, dtype=src.dtype)
    src = jnp.concatenate([src, loop])
    dst = jnp.concatenate([dst, loop])
    deg = jax.ops.segment_sum(jnp.ones(dst.shape, x.dtype), dst, num_segments=num_nodes)
    deg_inv_sqrt = jnp.where(deg > 0, jax.lax.rsqrt(jnp.maximum(deg, 1e-12)), 0.0)
    norm = deg_inv_sqrt[src] * deg_inv_sqrt[dst]
    h = x @ W
    msg = h[src] * norm[:, None]
    out = jax.ops.segment_sum(msg, dst, num_segments=num_nodes)
    return out + b


def setup_inputs(seed: int = 0) -> dict:
    key = jax.random.key(seed)
    k1, k2, k3, k4 = jax.random.split(key, 4)
    x = jax.random.normal(k1, (N, F), dtype=jnp.float32)
    edge_index = jax.random.randint(k2, (2, E), 0, N, dtype=jnp.int32)
    W1 = jax.random.normal(k3, (F, H1), dtype=jnp.float32) * (1.0 / np.sqrt(F))
    b1 = jnp.zeros((H1,), dtype=jnp.float32)
    W2 = jax.random.normal(k4, (H1, H2), dtype=jnp.float32) * (1.0 / np.sqrt(H1))
    b2 = jnp.zeros((H2,), dtype=jnp.float32)
    return {"x": x, "edge_index": edge_index, "W1": W1, "b1": b1, "W2": W2, "b2": b2}


def reference(x, edge_index, W1, b1, W2, b2):
    h = gcn_conv(x, edge_index, W1, b1, N)
    h = jax.nn.relu(h)
    out = gcn_conv(h, edge_index, W2, b2, N)
    return out

if __name__ == "__main__":
    import jax
    _d = setup_inputs()
    print(jax.jit(kernel)(*tuple(_d.values())))

</pallas_src>

<mosaic_0001>
#map = affine_map<(d0, d1) -> (0, 0, 0)>
#map1 = affine_map<(d0, d1) -> (0, 0)>
module attributes {stable_mosaic.version = 14 : i64} {
  func.func @body(%arg0: i32, %arg1: i32, %arg2: memref<32x78x128xi32, #tpu.memory_space<hbm>>, %arg3: memref<32x78x128xi32, #tpu.memory_space<hbm>>, %arg4: memref<32x16xi32, #tpu.memory_space<hbm>>, %arg5: memref<32x16xi32, #tpu.memory_space<hbm>>, %arg6: memref<10240x16xf32, #tpu.memory_space<hbm>>, %arg7: memref<2x10240x16xf32, #tpu.memory_space<hbm>>, %arg8: memref<78x128xi32, #tpu.memory_space<vmem>>, %arg9: memref<78x128xi32, #tpu.memory_space<vmem>>, %arg10: memref<16xi32, #tpu.memory_space<vmem>>, %arg11: memref<16xi32, #tpu.memory_space<vmem>>, %arg12: memref<128x16xf32, #tpu.memory_space<vmem>>, %arg13: memref<128x16xf32, #tpu.memory_space<vmem>>, %arg14: memref<128x16xf32, #tpu.memory_space<vmem>>, %arg15: memref<128x16xf32, #tpu.memory_space<vmem>>, %arg16: memref<16x16xf32, #tpu.memory_space<vmem>>, %arg17: memref<640x16xf32, #tpu.memory_space<vmem>>, %arg18: memref<10240x16xf32, #tpu.memory_space<vmem_shared>>, %arg19: memref<!tpu.dma_semaphore, #tpu.memory_space<semaphore_mem>>, %arg20: memref<!tpu.dma_semaphore, #tpu.memory_space<semaphore_mem>>) attributes {dimension_semantics = [#tpu.dimension_semantics<core_parallel>, #tpu.dimension_semantics<subcore_parallel>], iteration_bounds = array<i64: 2, 16>, scalar_prefetch = 0 : i64, scratch_operands = 13 : i64, tpu.core_type = #tpu.core_type<sc_vector_subcore>, window_params = [{transform_indices = #map}, {transform_indices = #map}, {transform_indices = #map1}, {transform_indices = #map1}, {transform_indices = #map1}, {transform_indices = #map}]} {
    %mul3A = arith.constant 2 : i32
    %mul3A_0 = arith.muli %arg1, %mul3A : i32
    %add3A = arith.addi %mul3A_0, %arg0 : i32
    %mul3A_1 = arith.constant 640 : i32
    %mul3A_2 = arith.muli %arg1, %mul3A_1 : i32
    %broadcast_in_dim3A = arith.constant 0.000000e+00 : f32
    %broadcast_in_dim3A_3 = vector.broadcast %broadcast_in_dim3A : f32 to vector<16xf32>
    %scan3A = arith.constant 0 : i32
    %scan3A_4 = arith.constant 0 : i32
    %scan3A_5 = arith.constant 640 : i32
    %scan3A_6 = arith.addi %scan3A_4, %scan3A_5 : i32
    %scan3A_7 = arith.constant 1 : i32
    scf.for %scan3A_109 = %scan3A_4 to %scan3A_6 step %scan3A_7  : i32 {
      %swap3A = arith.index_cast %scan3A_109 : i32 to index
      %swap3A_110 = arith.constant 0 : index
      %swap3A_111 = tpu.vector_load %arg17[%swap3A, %swap3A_110] {strides = array<i32>} : memref<640x16xf32, #tpu.memory_space<vmem>>, vector<1x16xf32>,
      %swap3A_112 = vector.shape_cast %swap3A_111 : vector<1x16xf32> to vector<16xf32>
      %swap3A_113 = vector.shape_cast %broadcast_in_dim3A_3 : vector<16xf32> to vector<1x16xf32>
      tpu.vector_store %arg17[%swap3A, %swap3A_110], %swap3A_113 {strides = array<i32>} : memref<640x16xf32, #tpu.memory_space<vmem>>, vector<1x16xf32>,
    }
    %scan3A_8 = arith.constant 640 : i32
    "tpu.region"() ({
      %run_scoped3A_109 = tpu.sem_alloc : memref<!tpu.dma_semaphore, #tpu.memory_space<semaphore_mem>>
      %dma_start3A_110 = arith.constant 0 : i32
      %dma_start3A_111 = tpu.memref_slice %arg18[%mul3A_2, %dma_start3A_110] : memref<10240x16xf32, #tpu.memory_space<vmem_shared>> -> memref<640x16xf32, #tpu.memory_space<vmem_shared>>
      %dma_start3A_112 = arith.constant 0 : i32
      %dma_start3A_113 = tpu.memref_slice %arg18[%mul3A_2, %dma_start3A_112] : memref<10240x16xf32, #tpu.memory_space<vmem_shared>> -> memref<640x16xf32, #tpu.memory_space<vmem_shared>>
      tpu.enqueue_dma source(%arg17 : memref<640x16xf32, #tpu.memory_space<vmem>>) target(%dma_start3A_113 : memref<640x16xf32, #tpu.memory_space<vmem_shared>>) target_semaphore(%run_scoped3A_109 : memref<!tpu.dma_semaphore, #tpu.memory_space<semaphore_mem>>)
      %dma_wait3A_114 = arith.constant 0 : i32
      %dma_wait3A_115 = tpu.memref_slice %arg18[%mul3A_2, %dma_wait3A_114] : memref<10240x16xf32, #tpu.memory_space<vmem_shared>> -> memref<640x16xf32, #tpu.memory_space<vmem_shared>>
      %dma_wait3A_116 = arith.constant 0 : i32
      %dma_wait3A_117 = tpu.memref_slice %arg18[%mul3A_2, %dma_wait3A_116] : memref<10240x16xf32, #tpu.memory_space<vmem_shared>> -> memref<640x16xf32, #tpu.memory_space<vmem_shared>>
      tpu.wait_dma2 semaphore(%run_scoped3A_109 : memref<!tpu.dma_semaphore, #tpu.memory_space<semaphore_mem>>) src(%arg17 : memref<640x16xf32, #tpu.memory_space<vmem>>) dst(%dma_wait3A_117 : memref<640x16xf32, #tpu.memory_space<vmem_shared>>)
      tpu.yield
    }) : () -> ()
    "tpu.region"() ({
      %run_scoped3A_109 = tpu.sem_alloc : memref<!tpu.dma_semaphore, #tpu.memory_space<semaphore_mem>>
      %dma_start3A_110 = arith.constant 0 : i32
      %dma_start3A_111 = arith.constant 0 : i32
      %dma_start3A_112 = tpu.memref_slice %arg2[%add3A, %dma_start3A_110, %dma_start3A_111] : memref<32x78x128xi32, #tpu.memory_space<hbm>> -> memref<1x78x128xi32, #tpu.memory_space<hbm>>
      %dma_start3A_113 = tpu.memref_squeeze %dma_start3A_112 : memref<1x78x128xi32, #tpu.memory_space<hbm>> -> memref<78x128xi32, #tpu.memory_space<hbm>>
      %dma_start3A_114 = arith.constant 0 : i32
      %dma_start3A_115 = arith.constant 0 : i32
      %dma_start3A_116 = tpu.memref_slice %arg2[%add3A, %dma_start3A_114, %dma_start3A_115] : memref<32x78x128xi32, #tpu.memory_space<hbm>> -> memref<1x78x128xi32, #tpu.memory_space<hbm>>
      %dma_start3A_117 = tpu.memref_squeeze %dma_start3A_116 : memref<1x78x128xi32, #tpu.memory_space<hbm>> -> memref<78x128xi32, #tpu.memory_space<hbm>>
      tpu.enqueue_dma source(%dma_start3A_117 : memref<78x128xi32, #tpu.memory_space<hbm>>) target(%arg8 : memref<78x128xi32, #tpu.memory_space<vmem>>) target_semaphore(%run_scoped3A_109 : memref<!tpu.dma_semaphore, #tpu.memory_space<semaphore_mem>>)
      %dma_wait3A_118 = arith.constant 0 : i32
      %dma_wait3A_119 = arith.constant 0 : i32
      %dma_wait3A_120 = tpu.memref_slice %arg2[%add3A, %dma_wait3A_118, %dma_wait3A_119] : memref<32x78x128xi32, #tpu.memory_space<hbm>> -> memref<1x78x128xi32, #tpu.memory_space<hbm>>
      %dma_wait3A_121 = tpu.memref_squeeze %dma_wait3A_120 : memref<1x78x128xi32, #tpu.memory_space<hbm>> -> memref<78x128xi32, #tpu.memory_space<hbm>>
      %dma_wait3A_122 = arith.constant 0 : i32
      %dma_wait3A_123 = arith.constant 0 : i32
      %dma_wait3A_124 = tpu.memref_slice %arg2[%add3A, %dma_wait3A_122, %dma_wait3A_123] : memref<32x78x128xi32, #tpu.memory_space<hbm>> -> memref<1x78x128xi32, #tpu.memory_space<hbm>>
      %dma_wait3A_125 = tpu.memref_squeeze %dma_wait3A_124 : memref<1x78x128xi32, #tpu.memory_space<hbm>> -> memref<78x128xi32, #tpu.memory_space<hbm>>
      tpu.wait_dma2 semaphore(%run_scoped3A_109 : memref<!tpu.dma_semaphore, #tpu.memory_space<semaphore_mem>>) src(%dma_wait3A_125 : memref<78x128xi32, #tpu.memory_space<hbm>>) dst(%arg8 : memref<78x128xi32, #tpu.memory_space<vmem>>)
      tpu.yield
    }) : () -> ()
    "tpu.region"() ({
      %run_scoped3A_109 = tpu.sem_alloc : memref<!tpu.dma_semaphore, #tpu.memory_space<semaphore_mem>>
      %dma_start3A_110 = arith.constant 0 : i32
      %dma_start3A_111 = arith.constant 0 : i32
      %dma_start3A_112 = tpu.memref_slice %arg3[%add3A, %dma_start3A_110, %dma_start3A_111] : memref<32x78x128xi32, #tpu.memory_space<hbm>> -> memref<1x78x128xi32, #tpu.memory_space<hbm>>
      %dma_start3A_113 = tpu.memref_squeeze %dma_start3A_112 : memref<1x78x128xi32, #tpu.memory_space<hbm>> -> memref<78x128xi32, #tpu.memory_space<hbm>>
      %dma_start3A_114 = arith.constant 0 : i32
      %dma_start3A_115 = arith.constant 0 : i32
      %dma_start3A_116 = tpu.memref_slice %arg3[%add3A, %dma_start3A_114, %dma_start3A_115] : memref<32x78x128xi32, #tpu.memory_space<hbm>> -> memref<1x78x128xi32, #tpu.memory_space<hbm>>
      %dma_start3A_117 = tpu.memref_squeeze %dma_start3A_116 : memref<1x78x128xi32, #tpu.memory_space<hbm>> -> memref<78x128xi32, #tpu.memory_space<hbm>>
      tpu.enqueue_dma source(%dma_start3A_117 : memref<78x128xi32, #tpu.memory_space<hbm>>) target(%arg9 : memref<78x128xi32, #tpu.memory_space<vmem>>) target_semaphore(%run_scoped3A_109 : memref<!tpu.dma_semaphore, #tpu.memory_space<semaphore_mem>>)
      %dma_wait3A_118 = arith.constant 0 : i32
      %dma_wait3A_119 = arith.constant 0 : i32
      %dma_wait3A_120 = tpu.memref_slice %arg3[%add3A, %dma_wait3A_118, %dma_wait3A_119] : memref<32x78x128xi32, #tpu.memory_space<hbm>> -> memref<1x78x128xi32, #tpu.memory_space<hbm>>
      %dma_wait3A_121 = tpu.memref_squeeze %dma_wait3A_120 : memref<1x78x128xi32, #tpu.memory_space<hbm>> -> memref<78x128xi32, #tpu.memory_space<hbm>>
      %dma_wait3A_122 = arith.constant 0 : i32
      %dma_wait3A_123 = arith.constant 0 : i32
      %dma_wait3A_124 = tpu.memref_slice %arg3[%add3A, %dma_wait3A_122, %dma_wait3A_123] : memref<32x78x128xi32, #tpu.memory_space<hbm>> -> memref<1x78x128xi32, #tpu.memory_space<hbm>>
      %dma_wait3A_125 = tpu.memref_squeeze %dma_wait3A_124 : memref<1x78x128xi32, #tpu.memory_space<hbm>> -> memref<78x128xi32, #tpu.memory_space<hbm>>
      tpu.wait_dma2 semaphore(%run_scoped3A_109 : memref<!tpu.dma_semaphore, #tpu.memory_space<semaphore_mem>>) src(%dma_wait3A_125 : memref<78x128xi32, #tpu.memory_space<hbm>>) dst(%arg9 : memref<78x128xi32, #tpu.memory_space<vmem>>)
      tpu.yield
    }) : () -> ()
    "tpu.region"() ({
      %run_scoped3A_109 = tpu.sem_alloc : memref<!tpu.dma_semaphore, #tpu.memory_space<semaphore_mem>>
      %dma_start3A_110 = arith.constant 0 : i32
      %dma_start3A_111 = tpu.memref_slice %arg4[%add3A, %dma_start3A_110] : memref<32x16xi32, #tpu.memory_space<hbm>> -> memref<1x16xi32, #tpu.memory_space<hbm>>
      %dma_start3A_112 = tpu.memref_squeeze %dma_start3A_111 : memref<1x16xi32, #tpu.memory_space<hbm>> -> memref<16xi32, #tpu.memory_space<hbm>>
      %dma_start3A_113 = arith.constant 0 : i32
      %dma_start3A_114 = tpu.memref_slice %arg4[%add3A, %dma_start3A_113] : memref<32x16xi32, #tpu.memory_space<hbm>> -> memref<1x16xi32, #tpu.memory_space<hbm>>
      %dma_start3A_115 = tpu.memref_squeeze %dma_start3A_114 : memref<1x16xi32, #tpu.memory_space<hbm>> -> memref<16xi32, #tpu.memory_space<hbm>>
      tpu.enqueue_dma source(%dma_start3A_115 : memref<16xi32, #tpu.memory_space<hbm>>) target(%arg10 : memref<16xi32, #tpu.memory_space<vmem>>) target_semaphore(%run_scoped3A_109 : memref<!tpu.dma_semaphore, #tpu.memory_space<semaphore_mem>>)
      %dma_wait3A_116 = arith.constant 0 : i32
      %dma_wait3A_117 = tpu.memref_slice %arg4[%add3A, %dma_wait3A_116] : memref<32x16xi32, #tpu.memory_space<hbm>> -> memref<1x16xi32, #tpu.memory_space<hbm>>
      %dma_wait3A_118 = tpu.memref_squeeze %dma_wait3A_117 : memref<1x16xi32, #tpu.memory_space<hbm>> -> memref<16xi32, #tpu.memory_space<hbm>>
      %dma_wait3A_119 = arith.constant 0 : i32
      %dma_wait3A_120 = tpu.memref_slice %arg4[%add3A, %dma_wait3A_119] : memref<32x16xi32, #tpu.memory_space<hbm>> -> memref<1x16xi32, #tpu.memory_space<hbm>>
      %dma_wait3A_121 = tpu.memref_squeeze %dma_wait3A_120 : memref<1x16xi32, #tpu.memory_space<hbm>> -> memref<16xi32, #tpu.memory_space<hbm>>
      tpu.wait_dma2 semaphore(%run_scoped3A_109 : memref<!tpu.dma_semaphore, #tpu.memory_space<semaphore_mem>>) src(%dma_wait3A_121 : memref<16xi32, #tpu.memory_space<hbm>>) dst(%arg10 : memref<16xi32, #tpu.memory_space<vmem>>)
      tpu.yield
    }) : () -> ()
    "tpu.region"() ({
      %run_scoped3A_109 = tpu.sem_alloc : memref<!tpu.dma_semaphore, #tpu.memory_space<semaphore_mem>>
      %dma_start3A_110 = arith.constant 0 : i32
      %dma_start3A_111 = tpu.memref_slice %arg5[%add3A, %dma_start3A_110] : memref<32x16xi32, #tpu.memory_space<hbm>> -> memref<1x16xi32, #tpu.memory_space<hbm>>
      %dma_start3A_112 = tpu.memref_squeeze %dma_start3A_111 : memref<1x16xi32, #tpu.memory_space<hbm>> -> memref<16xi32, #tpu.memory_space<hbm>>
      %dma_start3A_113 = arith.constant 0 : i32
      %dma_start3A_114 = tpu.memref_slice %arg5[%add3A, %dma_start3A_113] : memref<32x16xi32, #tpu.memory_space<hbm>> -> memref<1x16xi32, #tpu.memory_space<hbm>>
      %dma_start3A_115 = tpu.memref_squeeze %dma_start3A_114 : memref<1x16xi32, #tpu.memory_space<hbm>> -> memref<16xi32, #tpu.memory_space<hbm>>
      tpu.enqueue_dma source(%dma_start3A_115 : memref<16xi32, #tpu.memory_space<hbm>>) target(%arg11 : memref<16xi32, #tpu.memory_space<vmem>>) target_semaphore(%run_scoped3A_109 : memref<!tpu.dma_semaphore, #tpu.memory_space<semaphore_mem>>)
      %dma_wait3A_116 = arith.constant 0 : i32
      %dma_wait3A_117 = tpu.memref_slice %arg5[%add3A, %dma_wait3A_116] : memref<32x16xi32, #tpu.memory_space<hbm>> -> memref<1x16xi32, #tpu.memory_space<hbm>>
      %dma_wait3A_118 = tpu.memref_squeeze %dma_wait3A_117 : memref<1x16xi32, #tpu.memory_space<hbm>> -> memref<16xi32, #tpu.memory_space<hbm>>
      %dma_wait3A_119 = arith.constant 0 : i32
      %dma_wait3A_120 = tpu.memref_slice %arg5[%add3A, %dma_wait3A_119] : memref<32x16xi32, #tpu.memory_space<hbm>> -> memref<1x16xi32, #tpu.memory_space<hbm>>
      %dma_wait3A_121 = tpu.memref_squeeze %dma_wait3A_120 : memref<1x16xi32, #tpu.memory_space<hbm>> -> memref<16xi32, #tpu.memory_space<hbm>>
      tpu.wait_dma2 semaphore(%run_scoped3A_109 : memref<!tpu.dma_semaphore, #tpu.memory_space<semaphore_mem>>) src(%dma_wait3A_121 : memref<16xi32, #tpu.memory_space<hbm>>) dst(%arg11 : memref<16xi32, #tpu.memory_space<vmem>>)
      tpu.yield
    }) : () -> ()
    %barrier3A = arith.constant 0 : index
    tpu.barrier barrier_id(%barrier3A)
    %dma_start3A = arith.constant 0 : i32
    %dma_start3A_9 = arith.constant 0 : i32
    %dma_start3A_10 = tpu.memref_slice %arg8[%dma_start3A, %dma_start3A_9] : memref<78x128xi32, #tpu.memory_space<vmem>> -> memref<1x128xi32, #tpu.memory_space<vmem>>
    %dma_start3A_11 = tpu.memref_squeeze %dma_start3A_10 : memref<1x128xi32, #tpu.memory_space<vmem>> -> memref<128xi32, #tpu.memory_space<vmem>>
    %dma_start3A_12 = arith.constant 0 : i32
    %dma_start3A_13 = arith.constant 0 : i32
    %dma_start3A_14 = tpu.memref_slice %arg6[%dma_start3A_12, %dma_start3A_13] : memref<10240x16xf32, #tpu.memory_space<hbm>> -> memref<10240x16xf32, #tpu.memory_space<hbm>>
    tpu.enqueue_indirect_dma source(%dma_start3A_14 : memref<10240x16xf32, #tpu.memory_space<hbm>>) target(%arg12 : memref<128x16xf32, #tpu.memory_space<vmem>>) offsets(%dma_start3A_11 : memref<128xi32, #tpu.memory_space<vmem>>) semaphore(%arg19 : memref<!tpu.dma_semaphore, #tpu.memory_space<semaphore_mem>>)
    %dma_start3A_15 = arith.constant 1 : i32
    %dma_start3A_16 = arith.constant 0 : i32
    %dma_start3A_17 = tpu.memref_slice %arg8[%dma_start3A_15, %dma_start3A_16] : memref<78x128xi32, #tpu.memory_space<vmem>> -> memref<1x128xi32, #tpu.memory_space<vmem>>
    %dma_start3A_18 = tpu.memref_squeeze %dma_start3A_17 : memref<1x128xi32, #tpu.memory_space<vmem>> -> memref<128xi32, #tpu.memory_space<vmem>>
    %dma_start3A_19 = arith.constant 0 : i32
    %dma_start3A_20 = arith.constant 0 : i32
    %dma_start3A_21 = tpu.memref_slice %arg6[%dma_start3A_19, %dma_start3A_20] : memref<10240x16xf32, #tpu.memory_space<hbm>> -> memref<10240x16xf32, #tpu.memory_space<hbm>>
    tpu.enqueue_indirect_dma source(%dma_start3A_21 : memref<10240x16xf32, #tpu.memory_space<hbm>>) target(%arg13 : memref<128x16xf32, #tpu.memory_space<vmem>>) offsets(%dma_start3A_18 : memref<128xi32, #tpu.memory_space<vmem>>) semaphore(%arg19 : memref<!tpu.dma_semaphore, #tpu.memory_space<semaphore_mem>>)
    %dma_start3A_22 = arith.constant 2 : i32
    %dma_start3A_23 = arith.constant 0 : i32
    %dma_start3A_24 = tpu.memref_slice %arg8[%dma_start3A_22, %dma_start3A_23] : memref<78x128xi32, #tpu.memory_space<vmem>> -> memref<1x128xi32, #tpu.memory_space<vmem>>
    %dma_start3A_25 = tpu.memref_squeeze %dma_start3A_24 : memref<1x128xi32, #tpu.memory_space<vmem>> -> memref<128xi32, #tpu.memory_space<vmem>>
    %dma_start3A_26 = arith.constant 0 : i32
    %dma_start3A_27 = arith.constant 0 : i32
    %dma_start3A_28 = tpu.memref_slice %arg6[%dma_start3A_26, %dma_start3A_27] : memref<10240x16xf32, #tpu.memory_space<hbm>> -> memref<10240x16xf32, #tpu.memory_space<hbm>>
    tpu.enqueue_indirect_dma source(%dma_start3A_28 : memref<10240x16xf32, #tpu.memory_space<hbm>>) target(%arg14 : memref<128x16xf32, #tpu.memory_space<vmem>>) offsets(%dma_start3A_25 : memref<128xi32, #tpu.memory_space<vmem>>) semaphore(%arg20 : memref<!tpu.dma_semaphore, #tpu.memory_space<semaphore_mem>>)
    %dma_start3A_29 = arith.constant 3 : i32
    %dma_start3A_30 = arith.constant 0 : i32
    %dma_start3A_31 = tpu.memref_slice %arg8[%dma_start3A_29, %dma_start3A_30] : memref<78x128xi32, #tpu.memory_space<vmem>> -> memref<1x128xi32, #tpu.memory_space<vmem>>
    %dma_start3A_32 = tpu.memref_squeeze %dma_start3A_31 : memref<1x128xi32, #tpu.memory_space<vmem>> -> memref<128xi32, #tpu.memory_space<vmem>>
    %dma_start3A_33 = arith.constant 0 : i32
    %dma_start3A_34 = arith.constant 0 : i32
    %dma_start3A_35 = tpu.memref_slice %arg6[%dma_start3A_33, %dma_start3A_34] : memref<10240x16xf32, #tpu.memory_space<hbm>> -> memref<10240x16xf32, #tpu.memory_space<hbm>>
    tpu.enqueue_indirect_dma source(%dma_start3A_35 : memref<10240x16xf32, #tpu.memory_space<hbm>>) target(%arg15 : memref<128x16xf32, #tpu.memory_space<vmem>>) offsets(%dma_start3A_32 : memref<128xi32, #tpu.memory_space<vmem>>) semaphore(%arg20 : memref<!tpu.dma_semaphore, #tpu.memory_space<semaphore_mem>>)
    %scan3A_36 = arith.constant 0 : i32
    %scan3A_37 = arith.constant 0 : i32
    %scan3A_38 = arith.constant 18 : i32
    %scan3A_39 = arith.addi %scan3A_37, %scan3A_38 : i32
    %scan3A_40 = arith.constant 1 : i32
    scf.for %scan3A_109 = %scan3A_37 to %scan3A_39 step %scan3A_40  : i32 {
      %mul3A_110 = arith.constant 2 : i32
      %mul3A_111 = arith.muli %mul3A_110, %scan3A_109 : i32
      %mul3A_112 = arith.constant 2 : i32
      %mul3A_113 = arith.muli %mul3A_112, %mul3A_111 : i32
      %dma_wait3A_114 = arith.constant 0 : i32
      %dma_wait3A_115 = tpu.memref_slice %arg8[%mul3A_113, %dma_wait3A_114] : memref<78x128xi32, #tpu.memory_space<vmem>> -> memref<1x128xi32, #tpu.memory_space<vmem>>
      %dma_wait3A_116 = tpu.memref_squeeze %dma_wait3A_115 : memref<1x128xi32, #tpu.memory_space<vmem>> -> memref<128xi32, #tpu.memory_space<vmem>>
      %dma_wait3A_117 = arith.constant 0 : i32
      %dma_wait3A_118 = arith.constant 0 : i32
      %dma_wait3A_119 = tpu.memref_slice %arg6[%dma_wait3A_117, %dma_wait3A_118] : memref<10240x16xf32, #tpu.memory_space<hbm>> -> memref<10240x16xf32, #tpu.memory_space<hbm>>
      tpu.wait_indirect_dma semaphore(%arg19 : memref<!tpu.dma_semaphore, #tpu.memory_space<semaphore_mem>>) src(%dma_wait3A_119 : memref<10240x16xf32, #tpu.memory_space<hbm>>) dst(%arg12 : memref<128x16xf32, #tpu.memory_space<vmem>>)
      %mul3A_120 = arith.constant 2 : i32
      %mul3A_121 = arith.muli %mul3A_120, %mul3A_111 : i32
      %add3A_122 = arith.constant 1 : i32
      %add3A_123 = arith.addi %mul3A_121, %add3A_122 : i32
      %dma_wait3A_124 = arith.constant 0 : i32
      %dma_wait3A_125 = tpu.memref_slice %arg8[%add3A_123, %dma_wait3A_124] : memref<78x128xi32, #tpu.memory_space<vmem>> -> memref<1x128xi32, #tpu.memory_space<vmem>>
      %dma_wait3A_126 = tpu.memref_squeeze %dma_wait3A_125 : memref<1x128xi32, #tpu.memory_space<vmem>> -> memref<128xi32, #tpu.memory_space<vmem>>
      %dma_wait3A_127 = arith.constant 0 : i32
      %dma_wait3A_128 = arith.constant 0 : i32
      %dma_wait3A_129 = tpu.memref_slice %arg6[%dma_wait3A_127, %dma_wait3A_128] : memref<10240x16xf32, #tpu.memory_space<hbm>> -> memref<10240x16xf32, #tpu.memory_space<hbm>>
      tpu.wait_indirect_dma semaphore(%arg19 : memref<!tpu.dma_semaphore, #tpu.memory_space<semaphore_mem>>) src(%dma_wait3A_129 : memref<10240x16xf32, #tpu.memory_space<hbm>>) dst(%arg13 : memref<128x16xf32, #tpu.memory_space<vmem>>)
      %mul3A_130 = arith.constant 2 : i32
      %mul3A_131 = arith.muli %mul3A_130, %mul3A_111 : i32
      "tpu.region"() ({
        %run_scoped3A_202 = tpu.sem_alloc : memref<!tpu.dma_semaphore, #tpu.memory_space<semaphore_mem>>
        %dma_start3A_203 = arith.constant 0 : i32
        %dma_start3A_204 = tpu.memref_slice %arg9[%mul3A_131, %dma_start3A_203] : memref<78x128xi32, #tpu.memory_space<vmem>> -> memref<1x128xi32, #tpu.memory_space<vmem>>
        %dma_start3A_205 = tpu.memref_squeeze %dma_start3A_204 : memref<1x128xi32, #tpu.memory_space<vmem>> -> memref<128xi32, #tpu.memory_space<vmem>>
        %dma_start3A_206 = arith.constant 0 : i32
        %dma_start3A_207 = arith.constant 0 : i32
        %dma_start3A_208 = tpu.memref_slice %arg18[%dma_start3A_206, %dma_start3A_207] : memref<10240x16xf32, #tpu.memory_space<vmem_shared>> -> memref<10240x16xf32, #tpu.memory_space<vmem_shared>>
        tpu.enqueue_indirect_dma source(%arg12 : memref<128x16xf32, #tpu.memory_space<vmem>>) target(%dma_start3A_208 : memref<10240x16xf32, #tpu.memory_space<vmem_shared>>) offsets(%dma_start3A_205 : memref<128xi32, #tpu.memory_space<vmem>>) semaphore(%run_scoped3A_202 : memref<!tpu.dma_semaphore, #tpu.memory_space<semaphore_mem>>) {add = true}
        %dma_wait3A_209 = arith.constant 0 : i32
        %dma_wait3A_210 = tpu.memref_slice %arg9[%mul3A_131, %dma_wait3A_209] : memref<78x128xi32, #tpu.memory_space<vmem>> -> memref<1x128xi32, #tpu.memory_space<vmem>>
        %dma_wait3A_211 = tpu.memref_squeeze %dma_wait3A_210 : memref<1x128xi32, #tpu.memory_space<vmem>> -> memref<128xi32, #tpu.memory_space<vmem>>
        %dma_wait3A_212 = arith.constant 0 : i32
        %dma_wait3A_213 = arith.constant 0 : i32
        %dma_wait3A_214 = tpu.memref_slice %arg18[%dma_wait3A_212, %dma_wait3A_213] : memref<10240x16xf32, #tpu.memory_space<vmem_shared>> -> memref<10240x16xf32, #tpu.memory_space<vmem_shared>>
        tpu.wait_indirect_dma semaphore(%run_scoped3A_202 : memref<!tpu.dma_semaphore, #tpu.memory_space<semaphore_mem>>) src(%arg12 : memref<128x16xf32, #tpu.memory_space<vmem>>) dst(%dma_wait3A_214 : memref<10240x16xf32, #tpu.memory_space<vmem_shared>>)
        tpu.yield
      }) : () -> ()
      %mul3A_132 = arith.constant 2 : i32
      %mul3A_133 = arith.muli %mul3A_132, %mul3A_111 : i32
      %add3A_134 = arith.constant 1 : i32
      %add3A_135 = arith.addi %mul3A_133, %add3A_134 : i32
      "tpu.region"() ({
        %run_scoped3A_202 = tpu.sem_alloc : memref<!tpu.dma_semaphore, #tpu.memory_space<semaphore_mem>>
        %dma_start3A_203 = arith.constant 0 : i32
        %dma_start3A_204 = tpu.memref_slice %arg9[%add3A_135, %dma_start3A_203] : memref<78x128xi32, #tpu.memory_space<vmem>> -> memref<1x128xi32, #tpu.memory_space<vmem>>
        %dma_start3A_205 = tpu.memref_squeeze %dma_start3A_204 : memref<1x128xi32, #tpu.memory_space<vmem>> -> memref<128xi32, #tpu.memory_space<vmem>>
        %dma_start3A_206 = arith.constant 0 : i32
        %dma_start3A_207 = arith.constant 0 : i32
        %dma_start3A_208 = tpu.memref_slice %arg18[%dma_start3A_206, %dma_start3A_207] : memref<10240x16xf32, #tpu.memory_space<vmem_shared>> -> memref<10240x16xf32, #tpu.memory_space<vmem_shared>>
        tpu.enqueue_indirect_dma source(%arg13 : memref<128x16xf32, #tpu.memory_space<vmem>>) target(%dma_start3A_208 : memref<10240x16xf32, #tpu.memory_space<vmem_shared>>) offsets(%dma_start3A_205 : memref<128xi32, #tpu.memory_space<vmem>>) semaphore(%run_scoped3A_202 : memref<!tpu.dma_semaphore, #tpu.memory_space<semaphore_mem>>) {add = true}
        %dma_wait3A_209 = arith.constant 0 : i32
        %dma_wait3A_210 = tpu.memref_slice %arg9[%add3A_135, %dma_wait3A_209] : memref<78x128xi32, #tpu.memory_space<vmem>> -> memref<1x128xi32, #tpu.memory_space<vmem>>
        %dma_wait3A_211 = tpu.memref_squeeze %dma_wait3A_210 : memref<1x128xi32, #tpu.memory_space<vmem>> -> memref<128xi32, #tpu.memory_space<vmem>>
        %dma_wait3A_212 = arith.constant 0 : i32
        %dma_wait3A_213 = arith.constant 0 : i32
        %dma_wait3A_214 = tpu.memref_slice %arg18[%dma_wait3A_212, %dma_wait3A_213] : memref<10240x16xf32, #tpu.memory_space<vmem_shared>> -> memref<10240x16xf32, #tpu.memory_space<vmem_shared>>
        tpu.wait_indirect_dma semaphore(%run_scoped3A_202 : memref<!tpu.dma_semaphore, #tpu.memory_space<semaphore_mem>>) src(%arg13 : memref<128x16xf32, #tpu.memory_space<vmem>>) dst(%dma_wait3A_214 : memref<10240x16xf32, #tpu.memory_space<vmem_shared>>)
        tpu.yield
      }) : () -> ()
      %add3A_136 = arith.constant 2 : i32
      %add3A_137 = arith.addi %mul3A_111, %add3A_136 : i32
      %mul3A_138 = arith.constant 2 : i32
      %mul3A_139 = arith.muli %mul3A_138, %add3A_137 : i32
      %dma_start3A_140 = arith.constant 0 : i32
      %dma_start3A_141 = tpu.memref_slice %arg8[%mul3A_139, %dma_start3A_140] : memref<78x128xi32, #tpu.memory_space<vmem>> -> memref<1x128xi32, #tpu.memory_space<vmem>>
      %dma_start3A_142 = tpu.memref_squeeze %dma_start3A_141 : memref<1x128xi32, #tpu.memory_space<vmem>> -> memref<128xi32, #tpu.memory_space<vmem>>
      %dma_start3A_143 = arith.constant 0 : i32
      %dma_start3A_144 = arith.constant 0 : i32
      %dma_start3A_145 = tpu.memref_slice %arg6[%dma_start3A_143, %dma_start3A_144] : memref<10240x16xf32, #tpu.memory_space<hbm>> -> memref<10240x16xf32, #tpu.memory_space<hbm>>
      tpu.enqueue_indirect_dma source(%dma_start3A_145 : memref<10240x16xf32, #tpu.memory_space<hbm>>) target(%arg12 : memref<128x16xf32, #tpu.memory_space<vmem>>) offsets(%dma_start3A_142 : memref<128xi32, #tpu.memory_space<vmem>>) semaphore(%arg19 : memref<!tpu.dma_semaphore, #tpu.memory_space<semaphore_mem>>)
      %mul3A_146 = arith.constant 2 : i32
      %mul3A_147 = arith.muli %mul3A_146, %add3A_137 : i32
      %add3A_148 = arith.constant 1 : i32
      %add3A_149 = arith.addi %mul3A_147, %add3A_148 : i32
      %dma_start3A_150 = arith.constant 0 : i32
      %dma_start3A_151 = tpu.memref_slice %arg8[%add3A_149, %dma_start3A_150] : memref<78x128xi32, #tpu.memory_space<vmem>> -> memref<1x128xi32, #tpu.memory_space<vmem>>
      %dma_start3A_152 = tpu.memref_squeeze %dma_start3A_151 : memref<1x128xi32, #tpu.memory_space<vmem>> -> memref<128xi32, #tpu.memory_space<vmem>>
      %dma_start3A_153 = arith.constant 0 : i32
      %dma_start3A_154 = arith.constant 0 : i32
      %dma_start3A_155 = tpu.memref_slice %arg6[%dma_start3A_153, %dma_start3A_154] : memref<10240x16xf32, #tpu.memory_space<hbm>> -> memref<10240x16xf32, #tpu.memory_space<hbm>>
      tpu.enqueue_indirect_dma source(%dma_start3A_155 : memref<10240x16xf32, #tpu.memory_space<hbm>>) target(%arg13 : memref<128x16xf32, #tpu.memory_space<vmem>>) offsets(%dma_start3A_152 : memref<128xi32, #tpu.memory_space<vmem>>) semaphore(%arg19 : memref<!tpu.dma_semaphore, #tpu.memory_space<semaphore_mem>>)
      %add3A_156 = arith.constant 1 : i32
      %add3A_157 = arith.addi %mul3A_111, %add3A_156 : i32
      %mul3A_158 = arith.constant 2 : i32
      %mul3A_159 = arith.muli %mul3A_158, %add3A_157 : i32
      %dma_wait3A_160 = arith.constant 0 : i32
      %dma_wait3A_161 = tpu.memref_slice %arg8[%mul3A_159, %dma_wait3A_160] : memref<78x128xi32, #tpu.memory_space<vmem>> -> memref<1x128xi32, #tpu.memory_space<vmem>>
      %dma_wait3A_162 = tpu.memref_squeeze %dma_wait3A_161 : memref<1x128xi32, #tpu.memory_space<vmem>> -> memref<128xi32, #tpu.memory_space<vmem>>
      %dma_wait3A_163 = arith.constant 0 : i32
      %dma_wait3A_164 = arith.constant 0 : i32
      %dma_wait3A_165 = tpu.memref_slice %arg6[%dma_wait3A_163, %dma_wait3A_164] : memref<10240x16xf32, #tpu.memory_space<hbm>> -> memref<10240x16xf32, #tpu.memory_space<hbm>>
      tpu.wait_indirect_dma semaphore(%arg20 : memref<!tpu.dma_semaphore, #tpu.memory_space<semaphore_mem>>) src(%dma_wait3A_165 : memref<10240x16xf32, #tpu.memory_space<hbm>>) dst(%arg14 : memref<128x16xf32, #tpu.memory_space<vmem>>)
      %mul3A_166 = arith.constant 2 : i32
      %mul3A_167 = arith.muli %mul3A_166, %add3A_157 : i32
      %add3A_168 = arith.constant 1 : i32
      %add3A_169 = arith.addi %mul3A_167, %add3A_168 : i32
      %dma_wait3A_170 = arith.constant 0 : i32
      %dma_wait3A_171 = tpu.memref_slice %arg8[%add3A_169, %dma_wait3A_170] : memref<78x128xi32, #tpu.memory_space<vmem>> -> memref<1x128xi32, #tpu.memory_space<vmem>>
      %dma_wait3A_172 = tpu.memref_squeeze %dma_wait3A_171 : memref<1x128xi32, #tpu.memory_space<vmem>> -> memref<128xi32, #tpu.memory_space<vmem>>
      %dma_wait3A_173 = arith.constant 0 : i32
      %dma_wait3A_174 = arith.constant 0 : i32
      %dma_wait3A_175 = tpu.memref_slice %arg6[%dma_wait3A_173, %dma_wait3A_174] : memref<10240x16xf32, #tpu.memory_space<hbm>> -> memref<10240x16xf32, #tpu.memory_space<hbm>>
      tpu.wait_indirect_dma semaphore(%arg20 : memref<!tpu.dma_semaphore, #tpu.memory_space<semaphore_mem>>) src(%dma_wait3A_175 : memref<10240x16xf32, #tpu.memory_space<hbm>>) dst(%arg15 : memref<128x16xf32, #tpu.memory_space<vmem>>)
      %mul3A_176 = arith.constant 2 : i32
      %mul3A_177 = arith.muli %mul3A_176, %add3A_157 : i32
      "tpu.region"() ({
        %run_scoped3A_202 = tpu.sem_alloc : memref<!tpu.dma_semaphore, #tpu.memory_space<semaphore_mem>>
        %dma_start3A_203 = arith.constant 0 : i32
        %dma_start3A_204 = tpu.memref_slice %arg9[%mul3A_177, %dma_start3A_203] : memref<78x128xi32, #tpu.memory_space<vmem>> -> memref<1x128xi32, #tpu.memory_space<vmem>>
        %dma_start3A_205 = tpu.memref_squeeze %dma_start3A_204 : memref<1x128xi32, #tpu.memory_space<vmem>> -> memref<128xi32, #tpu.memory_space<vmem>>
        %dma_start3A_206 = arith.constant 0 : i32
        %dma_start3A_207 = arith.constant 0 : i32
        %dma_start3A_208 = tpu.memref_slice %arg18[%dma_start3A_206, %dma_start3A_207] : memref<10240x16xf32, #tpu.memory_space<vmem_shared>> -> memref<10240x16xf32, #tpu.memory_space<vmem_shared>>
        tpu.enqueue_indirect_dma source(%arg14 : memref<128x16xf32, #tpu.memory_space<vmem>>) target(%dma_start3A_208 : memref<10240x16xf32, #tpu.memory_space<vmem_shared>>) offsets(%dma_start3A_205 : memref<128xi32, #tpu.memory_space<vmem>>) semaphore(%run_scoped3A_202 : memref<!tpu.dma_semaphore, #tpu.memory_space<semaphore_mem>>) {add = true}
        %dma_wait3A_209 = arith.constant 0 : i32
        %dma_wait3A_210 = tpu.memref_slice %arg9[%mul3A_177, %dma_wait3A_209] : memref<78x128xi32, #tpu.memory_space<vmem>> -> memref<1x128xi32, #tpu.memory_space<vmem>>
        %dma_wait3A_211 = tpu.memref_squeeze %dma_wait3A_210 : memref<1x128xi32, #tpu.memory_space<vmem>> -> memref<128xi32, #tpu.memory_space<vmem>>
        %dma_wait3A_212 = arith.constant 0 : i32
        %dma_wait3A_213 = arith.constant 0 : i32
        %dma_wait3A_214 = tpu.memref_slice %arg18[%dma_wait3A_212, %dma_wait3A_213] : memref<10240x16xf32, #tpu.memory_space<vmem_shared>> -> memref<10240x16xf32, #tpu.memory_space<vmem_shared>>
        tpu.wait_indirect_dma semaphore(%run_scoped3A_202 : memref<!tpu.dma_semaphore, #tpu.memory_space<semaphore_mem>>) src(%arg14 : memref<128x16xf32, #tpu.memory_space<vmem>>) dst(%dma_wait3A_214 : memref<10240x16xf32, #tpu.memory_space<vmem_shared>>)
        tpu.yield
      }) : () -> ()
      %mul3A_178 = arith.constant 2 : i32
      %mul3A_179 = arith.muli %mul3A_178, %add3A_157 : i32
      %add3A_180 = arith.constant 1 : i32
      %add3A_181 = arith.addi %mul3A_179, %add3A_180 : i32
      "tpu.region"() ({
        %run_scoped3A_202 = tpu.sem_alloc : memref<!tpu.dma_semaphore, #tpu.memory_space<semaphore_mem>>
        %dma_start3A_203 = arith.constant 0 : i32
        %dma_start3A_204 = tpu.memref_slice %arg9[%add3A_181, %dma_start3A_203] : memref<78x128xi32, #tpu.memory_space<vmem>> -> memref<1x128xi32, #tpu.memory_space<vmem>>
        %dma_start3A_205 = tpu.memref_squeeze %dma_start3A_204 : memref<1x128xi32, #tpu.memory_space<vmem>> -> memref<128xi32, #tpu.memory_space<vmem>>
        %dma_start3A_206 = arith.constant 0 : i32
        %dma_start3A_207 = arith.constant 0 : i32
        %dma_start3A_208 = tpu.memref_slice %arg18[%dma_start3A_206, %dma_start3A_207] : memref<10240x16xf32, #tpu.memory_space<vmem_shared>> -> memref<10240x16xf32, #tpu.memory_space<vmem_shared>>
        tpu.enqueue_indirect_dma source(%arg15 : memref<128x16xf32, #tpu.memory_space<vmem>>) target(%dma_start3A_208 : memref<10240x16xf32, #tpu.memory_space<vmem_shared>>) offsets(%dma_start3A_205 : memref<128xi32, #tpu.memory_space<vmem>>) semaphore(%run_scoped3A_202 : memref<!tpu.dma_semaphore, #tpu.memory_space<semaphore_mem>>) {add = true}
        %dma_wait3A_209 = arith.constant 0 : i32
        %dma_wait3A_210 = tpu.memref_slice %arg9[%add3A_181, %dma_wait3A_209] : memref<78x128xi32, #tpu.memory_space<vmem>> -> memref<1x128xi32, #tpu.memory_space<vmem>>
        %dma_wait3A_211 = tpu.memref_squeeze %dma_wait3A_210 : memref<1x128xi32, #tpu.memory_space<vmem>> -> memref<128xi32, #tpu.memory_space<vmem>>
        %dma_wait3A_212 = arith.constant 0 : i32
        %dma_wait3A_213 = arith.constant 0 : i32
        %dma_wait3A_214 = tpu.memref_slice %arg18[%dma_wait3A_212, %dma_wait3A_213] : memref<10240x16xf32, #tpu.memory_space<vmem_shared>> -> memref<10240x16xf32, #tpu.memory_space<vmem_shared>>
        tpu.wait_indirect_dma semaphore(%run_scoped3A_202 : memref<!tpu.dma_semaphore, #tpu.memory_space<semaphore_mem>>) src(%arg15 : memref<128x16xf32, #tpu.memory_space<vmem>>) dst(%dma_wait3A_214 : memref<10240x16xf32, #tpu.memory_space<vmem_shared>>)
        tpu.yield
      }) : () -> ()
      %add3A_182 = arith.constant 3 : i32
      %add3A_183 = arith.addi %mul3A_111, %add3A_182 : i32
      %mul3A_184 = arith.constant 2 : i32
      %mul3A_185 = arith.muli %mul3A_184, %add3A_183 : i32
      %dma_start3A_186 = arith.constant 0 : i32
      %dma_start3A_187 = tpu.memref_slice %arg8[%mul3A_185, %dma_start3A_186] : memref<78x128xi32, #tpu.memory_space<vmem>> -> memref<1x128xi32, #tpu.memory_space<vmem>>
      %dma_start3A_188 = tpu.memref_squeeze %dma_start3A_187 : memref<1x128xi32, #tpu.memory_space<vmem>> -> memref<128xi32, #tpu.memory_space<vmem>>
      %dma_start3A_189 = arith.constant 0 : i32
      %dma_start3A_190 = arith.constant 0 : i32
      %dma_start3A_191 = tpu.memref_slice %arg6[%dma_start3A_189, %dma_start3A_190] : memref<10240x16xf32, #tpu.memory_space<hbm>> -> memref<10240x16xf32, #tpu.memory_space<hbm>>
      tpu.enqueue_indirect_dma source(%dma_start3A_191 : memref<10240x16xf32, #tpu.memory_space<hbm>>) target(%arg14 : memref<128x16xf32, #tpu.memory_space<vmem>>) offsets(%dma_start3A_188 : memref<128xi32, #tpu.memory_space<vmem>>) semaphore(%arg20 : memref<!tpu.dma_semaphore, #tpu.memory_space<semaphore_mem>>)
      %mul3A_192 = arith.constant 2 : i32
      %mul3A_193 = arith.muli %mul3A_192, %add3A_183 : i32
      %add3A_194 = arith.constant 1 : i32
      %add3A_195 = arith.addi %mul3A_193, %add3A_194 : i32
      %dma_start3A_196 = arith.constant 0 : i32
      %dma_start3A_197 = tpu.memref_slice %arg8[%add3A_195, %dma_start3A_196] : memref<78x128xi32, #tpu.memory_space<vmem>> -> memref<1x128xi32, #tpu.memory_space<vmem>>
      %dma_start3A_198 = tpu.memref_squeeze %dma_start3A_197 : memref<1x128xi32, #tpu.memory_space<vmem>> -> memref<128xi32, #tpu.memory_space<vmem>>
      %dma_start3A_199 = arith.constant 0 : i32
      %dma_start3A_200 = arith.constant 0 : i32
      %dma_start3A_201 = tpu.memref_slice %arg6[%dma_start3A_199, %dma_start3A_200] : memref<10240x16xf32, #tpu.memory_space<hbm>> -> memref<10240x16xf32, #tpu.memory_space<hbm>>
      tpu.enqueue_indirect_dma source(%dma_start3A_201 : memref<10240x16xf32, #tpu.memory_space<hbm>>) target(%arg15 : memref<128x16xf32, #tpu.memory_space<vmem>>) offsets(%dma_start3A_198 : memref<128xi32, #tpu.memory_space<vmem>>) semaphore(%arg20 : memref<!tpu.dma_semaphore, #tpu.memory_space<semaphore_mem>>)
    }
    %scan3A_41 = arith.constant 18 : i32
    %dma_wait3A = arith.constant 72 : i32
    %dma_wait3A_42 = arith.constant 0 : i32
    %dma_wait3A_43 = tpu.memref_slice %arg8[%dma_wait3A, %dma_wait3A_42] : memref<78x128xi32, #tpu.memory_space<vmem>> -> memref<1x128xi32, #tpu.memory_space<vmem>>
    %dma_wait3A_44 = tpu.memref_squeeze %dma_wait3A_43 : memref<1x128xi32, #tpu.memory_space<vmem>> -> memref<128xi32, #tpu.memory_space<vmem>>
    %dma_wait3A_45 = arith.constant 0 : i32
    %dma_wait3A_46 = arith.constant 0 : i32
    %dma_wait3A_47 = tpu.memref_slice %arg6[%dma_wait3A_45, %dma_wait3A_46] : memref<10240x16xf32, #tpu.memory_space<hbm>> -> memref<10240x16xf32, #tpu.memory_space<hbm>>
    tpu.wait_indirect_dma semaphore(%arg19 : memref<!tpu.dma_semaphore, #tpu.memory_space<semaphore_mem>>) src(%dma_wait3A_47 : memref<10240x16xf32, #tpu.memory_space<hbm>>) dst(%arg12 : memref<128x16xf32, #tpu.memory_space<vmem>>)
    %dma_wait3A_48 = arith.constant 73 : i32
    %dma_wait3A_49 = arith.constant 0 : i32
    %dma_wait3A_50 = tpu.memref_slice %arg8[%dma_wait3A_48, %dma_wait3A_49] : memref<78x128xi32, #tpu.memory_space<vmem>> -> memref<1x128xi32, #tpu.memory_space<vmem>>
    %dma_wait3A_51 = tpu.memref_squeeze %dma_wait3A_50 : memref<1x128xi32, #tpu.memory_space<vmem>> -> memref<128xi32, #tpu.memory_space<vmem>>
    %dma_wait3A_52 = arith.constant 0 : i32
    %dma_wait3A_53 = arith.constant 0 : i32
    %dma_wait3A_54 = tpu.memref_slice %arg6[%dma_wait3A_52, %dma_wait3A_53] : memref<10240x16xf32, #tpu.memory_space<hbm>> -> memref<10240x16xf32, #tpu.memory_space<hbm>>
    tpu.wait_indirect_dma semaphore(%arg19 : memref<!tpu.dma_semaphore, #tpu.memory_space<semaphore_mem>>) src(%dma_wait3A_54 : memref<10240x16xf32, #tpu.memory_space<hbm>>) dst(%arg13 : memref<128x16xf32, #tpu.memory_space<vmem>>)
    %run_scoped3A = arith.constant 72 : i32
    "tpu.region"() ({
      %run_scoped3A_109 = tpu.sem_alloc : memref<!tpu.dma_semaphore, #tpu.memory_space<semaphore_mem>>
      %dma_start3A_110 = arith.constant 0 : i32
      %dma_start3A_111 = tpu.memref_slice %arg9[%run_scoped3A, %dma_start3A_110] : memref<78x128xi32, #tpu.memory_space<vmem>> -> memref<1x128xi32, #tpu.memory_space<vmem>>
      %dma_start3A_112 = tpu.memref_squeeze %dma_start3A_111 : memref<1x128xi32, #tpu.memory_space<vmem>> -> memref<128xi32, #tpu.memory_space<vmem>>
      %dma_start3A_113 = arith.constant 0 : i32
      %dma_start3A_114 = arith.constant 0 : i32
      %dma_start3A_115 = tpu.memref_slice %arg18[%dma_start3A_113, %dma_start3A_114] : memref<10240x16xf32, #tpu.memory_space<vmem_shared>> -> memref<10240x16xf32, #tpu.memory_space<vmem_shared>>
      tpu.enqueue_indirect_dma source(%arg12 : memref<128x16xf32, #tpu.memory_space<vmem>>) target(%dma_start3A_115 : memref<10240x16xf32, #tpu.memory_space<vmem_shared>>) offsets(%dma_start3A_112 : memref<128xi32, #tpu.memory_space<vmem>>) semaphore(%run_scoped3A_109 : memref<!tpu.dma_semaphore, #tpu.memory_space<semaphore_mem>>) {add = true}
      %dma_wait3A_116 = arith.constant 0 : i32
      %dma_wait3A_117 = tpu.memref_slice %arg9[%run_scoped3A, %dma_wait3A_116] : memref<78x128xi32, #tpu.memory_space<vmem>> -> memref<1x128xi32, #tpu.memory_space<vmem>>
      %dma_wait3A_118 = tpu.memref_squeeze %dma_wait3A_117 : memref<1x128xi32, #tpu.memory_space<vmem>> -> memref<128xi32, #tpu.memory_space<vmem>>
      %dma_wait3A_119 = arith.constant 0 : i32
      %dma_wait3A_120 = arith.constant 0 : i32
      %dma_wait3A_121 = tpu.memref_slice %arg18[%dma_wait3A_119, %dma_wait3A_120] : memref<10240x16xf32, #tpu.memory_space<vmem_shared>> -> memref<10240x16xf32, #tpu.memory_space<vmem_shared>>
      tpu.wait_indirect_dma semaphore(%run_scoped3A_109 : memref<!tpu.dma_semaphore, #tpu.memory_space<semaphore_mem>>) src(%arg12 : memref<128x16xf32, #tpu.memory_space<vmem>>) dst(%dma_wait3A_121 : memref<10240x16xf32, #tpu.memory_space<vmem_shared>>)
      tpu.yield
    }) : () -> ()
    %run_scoped3A_55 = arith.constant 73 : i32
    "tpu.region"() ({
      %run_scoped3A_109 = tpu.sem_alloc : memref<!tpu.dma_semaphore, #tpu.memory_space<semaphore_mem>>
      %dma_start3A_110 = arith.constant 0 : i32
      %dma_start3A_111 = tpu.memref_slice %arg9[%run_scoped3A_55, %dma_start3A_110] : memref<78x128xi32, #tpu.memory_space<vmem>> -> memref<1x128xi32, #tpu.memory_space<vmem>>
      %dma_start3A_112 = tpu.memref_squeeze %dma_start3A_111 : memref<1x128xi32, #tpu.memory_space<vmem>> -> memref<128xi32, #tpu.memory_space<vmem>>
      %dma_start3A_113 = arith.constant 0 : i32
      %dma_start3A_114 = arith.constant 0 : i32
      %dma_start3A_115 = tpu.memref_slice %arg18[%dma_start3A_113, %dma_start3A_114] : memref<10240x16xf32, #tpu.memory_space<vmem_shared>> -> memref<10240x16xf32, #tpu.memory_space<vmem_shared>>
      tpu.enqueue_indirect_dma source(%arg13 : memref<128x16xf32, #tpu.memory_space<vmem>>) target(%dma_start3A_115 : memref<10240x16xf32, #tpu.memory_space<vmem_shared>>) offsets(%dma_start3A_112 : memref<128xi32, #tpu.memory_space<vmem>>) semaphore(%run_scoped3A_109 : memref<!tpu.dma_semaphore, #tpu.memory_space<semaphore_mem>>) {add = true}
      %dma_wait3A_116 = arith.constant 0 : i32
      %dma_wait3A_117 = tpu.memref_slice %arg9[%run_scoped3A_55, %dma_wait3A_116] : memref<78x128xi32, #tpu.memory_space<vmem>> -> memref<1x128xi32, #tpu.memory_space<vmem>>
      %dma_wait3A_118 = tpu.memref_squeeze %dma_wait3A_117 : memref<1x128xi32, #tpu.memory_space<vmem>> -> memref<128xi32, #tpu.memory_space<vmem>>
      %dma_wait3A_119 = arith.constant 0 : i32
      %dma_wait3A_120 = arith.constant 0 : i32
      %dma_wait3A_121 = tpu.memref_slice %arg18[%dma_wait3A_119, %dma_wait3A_120] : memref<10240x16xf32, #tpu.memory_space<vmem_shared>> -> memref<10240x16xf32, #tpu.memory_space<vmem_shared>>
      tpu.wait_indirect_dma semaphore(%run_scoped3A_109 : memref<!tpu.dma_semaphore, #tpu.memory_space<semaphore_mem>>) src(%arg13 : memref<128x16xf32, #tpu.memory_space<vmem>>) dst(%dma_wait3A_121 : memref<10240x16xf32, #tpu.memory_space<vmem_shared>>)
      tpu.yield
    }) : () -> ()
    %dma_wait3A_56 = arith.constant 74 : i32
    %dma_wait3A_57 = arith.constant 0 : i32
    %dma_wait3A_58 = tpu.memref_slice %arg8[%dma_wait3A_56, %dma_wait3A_57] : memref<78x128xi32, #tpu.memory_space<vmem>> -> memref<1x128xi32, #tpu.memory_space<vmem>>
    %dma_wait3A_59 = tpu.memref_squeeze %dma_wait3A_58 : memref<1x128xi32, #tpu.memory_space<vmem>> -> memref<128xi32, #tpu.memory_space<vmem>>
    %dma_wait3A_60 = arith.constant 0 : i32
    %dma_wait3A_61 = arith.constant 0 : i32
    %dma_wait3A_62 = tpu.memref_slice %arg6[%dma_wait3A_60, %dma_wait3A_61] : memref<10240x16xf32, #tpu.memory_space<hbm>> -> memref<10240x16xf32, #tpu.memory_space<hbm>>
    tpu.wait_indirect_dma semaphore(%arg20 : memref<!tpu.dma_semaphore, #tpu.memory_space<semaphore_mem>>) src(%dma_wait3A_62 : memref<10240x16xf32, #tpu.memory_space<hbm>>) dst(%arg14 : memref<128x16xf32, #tpu.memory_space<vmem>>)
    %dma_wait3A_63 = arith.constant 75 : i32
    %dma_wait3A_64 = arith.constant 0 : i32
    %dma_wait3A_65 = tpu.memref_slice %arg8[%dma_wait3A_63, %dma_wait3A_64] : memref<78x128xi32, #tpu.memory_space<vmem>> -> memref<1x128xi32, #tpu.memory_space<vmem>>
    %dma_wait3A_66 = tpu.memref_squeeze %dma_wait3A_65 : memref<1x128xi32, #tpu.memory_space<vmem>> -> memref<128xi32, #tpu.memory_space<vmem>>
    %dma_wait3A_67 = arith.constant 0 : i32
    %dma_wait3A_68 = arith.constant 0 : i32
    %dma_wait3A_69 = tpu.memref_slice %arg6[%dma_wait3A_67, %dma_wait3A_68] : memref<10240x16xf32, #tpu.memory_space<hbm>> -> memref<10240x16xf32, #tpu.memory_space<hbm>>
    tpu.wait_indirect_dma semaphore(%arg20 : memref<!tpu.dma_semaphore, #tpu.memory_space<semaphore_mem>>) src(%dma_wait3A_69 : memref<10240x16xf32, #tpu.memory_space<hbm>>) dst(%arg15 : memref<128x16xf32, #tpu.memory_space<vmem>>)
    %run_scoped3A_70 = arith.constant 74 : i32
    "tpu.region"() ({
      %run_scoped3A_109 = tpu.sem_alloc : memref<!tpu.dma_semaphore, #tpu.memory_space<semaphore_mem>>
      %dma_start3A_110 = arith.constant 0 : i32
      %dma_start3A_111 = tpu.memref_slice %arg9[%run_scoped3A_70, %dma_start3A_110] : memref<78x128xi32, #tpu.memory_space<vmem>> -> memref<1x128xi32, #tpu.memory_space<vmem>>
      %dma_start3A_112 = tpu.memref_squeeze %dma_start3A_111 : memref<1x128xi32, #tpu.memory_space<vmem>> -> memref<128xi32, #tpu.memory_space<vmem>>
      %dma_start3A_113 = arith.constant 0 : i32
      %dma_start3A_114 = arith.constant 0 : i32
      %dma_start3A_115 = tpu.memref_slice %arg18[%dma_start3A_113, %dma_start3A_114] : memref<10240x16xf32, #tpu.memory_space<vmem_shared>> -> memref<10240x16xf32, #tpu.memory_space<vmem_shared>>
      tpu.enqueue_indirect_dma source(%arg14 : memref<128x16xf32, #tpu.memory_space<vmem>>) target(%dma_start3A_115 : memref<10240x16xf32, #tpu.memory_space<vmem_shared>>) offsets(%dma_start3A_112 : memref<128xi32, #tpu.memory_space<vmem>>) semaphore(%run_scoped3A_109 : memref<!tpu.dma_semaphore, #tpu.memory_space<semaphore_mem>>) {add = true}
      %dma_wait3A_116 = arith.constant 0 : i32
      %dma_wait3A_117 = tpu.memref_slice %arg9[%run_scoped3A_70, %dma_wait3A_116] : memref<78x128xi32, #tpu.memory_space<vmem>> -> memref<1x128xi32, #tpu.memory_space<vmem>>
      %dma_wait3A_118 = tpu.memref_squeeze %dma_wait3A_117 : memref<1x128xi32, #tpu.memory_space<vmem>> -> memref<128xi32, #tpu.memory_space<vmem>>
      %dma_wait3A_119 = arith.constant 0 : i32
      %dma_wait3A_120 = arith.constant 0 : i32
      %dma_wait3A_121 = tpu.memref_slice %arg18[%dma_wait3A_119, %dma_wait3A_120] : memref<10240x16xf32, #tpu.memory_space<vmem_shared>> -> memref<10240x16xf32, #tpu.memory_space<vmem_shared>>
      tpu.wait_indirect_dma semaphore(%run_scoped3A_109 : memref<!tpu.dma_semaphore, #tpu.memory_space<semaphore_mem>>) src(%arg14 : memref<128x16xf32, #tpu.memory_space<vmem>>) dst(%dma_wait3A_121 : memref<10240x16xf32, #tpu.memory_space<vmem_shared>>)
      tpu.yield
    }) : () -> ()
    %run_scoped3A_71 = arith.constant 75 : i32
    "tpu.region"() ({
      %run_scoped3A_109 = tpu.sem_alloc : memref<!tpu.dma_semaphore, #tpu.memory_space<semaphore_mem>>
      %dma_start3A_110 = arith.constant 0 : i32
      %dma_start3A_111 = tpu.memref_slice %arg9[%run_scoped3A_71, %dma_start3A_110] : memref<78x128xi32, #tpu.memory_space<vmem>> -> memref<1x128xi32, #tpu.memory_space<vmem>>
      %dma_start3A_112 = tpu.memref_squeeze %dma_start3A_111 : memref<1x128xi32, #tpu.memory_space<vmem>> -> memref<128xi32, #tpu.memory_space<vmem>>
      %dma_start3A_113 = arith.constant 0 : i32
      %dma_start3A_114 = arith.constant 0 : i32
      %dma_start3A_115 = tpu.memref_slice %arg18[%dma_start3A_113, %dma_start3A_114] : memref<10240x16xf32, #tpu.memory_space<vmem_shared>> -> memref<10240x16xf32, #tpu.memory_space<vmem_shared>>
      tpu.enqueue_indirect_dma source(%arg15 : memref<128x16xf32, #tpu.memory_space<vmem>>) target(%dma_start3A_115 : memref<10240x16xf32, #tpu.memory_space<vmem_shared>>) offsets(%dma_start3A_112 : memref<128xi32, #tpu.memory_space<vmem>>) semaphore(%run_scoped3A_109 : memref<!tpu.dma_semaphore, #tpu.memory_space<semaphore_mem>>) {add = true}
      %dma_wait3A_116 = arith.constant 0 : i32
      %dma_wait3A_117 = tpu.memref_slice %arg9[%run_scoped3A_71, %dma_wait3A_116] : memref<78x128xi32, #tpu.memory_space<vmem>> -> memref<1x128xi32, #tpu.memory_space<vmem>>
      %dma_wait3A_118 = tpu.memref_squeeze %dma_wait3A_117 : memref<1x128xi32, #tpu.memory_space<vmem>> -> memref<128xi32, #tpu.memory_space<vmem>>
      %dma_wait3A_119 = arith.constant 0 : i32
      %dma_wait3A_120 = arith.constant 0 : i32
      %dma_wait3A_121 = tpu.memref_slice %arg18[%dma_wait3A_119, %dma_wait3A_120] : memref<10240x16xf32, #tpu.memory_space<vmem_shared>> -> memref<10240x16xf32, #tpu.memory_space<vmem_shared>>
      tpu.wait_indirect_dma semaphore(%run_scoped3A_109 : memref<!tpu.dma_semaphore, #tpu.memory_space<semaphore_mem>>) src(%arg15 : memref<128x16xf32, #tpu.memory_space<vmem>>) dst(%dma_wait3A_121 : memref<10240x16xf32, #tpu.memory_space<vmem_shared>>)
      tpu.yield
    }) : () -> ()
    %dma_start3A_72 = arith.constant 76 : i32
    %dma_start3A_73 = arith.constant 0 : i32
    %dma_start3A_74 = tpu.memref_slice %arg8[%dma_start3A_72, %dma_start3A_73] : memref<78x128xi32, #tpu.memory_space<vmem>> -> memref<1x128xi32, #tpu.memory_space<vmem>>
    %dma_start3A_75 = tpu.memref_squeeze %dma_start3A_74 : memref<1x128xi32, #tpu.memory_space<vmem>> -> memref<128xi32, #tpu.memory_space<vmem>>
    %dma_start3A_76 = arith.constant 0 : i32
    %dma_start3A_77 = arith.constant 0 : i32
    %dma_start3A_78 = tpu.memref_slice %arg6[%dma_start3A_76, %dma_start3A_77] : memref<10240x16xf32, #tpu.memory_space<hbm>> -> memref<10240x16xf32, #tpu.memory_space<hbm>>
    tpu.enqueue_indirect_dma source(%dma_start3A_78 : memref<10240x16xf32, #tpu.memory_space<hbm>>) target(%arg12 : memref<128x16xf32, #tpu.memory_space<vmem>>) offsets(%dma_start3A_75 : memref<128xi32, #tpu.memory_space<vmem>>) semaphore(%arg19 : memref<!tpu.dma_semaphore, #tpu.memory_space<semaphore_mem>>)
    %dma_wait3A_79 = arith.constant 76 : i32
    %dma_wait3A_80 = arith.constant 0 : i32
    %dma_wait3A_81 = tpu.memref_slice %arg8[%dma_wait3A_79, %dma_wait3A_80] : memref<78x128xi32, #tpu.memory_space<vmem>> -> memref<1x128xi32, #tpu.memory_space<vmem>>
    %dma_wait3A_82 = tpu.memref_squeeze %dma_wait3A_81 : memref<1x128xi32, #tpu.memory_space<vmem>> -> memref<128xi32, #tpu.memory_space<vmem>>
    %dma_wait3A_83 = arith.constant 0 : i32
    %dma_wait3A_84 = arith.constant 0 : i32
    %dma_wait3A_85 = tpu.memref_slice %arg6[%dma_wait3A_83, %dma_wait3A_84] : memref<10240x16xf32, #tpu.memory_space<hbm>> -> memref<10240x16xf32, #tpu.memory_space<hbm>>
    tpu.wait_indirect_dma semaphore(%arg19 : memref<!tpu.dma_semaphore, #tpu.memory_space<semaphore_mem>>) src(%dma_wait3A_85 : memref<10240x16xf32, #tpu.memory_space<hbm>>) dst(%arg12 : memref<128x16xf32, #tpu.memory_space<vmem>>)
    %run_scoped3A_86 = arith.constant 76 : i32
    "tpu.region"() ({
      %run_scoped3A_109 = tpu.sem_alloc : memref<!tpu.dma_semaphore, #tpu.memory_space<semaphore_mem>>
      %dma_start3A_110 = arith.constant 0 : i32
      %dma_start3A_111 = tpu.memref_slice %arg9[%run_scoped3A_86, %dma_start3A_110] : memref<78x128xi32, #tpu.memory_space<vmem>> -> memref<1x128xi32, #tpu.memory_space<vmem>>
      %dma_start3A_112 = tpu.memref_squeeze %dma_start3A_111 : memref<1x128xi32, #tpu.memory_space<vmem>> -> memref<128xi32, #tpu.memory_space<vmem>>
      %dma_start3A_113 = arith.constant 0 : i32
      %dma_start3A_114 = arith.constant 0 : i32
      %dma_start3A_115 = tpu.memref_slice %arg18[%dma_start3A_113, %dma_start3A_114] : memref<10240x16xf32, #tpu.memory_space<vmem_shared>> -> memref<10240x16xf32, #tpu.memory_space<vmem_shared>>
      tpu.enqueue_indirect_dma source(%arg12 : memref<128x16xf32, #tpu.memory_space<vmem>>) target(%dma_start3A_115 : memref<10240x16xf32, #tpu.memory_space<vmem_shared>>) offsets(%dma_start3A_112 : memref<128xi32, #tpu.memory_space<vmem>>) semaphore(%run_scoped3A_109 : memref<!tpu.dma_semaphore, #tpu.memory_space<semaphore_mem>>) {add = true}
      %dma_wait3A_116 = arith.constant 0 : i32
      %dma_wait3A_117 = tpu.memref_slice %arg9[%run_scoped3A_86, %dma_wait3A_116] : memref<78x128xi32, #tpu.memory_space<vmem>> -> memref<1x128xi32, #tpu.memory_space<vmem>>
      %dma_wait3A_118 = tpu.memref_squeeze %dma_wait3A_117 : memref<1x128xi32, #tpu.memory_space<vmem>> -> memref<128xi32, #tpu.memory_space<vmem>>
      %dma_wait3A_119 = arith.constant 0 : i32
      %dma_wait3A_120 = arith.constant 0 : i32
      %dma_wait3A_121 = tpu.memref_slice %arg18[%dma_wait3A_119, %dma_wait3A_120] : memref<10240x16xf32, #tpu.memory_space<vmem_shared>> -> memref<10240x16xf32, #tpu.memory_space<vmem_shared>>
      tpu.wait_indirect_dma semaphore(%run_scoped3A_109 : memref<!tpu.dma_semaphore, #tpu.memory_space<semaphore_mem>>) src(%arg12 : memref<128x16xf32, #tpu.memory_space<vmem>>) dst(%dma_wait3A_121 : memref<10240x16xf32, #tpu.memory_space<vmem_shared>>)
      tpu.yield
    }) : () -> ()
    %dma_start3A_87 = arith.constant 77 : i32
    %dma_start3A_88 = arith.constant 0 : i32
    %dma_start3A_89 = tpu.memref_slice %arg8[%dma_start3A_87, %dma_start3A_88] : memref<78x128xi32, #tpu.memory_space<vmem>> -> memref<1x128xi32, #tpu.memory_space<vmem>>
    %dma_start3A_90 = tpu.memref_squeeze %dma_start3A_89 : memref<1x128xi32, #tpu.memory_space<vmem>> -> memref<128xi32, #tpu.memory_space<vmem>>
    %dma_start3A_91 = arith.constant 0 : i32
    %dma_start3A_92 = arith.constant 0 : i32
    %dma_start3A_93 = tpu.memref_slice %arg6[%dma_start3A_91, %dma_start3A_92] : memref<10240x16xf32, #tpu.memory_space<hbm>> -> memref<10240x16xf32, #tpu.memory_space<hbm>>
    tpu.enqueue_indirect_dma source(%dma_start3A_93 : memref<10240x16xf32, #tpu.memory_space<hbm>>) target(%arg13 : memref<128x16xf32, #tpu.memory_space<vmem>>) offsets(%dma_start3A_90 : memref<128xi32, #tpu.memory_space<vmem>>) semaphore(%arg19 : memref<!tpu.dma_semaphore, #tpu.memory_space<semaphore_mem>>)
    %dma_wait3A_94 = arith.constant 77 : i32
    %dma_wait3A_95 = arith.constant 0 : i32
    %dma_wait3A_96 = tpu.memref_slice %arg8[%dma_wait3A_94, %dma_wait3A_95] : memref<78x128xi32, #tpu.memory_space<vmem>> -> memref<1x128xi32, #tpu.memory_space<vmem>>
    %dma_wait3A_97 = tpu.memref_squeeze %dma_wait3A_96 : memref<1x128xi32, #tpu.memory_space<vmem>> -> memref<128xi32, #tpu.memory_space<vmem>>
    %dma_wait3A_98 = arith.constant 0 : i32
    %dma_wait3A_99 = arith.constant 0 : i32
    %dma_wait3A_100 = tpu.memref_slice %arg6[%dma_wait3A_98, %dma_wait3A_99] : memref<10240x16xf32, #tpu.memory_space<hbm>> -> memref<10240x16xf32, #tpu.memory_space<hbm>>
    tpu.wait_indirect_dma semaphore(%arg19 : memref<!tpu.dma_semaphore, #tpu.memory_space<semaphore_mem>>) src(%dma_wait3A_100 : memref<10240x16xf32, #tpu.memory_space<hbm>>) dst(%arg13 : memref<128x16xf32, #tpu.memory_space<vmem>>)
    %run_scoped3A_101 = arith.constant 77 : i32
    "tpu.region"() ({
      %run_scoped3A_109 = tpu.sem_alloc : memref<!tpu.dma_semaphore, #tpu.memory_space<semaphore_mem>>
      %dma_start3A_110 = arith.constant 0 : i32
      %dma_start3A_111 = tpu.memref_slice %arg9[%run_scoped3A_101, %dma_start3A_110] : memref<78x128xi32, #tpu.memory_space<vmem>> -> memref<1x128xi32, #tpu.memory_space<vmem>>
      %dma_start3A_112 = tpu.memref_squeeze %dma_start3A_111 : memref<1x128xi32, #tpu.memory_space<vmem>> -> memref<128xi32, #tpu.memory_space<vmem>>
      %dma_start3A_113 = arith.constant 0 : i32
      %dma_start3A_114 = arith.constant 0 : i32
      %dma_start3A_115 = tpu.memref_slice %arg18[%dma_start3A_113, %dma_start3A_114] : memref<10240x16xf32, #tpu.memory_space<vmem_shared>> -> memref<10240x16xf32, #tpu.memory_space<vmem_shared>>
      tpu.enqueue_indirect_dma source(%arg13 : memref<128x16xf32, #tpu.memory_space<vmem>>) target(%dma_start3A_115 : memref<10240x16xf32, #tpu.memory_space<vmem_shared>>) offsets(%dma_start3A_112 : memref<128xi32, #tpu.memory_space<vmem>>) semaphore(%run_scoped3A_109 : memref<!tpu.dma_semaphore, #tpu.memory_space<semaphore_mem>>) {add = true}
      %dma_wait3A_116 = arith.constant 0 : i32
      %dma_wait3A_117 = tpu.memref_slice %arg9[%run_scoped3A_101, %dma_wait3A_116] : memref<78x128xi32, #tpu.memory_space<vmem>> -> memref<1x128xi32, #tpu.memory_space<vmem>>
      %dma_wait3A_118 = tpu.memref_squeeze %dma_wait3A_117 : memref<1x128xi32, #tpu.memory_space<vmem>> -> memref<128xi32, #tpu.memory_space<vmem>>
      %dma_wait3A_119 = arith.constant 0 : i32
      %dma_wait3A_120 = arith.constant 0 : i32
      %dma_wait3A_121 = tpu.memref_slice %arg18[%dma_wait3A_119, %dma_wait3A_120] : memref<10240x16xf32, #tpu.memory_space<vmem_shared>> -> memref<10240x16xf32, #tpu.memory_space<vmem_shared>>
      tpu.wait_indirect_dma semaphore(%run_scoped3A_109 : memref<!tpu.dma_semaphore, #tpu.memory_space<semaphore_mem>>) src(%arg13 : memref<128x16xf32, #tpu.memory_space<vmem>>) dst(%dma_wait3A_121 : memref<10240x16xf32, #tpu.memory_space<vmem_shared>>)
      tpu.yield
    }) : () -> ()
    %dma_start3A_102 = arith.constant 0 : i32
    %dma_start3A_103 = arith.constant 0 : i32
    %dma_start3A_104 = tpu.memref_slice %arg6[%dma_start3A_102, %dma_start3A_103] : memref<10240x16xf32, #tpu.memory_space<hbm>> -> memref<10240x16xf32, #tpu.memory_space<hbm>>
    tpu.enqueue_indirect_dma source(%dma_start3A_104 : memref<10240x16xf32, #tpu.memory_space<hbm>>) target(%arg16 : memref<16x16xf32, #tpu.memory_space<vmem>>) offsets(%arg10 : memref<16xi32, #tpu.memory_space<vmem>>) semaphore(%arg19 : memref<!tpu.dma_semaphore, #tpu.memory_space<semaphore_mem>>)
    %dma_wait3A_105 = arith.constant 0 : i32
    %dma_wait3A_106 = arith.constant 0 : i32
    %dma_wait3A_107 = tpu.memref_slice %arg6[%dma_wait3A_105, %dma_wait3A_106] : memref<10240x16xf32, #tpu.memory_space<hbm>> -> memref<10240x16xf32, #tpu.memory_space<hbm>>
    tpu.wait_indirect_dma semaphore(%arg19 : memref<!tpu.dma_semaphore, #tpu.memory_space<semaphore_mem>>) src(%dma_wait3A_107 : memref<10240x16xf32, #tpu.memory_space<hbm>>) dst(%arg16 : memref<16x16xf32, #tpu.memory_space<vmem>>)
    "tpu.region"() ({
      %run_scoped3A_109 = tpu.sem_alloc : memref<!tpu.dma_semaphore, #tpu.memory_space<semaphore_mem>>
      %dma_start3A_110 = arith.constant 0 : i32
      %dma_start3A_111 = arith.constant 0 : i32
      %dma_start3A_112 = tpu.memref_slice %arg18[%dma_start3A_110, %dma_start3A_111] : memref<10240x16xf32, #tpu.memory_space<vmem_shared>> -> memref<10240x16xf32, #tpu.memory_space<vmem_shared>>
      tpu.enqueue_indirect_dma source(%arg16 : memref<16x16xf32, #tpu.memory_space<vmem>>) target(%dma_start3A_112 : memref<10240x16xf32, #tpu.memory_space<vmem_shared>>) offsets(%arg11 : memref<16xi32, #tpu.memory_space<vmem>>) semaphore(%run_scoped3A_109 : memref<!tpu.dma_semaphore, #tpu.memory_space<semaphore_mem>>) {add = true}
      %dma_wait3A_113 = arith.constant 0 : i32
      %dma_wait3A_114 = arith.constant 0 : i32
      %dma_wait3A_115 = tpu.memref_slice %arg18[%dma_wait3A_113, %dma_wait3A_114] : memref<10240x16xf32, #tpu.memory_space<vmem_shared>> -> memref<10240x16xf32, #tpu.memory_space<vmem_shared>>
      tpu.wait_indirect_dma semaphore(%run_scoped3A_109 : memref<!tpu.dma_semaphore, #tpu.memory_space<semaphore_mem>>) src(%arg16 : memref<16x16xf32, #tpu.memory_space<vmem>>) dst(%dma_wait3A_115 : memref<10240x16xf32, #tpu.memory_space<vmem_shared>>)
      tpu.yield
    }) : () -> ()
    %barrier3A_108 = arith.constant 0 : index
    tpu.barrier barrier_id(%barrier3A_108)
    "tpu.region"() ({
      %run_scoped3A_109 = tpu.sem_alloc : memref<!tpu.dma_semaphore, #tpu.memory_space<semaphore_mem>>
      %dma_start3A_110 = arith.constant 0 : i32
      %dma_start3A_111 = tpu.memref_slice %arg7[%arg0, %mul3A_2, %dma_start3A_110] : memref<2x10240x16xf32, #tpu.memory_space<hbm>> -> memref<1x640x16xf32, #tpu.memory_space<hbm>>
      %dma_start3A_112 = tpu.memref_squeeze %dma_start3A_111 : memref<1x640x16xf32, #tpu.memory_space<hbm>> -> memref<640x16xf32, #tpu.memory_space<hbm>>
      %dma_start3A_113 = arith.constant 0 : i32
      %dma_start3A_114 = tpu.memref_slice %arg18[%mul3A_2, %dma_start3A_113] : memref<10240x16xf32, #tpu.memory_space<vmem_shared>> -> memref<640x16xf32, #tpu.memory_space<vmem_shared>>
      tpu.enqueue_dma source(%dma_start3A_114 : memref<640x16xf32, #tpu.memory_space<vmem_shared>>) target(%dma_start3A_112 : memref<640x16xf32, #tpu.memory_space<hbm>>) target_semaphore(%run_scoped3A_109 : memref<!tpu.dma_semaphore, #tpu.memory_space<semaphore_mem>>)
      %dma_wait3A_115 = arith.constant 0 : i32
      %dma_wait3A_116 = tpu.memref_slice %arg7[%arg0, %mul3A_2, %dma_wait3A_115] : memref<2x10240x16xf32, #tpu.memory_space<hbm>> -> memref<1x640x16xf32, #tpu.memory_space<hbm>>
      %dma_wait3A_117 = tpu.memref_squeeze %dma_wait3A_116 : memref<1x640x16xf32, #tpu.memory_space<hbm>> -> memref<640x16xf32, #tpu.memory_space<hbm>>
      %dma_wait3A_118 = arith.constant 0 : i32
      %dma_wait3A_119 = tpu.memref_slice %arg18[%mul3A_2, %dma_wait3A_118] : memref<10240x16xf32, #tpu.memory_space<vmem_shared>> -> memref<640x16xf32, #tpu.memory_space<vmem_shared>>
      tpu.wait_dma2 semaphore(%run_scoped3A_109 : memref<!tpu.dma_semaphore, #tpu.memory_space<semaphore_mem>>) src(%dma_wait3A_119 : memref<640x16xf32, #tpu.memory_space<vmem_shared>>) dst(%dma_wait3A_117 : memref<640x16xf32, #tpu.memory_space<hbm>>)
      tpu.yield
    }) : () -> ()
    return
  }
}

#map = affine_map<(d0, d1) -> (0, 0, 0)>
#map1 = affine_map<(d0, d1) -> (0, 0)>
module attributes {stable_mosaic.version = 14 : i64} {
  func.func @body(%arg0: i32, %arg1: i32, %arg2: memref<32x78x128xi32, #tpu.memory_space<hbm>>, %arg3: memref<32x78x128xi32, #tpu.memory_space<hbm>>, %arg4: memref<32x16xi32, #tpu.memory_space<hbm>>, %arg5: memref<32x16xi32, #tpu.memory_space<hbm>>, %arg6: memref<8x16xf32, #tpu.memory_space<hbm>>, %arg7: memref<2x10240x16xf32, #tpu.memory_space<hbm>>, %arg8: memref<78x128xi32, #tpu.memory_space<vmem>>, %arg9: memref<78x128xi32, #tpu.memory_space<vmem>>, %arg10: memref<16xi32, #tpu.memory_space<vmem>>, %arg11: memref<16xi32, #tpu.memory_space<vmem>>, %arg12: memref<128x16xf32, #tpu.memory_space<vmem>>, %arg13: memref<128x16xf32, #tpu.memory_space<vmem>>, %arg14: memref<128x16xf32, #tpu.memory_space<vmem>>, %arg15: memref<128x16xf32, #tpu.memory_space<vmem>>, %arg16: memref<16x16xf32, #tpu.memory_space<vmem>>, %arg17: memref<640x16xf32, #tpu.memory_space<vmem>>, %arg18: memref<10240x16xf32, #tpu.memory_space<vmem_shared>>, %arg19: memref<!tpu.dma_semaphore, #tpu.memory_space<semaphore_mem>>, %arg20: memref<!tpu.dma_semaphore, #tpu.memory_space<semaphore_mem>>) attributes {dimension_semantics = [#tpu.dimension_semantics<core_parallel>, #tpu.dimension_semantics<subcore_parallel>], iteration_bounds = array<i64: 2, 16>, scalar_prefetch = 0 : i64, scratch_operands = 13 : i64, tpu.core_type = #tpu.core_type<sc_vector_subcore>, window_params = [{transform_indices = #map}, {transform_indices = #map}, {transform_indices = #map1}, {transform_indices = #map1}, {transform_indices = #map1}, {transform_indices = #map}]} {
    %mul3A = arith.constant 2 : i32
    %mul3A_0 = arith.muli %arg1, %mul3A : i32
    %add3A = arith.addi %mul3A_0, %arg0 : i32
    %mul3A_1 = arith.constant 640 : i32
    %mul3A_2 = arith.muli %arg1, %mul3A_1 : i32
    %broadcast_in_dim3A = arith.constant 0.000000e+00 : f32
    %broadcast_in_dim3A_3 = vector.broadcast %broadcast_in_dim3A : f32 to vector<16xf32>
    %scan3A = arith.constant 0 : i32
    %scan3A_4 = arith.constant 0 : i32
    %scan3A_5 = arith.constant 640 : i32
    %scan3A_6 = arith.addi %scan3A_4, %scan3A_5 : i32
    %scan3A_7 = arith.constant 1 : i32
    scf.for %scan3A_30 = %scan3A_4 to %scan3A_6 step %scan3A_7  : i32 {
      %swap3A = arith.index_cast %scan3A_30 : i32 to index
      %swap3A_31 = arith.constant 0 : index
      %swap3A_32 = tpu.vector_load %arg17[%swap3A, %swap3A_31] {strides = array<i32>} : memref<640x16xf32, #tpu.memory_space<vmem>>, vector<1x16xf32>,
      %swap3A_33 = vector.shape_cast %swap3A_32 : vector<1x16xf32> to vector<16xf32>
      %swap3A_34 = vector.shape_cast %broadcast_in_dim3A_3 : vector<16xf32> to vector<1x16xf32>
      tpu.vector_store %arg17[%swap3A, %swap3A_31], %swap3A_34 {strides = array<i32>} : memref<640x16xf32, #tpu.memory_space<vmem>>, vector<1x16xf32>,
    }
    %scan3A_8 = arith.constant 640 : i32
    "tpu.region"() ({
      %run_scoped3A = tpu.sem_alloc : memref<!tpu.dma_semaphore, #tpu.memory_space<semaphore_mem>>
      %dma_start3A = arith.constant 0 : i32
      %dma_start3A_30 = tpu.memref_slice %arg18[%mul3A_2, %dma_start3A] : memref<10240x16xf32, #tpu.memory_space<vmem_shared>> -> memref<640x16xf32, #tpu.memory_space<vmem_shared>>
      %dma_start3A_31 = arith.constant 0 : i32
      %dma_start3A_32 = tpu.memref_slice %arg18[%mul3A_2, %dma_start3A_31] : memref<10240x16xf32, #tpu.memory_space<vmem_shared>> -> memref<640x16xf32, #tpu.memory_space<vmem_shared>>
      tpu.enqueue_dma source(%arg17 : memref<640x16xf32, #tpu.memory_space<vmem>>) target(%dma_start3A_32 : memref<640x16xf32, #tpu.memory_space<vmem_shared>>) target_semaphore(%run_scoped3A : memref<!tpu.dma_semaphore, #tpu.memory_space<semaphore_mem>>)
      %dma_wait3A = arith.constant 0 : i32
      %dma_wait3A_33 = tpu.memref_slice %arg18[%mul3A_2, %dma_wait3A] : memref<10240x16xf32, #tpu.memory_space<vmem_shared>> -> memref<640x16xf32, #tpu.memory_space<vmem_shared>>
      %dma_wait3A_34 = arith.constant 0 : i32
      %dma_wait3A_35 = tpu.memref_slice %arg18[%mul3A_2, %dma_wait3A_34] : memref<10240x16xf32, #tpu.memory_space<vmem_shared>> -> memref<640x16xf32, #tpu.memory_space<vmem_shared>>
      tpu.wait_dma2 semaphore(%run_scoped3A : memref<!tpu.dma_semaphore, #tpu.memory_space<semaphore_mem>>) src(%arg17 : memref<640x16xf32, #tpu.memory_space<vmem>>) dst(%dma_wait3A_35 : memref<640x16xf32, #tpu.memory_space<vmem_shared>>)
      tpu.yield
    }) : () -> ()
    %broadcast_in_dim3A_9 = arith.constant 1.000000e+00 : f32
    %broadcast_in_dim3A_10 = vector.broadcast %broadcast_in_dim3A_9 : f32 to vector<16xf32>
    %scan3A_11 = arith.constant 0 : i32
    %scan3A_12 = arith.constant 0 : i32
    %scan3A_13 = arith.constant 128 : i32
    %scan3A_14 = arith.addi %scan3A_12, %scan3A_13 : i32
    %scan3A_15 = arith.constant 1 : i32
    scf.for %scan3A_30 = %scan3A_12 to %scan3A_14 step %scan3A_15  : i32 {
      %swap3A = arith.index_cast %scan3A_30 : i32 to index
      %swap3A_31 = arith.constant 0 : index
      %swap3A_32 = tpu.vector_load %arg12[%swap3A, %swap3A_31] {strides = array<i32>} : memref<128x16xf32, #tpu.memory_space<vmem>>, vector<1x16xf32>,
      %swap3A_33 = vector.shape_cast %swap3A_32 : vector<1x16xf32> to vector<16xf32>
      %swap3A_34 = vector.shape_cast %broadcast_in_dim3A_10 : vector<16xf32> to vector<1x16xf32>
      tpu.vector_store %arg12[%swap3A, %swap3A_31], %swap3A_34 {strides = array<i32>} : memref<128x16xf32, #tpu.memory_space<vmem>>, vector<1x16xf32>,
    }
    %scan3A_16 = arith.constant 128 : i32
    %scan3A_17 = arith.constant 0 : i32
    %scan3A_18 = arith.constant 0 : i32
    %scan3A_19 = arith.constant 16 : i32
    %scan3A_20 = arith.addi %scan3A_18, %scan3A_19 : i32
    %scan3A_21 = arith.constant 1 : i32
    scf.for %scan3A_30 = %scan3A_18 to %scan3A_20 step %scan3A_21  : i32 {
      %swap3A = arith.index_cast %scan3A_30 : i32 to index
      %swap3A_31 = arith.constant 0 : index
      %swap3A_32 = tpu.vector_load %arg16[%swap3A, %swap3A_31] {strides = array<i32>} : memref<16x16xf32, #tpu.memory_space<vmem>>, vector<1x16xf32>,
      %swap3A_33 = vector.shape_cast %swap3A_32 : vector<1x16xf32> to vector<16xf32>
      %swap3A_34 = vector.shape_cast %broadcast_in_dim3A_10 : vector<16xf32> to vector<1x16xf32>
      tpu.vector_store %arg16[%swap3A, %swap3A_31], %swap3A_34 {strides = array<i32>} : memref<16x16xf32, #tpu.memory_space<vmem>>, vector<1x16xf32>,
    }
    %scan3A_22 = arith.constant 16 : i32
    "tpu.region"() ({
      %run_scoped3A = tpu.sem_alloc : memref<!tpu.dma_semaphore, #tpu.memory_space<semaphore_mem>>
      %dma_start3A = arith.constant 0 : i32
      %dma_start3A_30 = arith.constant 0 : i32
      %dma_start3A_31 = tpu.memref_slice %arg2[%add3A, %dma_start3A, %dma_start3A_30] : memref<32x78x128xi32, #tpu.memory_space<hbm>> -> memref<1x78x128xi32, #tpu.memory_space<hbm>>
      %dma_start3A_32 = tpu.memref_squeeze %dma_start3A_31 : memref<1x78x128xi32, #tpu.memory_space<hbm>> -> memref<78x128xi32, #tpu.memory_space<hbm>>
      %dma_start3A_33 = arith.constant 0 : i32
      %dma_start3A_34 = arith.constant 0 : i32
      %dma_start3A_35 = tpu.memref_slice %arg2[%add3A, %dma_start3A_33, %dma_start3A_34] : memref<32x78x128xi32, #tpu.memory_space<hbm>> -> memref<1x78x128xi32, #tpu.memory_space<hbm>>
      %dma_start3A_36 = tpu.memref_squeeze %dma_start3A_35 : memref<1x78x128xi32, #tpu.memory_space<hbm>> -> memref<78x128xi32, #tpu.memory_space<hbm>>
      tpu.enqueue_dma source(%dma_start3A_36 : memref<78x128xi32, #tpu.memory_space<hbm>>) target(%arg8 : memref<78x128xi32, #tpu.memory_space<vmem>>) target_semaphore(%run_scoped3A : memref<!tpu.dma_semaphore, #tpu.memory_space<semaphore_mem>>)
      %dma_wait3A = arith.constant 0 : i32
      %dma_wait3A_37 = arith.constant 0 : i32
      %dma_wait3A_38 = tpu.memref_slice %arg2[%add3A, %dma_wait3A, %dma_wait3A_37] : memref<32x78x128xi32, #tpu.memory_space<hbm>> -> memref<1x78x128xi32, #tpu.memory_space<hbm>>
      %dma_wait3A_39 = tpu.memref_squeeze %dma_wait3A_38 : memref<1x78x128xi32, #tpu.memory_space<hbm>> -> memref<78x128xi32, #tpu.memory_space<hbm>>
      %dma_wait3A_40 = arith.constant 0 : i32
      %dma_wait3A_41 = arith.constant 0 : i32
      %dma_wait3A_42 = tpu.memref_slice %arg2[%add3A, %dma_wait3A_40, %dma_wait3A_41] : memref<32x78x128xi32, #tpu.memory_space<hbm>> -> memref<1x78x128xi32, #tpu.memory_space<hbm>>
      %dma_wait3A_43 = tpu.memref_squeeze %dma_wait3A_42 : memref<1x78x128xi32, #tpu.memory_space<hbm>> -> memref<78x128xi32, #tpu.memory_space<hbm>>
      tpu.wait_dma2 semaphore(%run_scoped3A : memref<!tpu.dma_semaphore, #tpu.memory_space<semaphore_mem>>) src(%dma_wait3A_43 : memref<78x128xi32, #tpu.memory_space<hbm>>) dst(%arg8 : memref<78x128xi32, #tpu.memory_space<vmem>>)
      tpu.yield
    }) : () -> ()
    "tpu.region"() ({
      %run_scoped3A = tpu.sem_alloc : memref<!tpu.dma_semaphore, #tpu.memory_space<semaphore_mem>>
      %dma_start3A = arith.constant 0 : i32
      %dma_start3A_30 = arith.constant 0 : i32
      %dma_start3A_31 = tpu.memref_slice %arg3[%add3A, %dma_start3A, %dma_start3A_30] : memref<32x78x128xi32, #tpu.memory_space<hbm>> -> memref<1x78x128xi32, #tpu.memory_space<hbm>>
      %dma_start3A_32 = tpu.memref_squeeze %dma_start3A_31 : memref<1x78x128xi32, #tpu.memory_space<hbm>> -> memref<78x128xi32, #tpu.memory_space<hbm>>
      %dma_start3A_33 = arith.constant 0 : i32
      %dma_start3A_34 = arith.constant 0 : i32
      %dma_start3A_35 = tpu.memref_slice %arg3[%add3A, %dma_start3A_33, %dma_start3A_34] : memref<32x78x128xi32, #tpu.memory_space<hbm>> -> memref<1x78x128xi32, #tpu.memory_space<hbm>>
      %dma_start3A_36 = tpu.memref_squeeze %dma_start3A_35 : memref<1x78x128xi32, #tpu.memory_space<hbm>> -> memref<78x128xi32, #tpu.memory_space<hbm>>
      tpu.enqueue_dma source(%dma_start3A_36 : memref<78x128xi32, #tpu.memory_space<hbm>>) target(%arg9 : memref<78x128xi32, #tpu.memory_space<vmem>>) target_semaphore(%run_scoped3A : memref<!tpu.dma_semaphore, #tpu.memory_space<semaphore_mem>>)
      %dma_wait3A = arith.constant 0 : i32
      %dma_wait3A_37 = arith.constant 0 : i32
      %dma_wait3A_38 = tpu.memref_slice %arg3[%add3A, %dma_wait3A, %dma_wait3A_37] : memref<32x78x128xi32, #tpu.memory_space<hbm>> -> memref<1x78x128xi32, #tpu.memory_space<hbm>>
      %dma_wait3A_39 = tpu.memref_squeeze %dma_wait3A_38 : memref<1x78x128xi32, #tpu.memory_space<hbm>> -> memref<78x128xi32, #tpu.memory_space<hbm>>
      %dma_wait3A_40 = arith.constant 0 : i32
      %dma_wait3A_41 = arith.constant 0 : i32
      %dma_wait3A_42 = tpu.memref_slice %arg3[%add3A, %dma_wait3A_40, %dma_wait3A_41] : memref<32x78x128xi32, #tpu.memory_space<hbm>> -> memref<1x78x128xi32, #tpu.memory_space<hbm>>
      %dma_wait3A_43 = tpu.memref_squeeze %dma_wait3A_42 : memref<1x78x128xi32, #tpu.memory_space<hbm>> -> memref<78x128xi32, #tpu.memory_space<hbm>>
      tpu.wait_dma2 semaphore(%run_scoped3A : memref<!tpu.dma_semaphore, #tpu.memory_space<semaphore_mem>>) src(%dma_wait3A_43 : memref<78x128xi32, #tpu.memory_space<hbm>>) dst(%arg9 : memref<78x128xi32, #tpu.memory_space<vmem>>)
      tpu.yield
    }) : () -> ()
    "tpu.region"() ({
      %run_scoped3A = tpu.sem_alloc : memref<!tpu.dma_semaphore, #tpu.memory_space<semaphore_mem>>
      %dma_start3A = arith.constant 0 : i32
      %dma_start3A_30 = tpu.memref_slice %arg4[%add3A, %dma_start3A] : memref<32x16xi32, #tpu.memory_space<hbm>> -> memref<1x16xi32, #tpu.memory_space<hbm>>
      %dma_start3A_31 = tpu.memref_squeeze %dma_start3A_30 : memref<1x16xi32, #tpu.memory_space<hbm>> -> memref<16xi32, #tpu.memory_space<hbm>>
      %dma_start3A_32 = arith.constant 0 : i32
      %dma_start3A_33 = tpu.memref_slice %arg4[%add3A, %dma_start3A_32] : memref<32x16xi32, #tpu.memory_space<hbm>> -> memref<1x16xi32, #tpu.memory_space<hbm>>
      %dma_start3A_34 = tpu.memref_squeeze %dma_start3A_33 : memref<1x16xi32, #tpu.memory_space<hbm>> -> memref<16xi32, #tpu.memory_space<hbm>>
      tpu.enqueue_dma source(%dma_start3A_34 : memref<16xi32, #tpu.memory_space<hbm>>) target(%arg10 : memref<16xi32, #tpu.memory_space<vmem>>) target_semaphore(%run_scoped3A : memref<!tpu.dma_semaphore, #tpu.memory_space<semaphore_mem>>)
      %dma_wait3A = arith.constant 0 : i32
      %dma_wait3A_35 = tpu.memref_slice %arg4[%add3A, %dma_wait3A] : memref<32x16xi32, #tpu.memory_space<hbm>> -> memref<1x16xi32, #tpu.memory_space<hbm>>
      %dma_wait3A_36 = tpu.memref_squeeze %dma_wait3A_35 : memref<1x16xi32, #tpu.memory_space<hbm>> -> memref<16xi32, #tpu.memory_space<hbm>>
      %dma_wait3A_37 = arith.constant 0 : i32
      %dma_wait3A_38 = tpu.memref_slice %arg4[%add3A, %dma_wait3A_37] : memref<32x16xi32, #tpu.memory_space<hbm>> -> memref<1x16xi32, #tpu.memory_space<hbm>>
      %dma_wait3A_39 = tpu.memref_squeeze %dma_wait3A_38 : memref<1x16xi32, #tpu.memory_space<hbm>> -> memref<16xi32, #tpu.memory_space<hbm>>
      tpu.wait_dma2 semaphore(%run_scoped3A : memref<!tpu.dma_semaphore, #tpu.memory_space<semaphore_mem>>) src(%dma_wait3A_39 : memref<16xi32, #tpu.memory_space<hbm>>) dst(%arg10 : memref<16xi32, #tpu.memory_space<vmem>>)
      tpu.yield
    }) : () -> ()
    "tpu.region"() ({
      %run_scoped3A = tpu.sem_alloc : memref<!tpu.dma_semaphore, #tpu.memory_space<semaphore_mem>>
      %dma_start3A = arith.constant 0 : i32
      %dma_start3A_30 = tpu.memref_slice %arg5[%add3A, %dma_start3A] : memref<32x16xi32, #tpu.memory_space<hbm>> -> memref<1x16xi32, #tpu.memory_space<hbm>>
      %dma_start3A_31 = tpu.memref_squeeze %dma_start3A_30 : memref<1x16xi32, #tpu.memory_space<hbm>> -> memref<16xi32, #tpu.memory_space<hbm>>
      %dma_start3A_32 = arith.constant 0 : i32
      %dma_start3A_33 = tpu.memref_slice %arg5[%add3A, %dma_start3A_32] : memref<32x16xi32, #tpu.memory_space<hbm>> -> memref<1x16xi32, #tpu.memory_space<hbm>>
      %dma_start3A_34 = tpu.memref_squeeze %dma_start3A_33 : memref<1x16xi32, #tpu.memory_space<hbm>> -> memref<16xi32, #tpu.memory_space<hbm>>
      tpu.enqueue_dma source(%dma_start3A_34 : memref<16xi32, #tpu.memory_space<hbm>>) target(%arg11 : memref<16xi32, #tpu.memory_space<vmem>>) target_semaphore(%run_scoped3A : memref<!tpu.dma_semaphore, #tpu.memory_space<semaphore_mem>>)
      %dma_wait3A = arith.constant 0 : i32
      %dma_wait3A_35 = tpu.memref_slice %arg5[%add3A, %dma_wait3A] : memref<32x16xi32, #tpu.memory_space<hbm>> -> memref<1x16xi32, #tpu.memory_space<hbm>>
      %dma_wait3A_36 = tpu.memref_squeeze %dma_wait3A_35 : memref<1x16xi32, #tpu.memory_space<hbm>> -> memref<16xi32, #tpu.memory_space<hbm>>
      %dma_wait3A_37 = arith.constant 0 : i32
      %dma_wait3A_38 = tpu.memref_slice %arg5[%add3A, %dma_wait3A_37] : memref<32x16xi32, #tpu.memory_space<hbm>> -> memref<1x16xi32, #tpu.memory_space<hbm>>
      %dma_wait3A_39 = tpu.memref_squeeze %dma_wait3A_38 : memref<1x16xi32, #tpu.memory_space<hbm>> -> memref<16xi32, #tpu.memory_space<hbm>>
      tpu.wait_dma2 semaphore(%run_scoped3A : memref<!tpu.dma_semaphore, #tpu.memory_space<semaphore_mem>>) src(%dma_wait3A_39 : memref<16xi32, #tpu.memory_space<hbm>>) dst(%arg11 : memref<16xi32, #tpu.memory_space<vmem>>)
      tpu.yield
    }) : () -> ()
    %barrier3A = arith.constant 0 : index
    tpu.barrier barrier_id(%barrier3A)
    %scan3A_23 = arith.constant 0 : i32
    %scan3A_24 = arith.constant 0 : i32
    %scan3A_25 = arith.constant 78 : i32
    %scan3A_26 = arith.addi %scan3A_24, %scan3A_25 : i32
    %scan3A_27 = arith.constant 1 : i32
    scf.for %scan3A_30 = %scan3A_24 to %scan3A_26 step %scan3A_27  : i32 {
      "tpu.region"() ({
        %run_scoped3A = tpu.sem_alloc : memref<!tpu.dma_semaphore, #tpu.memory_space<semaphore_mem>>
        %dma_start3A = arith.constant 0 : i32
        %dma_start3A_31 = tpu.memref_slice %arg9[%scan3A_30, %dma_start3A] : memref<78x128xi32, #tpu.memory_space<vmem>> -> memref<1x128xi32, #tpu.memory_space<vmem>>
        %dma_start3A_32 = tpu.memref_squeeze %dma_start3A_31 : memref<1x128xi32, #tpu.memory_space<vmem>> -> memref<128xi32, #tpu.memory_space<vmem>>
        %dma_start3A_33 = arith.constant 0 : i32
        %dma_start3A_34 = arith.constant 0 : i32
        %dma_start3A_35 = tpu.memref_slice %arg18[%dma_start3A_33, %dma_start3A_34] : memref<10240x16xf32, #tpu.memory_space<vmem_shared>> -> memref<10240x16xf32, #tpu.memory_space<vmem_shared>>
        tpu.enqueue_indirect_dma source(%arg12 : memref<128x16xf32, #tpu.memory_space<vmem>>) target(%dma_start3A_35 : memref<10240x16xf32, #tpu.memory_space<vmem_shared>>) offsets(%dma_start3A_32 : memref<128xi32, #tpu.memory_space<vmem>>) semaphore(%run_scoped3A : memref<!tpu.dma_semaphore, #tpu.memory_space<semaphore_mem>>) {add = true}
        %dma_wait3A = arith.constant 0 : i32
        %dma_wait3A_36 = tpu.memref_slice %arg9[%scan3A_30, %dma_wait3A] : memref<78x128xi32, #tpu.memory_space<vmem>> -> memref<1x128xi32, #tpu.memory_space<vmem>>
        %dma_wait3A_37 = tpu.memref_squeeze %dma_wait3A_36 : memref<1x128xi32, #tpu.memory_space<vmem>> -> memref<128xi32, #tpu.memory_space<vmem>>
        %dma_wait3A_38 = arith.constant 0 : i32
        %dma_wait3A_39 = arith.constant 0 : i32
        %dma_wait3A_40 = tpu.memref_slice %arg18[%dma_wait3A_38, %dma_wait3A_39] : memref<10240x16xf32, #tpu.memory_space<vmem_shared>> -> memref<10240x16xf32, #tpu.memory_space<vmem_shared>>
        tpu.wait_indirect_dma semaphore(%run_scoped3A : memref<!tpu.dma_semaphore, #tpu.memory_space<semaphore_mem>>) src(%arg12 : memref<128x16xf32, #tpu.memory_space<vmem>>) dst(%dma_wait3A_40 : memref<10240x16xf32, #tpu.memory_space<vmem_shared>>)
        tpu.yield
      }) : () -> ()
    }
    %scan3A_28 = arith.constant 78 : i32
    "tpu.region"() ({
      %run_scoped3A = tpu.sem_alloc : memref<!tpu.dma_semaphore, #tpu.memory_space<semaphore_mem>>
      %dma_start3A = arith.constant 0 : i32
      %dma_start3A_30 = arith.constant 0 : i32
      %dma_start3A_31 = tpu.memref_slice %arg18[%dma_start3A, %dma_start3A_30] : memref<10240x16xf32, #tpu.memory_space<vmem_shared>> -> memref<10240x16xf32, #tpu.memory_space<vmem_shared>>
      tpu.enqueue_indirect_dma source(%arg16 : memref<16x16xf32, #tpu.memory_space<vmem>>) target(%dma_start3A_31 : memref<10240x16xf32, #tpu.memory_space<vmem_shared>>) offsets(%arg11 : memref<16xi32, #tpu.memory_space<vmem>>) semaphore(%run_scoped3A : memref<!tpu.dma_semaphore, #tpu.memory_space<semaphore_mem>>) {add = true}
      %dma_wait3A = arith.constant 0 : i32
      %dma_wait3A_32 = arith.constant 0 : i32
      %dma_wait3A_33 = tpu.memref_slice %arg18[%dma_wait3A, %dma_wait3A_32] : memref<10240x16xf32, #tpu.memory_space<vmem_shared>> -> memref<10240x16xf32, #tpu.memory_space<vmem_shared>>
      tpu.wait_indirect_dma semaphore(%run_scoped3A : memref<!tpu.dma_semaphore, #tpu.memory_space<semaphore_mem>>) src(%arg16 : memref<16x16xf32, #tpu.memory_space<vmem>>) dst(%dma_wait3A_33 : memref<10240x16xf32, #tpu.memory_space<vmem_shared>>)
      tpu.yield
    }) : () -> ()
    %barrier3A_29 = arith.constant 0 : index
    tpu.barrier barrier_id(%barrier3A_29)
    "tpu.region"() ({
      %run_scoped3A = tpu.sem_alloc : memref<!tpu.dma_semaphore, #tpu.memory_space<semaphore_mem>>
      %dma_start3A = arith.constant 0 : i32
      %dma_start3A_30 = tpu.memref_slice %arg7[%arg0, %mul3A_2, %dma_start3A] : memref<2x10240x16xf32, #tpu.memory_space<hbm>> -> memref<1x640x16xf32, #tpu.memory_space<hbm>>
      %dma_start3A_31 = tpu.memref_squeeze %dma_start3A_30 : memref<1x640x16xf32, #tpu.memory_space<hbm>> -> memref<640x16xf32, #tpu.memory_space<hbm>>
      %dma_start3A_32 = arith.constant 0 : i32
      %dma_start3A_33 = tpu.memref_slice %arg18[%mul3A_2, %dma_start3A_32] : memref<10240x16xf32, #tpu.memory_space<vmem_shared>> -> memref<640x16xf32, #tpu.memory_space<vmem_shared>>
      tpu.enqueue_dma source(%dma_start3A_33 : memref<640x16xf32, #tpu.memory_space<vmem_shared>>) target(%dma_start3A_31 : memref<640x16xf32, #tpu.memory_space<hbm>>) target_semaphore(%run_scoped3A : memref<!tpu.dma_semaphore, #tpu.memory_space<semaphore_mem>>)
      %dma_wait3A = arith.constant 0 : i32
      %dma_wait3A_34 = tpu.memref_slice %arg7[%arg0, %mul3A_2, %dma_wait3A] : memref<2x10240x16xf32, #tpu.memory_space<hbm>> -> memref<1x640x16xf32, #tpu.memory_space<hbm>>
      %dma_wait3A_35 = tpu.memref_squeeze %dma_wait3A_34 : memref<1x640x16xf32, #tpu.memory_space<hbm>> -> memref<640x16xf32, #tpu.memory_space<hbm>>
      %dma_wait3A_36 = arith.constant 0 : i32
      %dma_wait3A_37 = tpu.memref_slice %arg18[%mul3A_2, %dma_wait3A_36] : memref<10240x16xf32, #tpu.memory_space<vmem_shared>> -> memref<640x16xf32, #tpu.memory_space<vmem_shared>>
      tpu.wait_dma2 semaphore(%run_scoped3A : memref<!tpu.dma_semaphore, #tpu.memory_space<semaphore_mem>>) src(%dma_wait3A_37 : memref<640x16xf32, #tpu.memory_space<vmem_shared>>) dst(%dma_wait3A_35 : memref<640x16xf32, #tpu.memory_space<hbm>>)
      tpu.yield
    }) : () -> ()
    return
  }
}

#map = affine_map<(d0, d1) -> (0, 0, 0)>
#map1 = affine_map<(d0, d1) -> (0, 0)>
module attributes {stable_mosaic.version = 14 : i64} {
  func.func @body(%arg0: i32, %arg1: i32, %arg2: memref<32x78x128xi32, #tpu.memory_space<hbm>>, %arg3: memref<32x78x128xi32, #tpu.memory_space<hbm>>, %arg4: memref<32x16xi32, #tpu.memory_space<hbm>>, %arg5: memref<32x16xi32, #tpu.memory_space<hbm>>, %arg6: memref<10240x32xf32, #tpu.memory_space<hbm>>, %arg7: memref<2x10240x32xf32, #tpu.memory_space<hbm>>, %arg8: memref<78x128xi32, #tpu.memory_space<vmem>>, %arg9: memref<78x128xi32, #tpu.memory_space<vmem>>, %arg10: memref<16xi32, #tpu.memory_space<vmem>>, %arg11: memref<16xi32, #tpu.memory_space<vmem>>, %arg12: memref<128x32xf32, #tpu.memory_space<vmem>>, %arg13: memref<128x32xf32, #tpu.memory_space<vmem>>, %arg14: memref<128x32xf32, #tpu.memory_space<vmem>>, %arg15: memref<128x32xf32, #tpu.memory_space<vmem>>, %arg16: memref<16x32xf32, #tpu.memory_space<vmem>>, %arg17: memref<640x32xf32, #tpu.memory_space<vmem>>, %arg18: memref<10240x32xf32, #tpu.memory_space<vmem_shared>>, %arg19: memref<!tpu.dma_semaphore, #tpu.memory_space<semaphore_mem>>, %arg20: memref<!tpu.dma_semaphore, #tpu.memory_space<semaphore_mem>>) attributes {dimension_semantics = [#tpu.dimension_semantics<core_parallel>, #tpu.dimension_semantics<subcore_parallel>], iteration_bounds = array<i64: 2, 16>, scalar_prefetch = 0 : i64, scratch_operands = 13 : i64, tpu.core_type = #tpu.core_type<sc_vector_subcore>, window_params = [{transform_indices = #map}, {transform_indices = #map}, {transform_indices = #map1}, {transform_indices = #map1}, {transform_indices = #map1}, {transform_indices = #map}]} {
    %mul3A = arith.constant 2 : i32
    %mul3A_0 = arith.muli %arg1, %mul3A : i32
    %add3A = arith.addi %mul3A_0, %arg0 : i32
    %mul3A_1 = arith.constant 640 : i32
    %mul3A_2 = arith.muli %arg1, %mul3A_1 : i32
    %broadcast_in_dim3A = arith.constant 0.000000e+00 : f32
    %broadcast_in_dim3A_3 = vector.broadcast %broadcast_in_dim3A : f32 to vector<16xf32>
    %scan3A = arith.constant 0 : i32
    %scan3A_4 = arith.constant 0 : i32
    %scan3A_5 = arith.constant 640 : i32
    %scan3A_6 = arith.addi %scan3A_4, %scan3A_5 : i32
    %scan3A_7 = arith.constant 1 : i32
    scf.for %scan3A_109 = %scan3A_4 to %scan3A_6 step %scan3A_7  : i32 {
      %swap3A = arith.index_cast %scan3A_109 : i32 to index
      %swap3A_110 = arith.constant 0 : index
      %swap3A_111 = tpu.vector_load %arg17[%swap3A, %swap3A_110] {strides = array<i32>} : memref<640x32xf32, #tpu.memory_space<vmem>>, vector<1x16xf32>,
      %swap3A_112 = vector.shape_cast %swap3A_111 : vector<1x16xf32> to vector<16xf32>
      %swap3A_113 = vector.shape_cast %broadcast_in_dim3A_3 : vector<16xf32> to vector<1x16xf32>
      tpu.vector_store %arg17[%swap3A, %swap3A_110], %swap3A_113 {strides = array<i32>} : memref<640x32xf32, #tpu.memory_space<vmem>>, vector<1x16xf32>,
      %swap3A_114 = arith.index_cast %scan3A_109 : i32 to index
      %swap3A_115 = arith.constant 16 : index
      %swap3A_116 = tpu.vector_load %arg17[%swap3A_114, %swap3A_115] {strides = array<i32>} : memref<640x32xf32, #tpu.memory_space<vmem>>, vector<1x16xf32>,
      %swap3A_117 = vector.shape_cast %swap3A_116 : vector<1x16xf32> to vector<16xf32>
      %swap3A_118 = vector.shape_cast %broadcast_in_dim3A_3 : vector<16xf32> to vector<1x16xf32>
      tpu.vector_store %arg17[%swap3A_114, %swap3A_115], %swap3A_118 {strides = array<i32>} : memref<640x32xf32, #tpu.memory_space<vmem>>, vector<1x16xf32>,
    }
    %scan3A_8 = arith.constant 640 : i32
    "tpu.region"() ({
      %run_scoped3A_109 = tpu.sem_alloc : memref<!tpu.dma_semaphore, #tpu.memory_space<semaphore_mem>>
      %dma_start3A_110 = arith.constant 0 : i32
      %dma_start3A_111 = tpu.memref_slice %arg18[%mul3A_2, %dma_start3A_110] : memref<10240x32xf32, #tpu.memory_space<vmem_shared>> -> memref<640x32xf32, #tpu.memory_space<vmem_shared>>
      %dma_start3A_112 = arith.constant 0 : i32
      %dma_start3A_113 = tpu.memref_slice %arg18[%mul3A_2, %dma_start3A_112] : memref<10240x32xf32, #tpu.memory_space<vmem_shared>> -> memref<640x32xf32, #tpu.memory_space<vmem_shared>>
      tpu.enqueue_dma source(%arg17 : memref<640x32xf32, #tpu.memory_space<vmem>>) target(%dma_start3A_113 : memref<640x32xf32, #tpu.memory_space<vmem_shared>>) target_semaphore(%run_scoped3A_109 : memref<!tpu.dma_semaphore, #tpu.memory_space<semaphore_mem>>)
      %dma_wait3A_114 = arith.constant 0 : i32
      %dma_wait3A_115 = tpu.memref_slice %arg18[%mul3A_2, %dma_wait3A_114] : memref<10240x32xf32, #tpu.memory_space<vmem_shared>> -> memref<640x32xf32, #tpu.memory_space<vmem_shared>>
      %dma_wait3A_116 = arith.constant 0 : i32
      %dma_wait3A_117 = tpu.memref_slice %arg18[%mul3A_2, %dma_wait3A_116] : memref<10240x32xf32, #tpu.memory_space<vmem_shared>> -> memref<640x32xf32, #tpu.memory_space<vmem_shared>>
      tpu.wait_dma2 semaphore(%run_scoped3A_109 : memref<!tpu.dma_semaphore, #tpu.memory_space<semaphore_mem>>) src(%arg17 : memref<640x32xf32, #tpu.memory_space<vmem>>) dst(%dma_wait3A_117 : memref<640x32xf32, #tpu.memory_space<vmem_shared>>)
      tpu.yield
    }) : () -> ()
    "tpu.region"() ({
      %run_scoped3A_109 = tpu.sem_alloc : memref<!tpu.dma_semaphore, #tpu.memory_space<semaphore_mem>>
      %dma_start3A_110 = arith.constant 0 : i32
      %dma_start3A_111 = arith.constant 0 : i32
      %dma_start3A_112 = tpu.memref_slice %arg2[%add3A, %dma_start3A_110, %dma_start3A_111] : memref<32x78x128xi32, #tpu.memory_space<hbm>> -> memref<1x78x128xi32, #tpu.memory_space<hbm>>
      %dma_start3A_113 = tpu.memref_squeeze %dma_start3A_112 : memref<1x78x128xi32, #tpu.memory_space<hbm>> -> memref<78x128xi32, #tpu.memory_space<hbm>>
      %dma_start3A_114 = arith.constant 0 : i32
      %dma_start3A_115 = arith.constant 0 : i32
      %dma_start3A_116 = tpu.memref_slice %arg2[%add3A, %dma_start3A_114, %dma_start3A_115] : memref<32x78x128xi32, #tpu.memory_space<hbm>> -> memref<1x78x128xi32, #tpu.memory_space<hbm>>
      %dma_start3A_117 = tpu.memref_squeeze %dma_start3A_116 : memref<1x78x128xi32, #tpu.memory_space<hbm>> -> memref<78x128xi32, #tpu.memory_space<hbm>>
      tpu.enqueue_dma source(%dma_start3A_117 : memref<78x128xi32, #tpu.memory_space<hbm>>) target(%arg8 : memref<78x128xi32, #tpu.memory_space<vmem>>) target_semaphore(%run_scoped3A_109 : memref<!tpu.dma_semaphore, #tpu.memory_space<semaphore_mem>>)
      %dma_wait3A_118 = arith.constant 0 : i32
      %dma_wait3A_119 = arith.constant 0 : i32
      %dma_wait3A_120 = tpu.memref_slice %arg2[%add3A, %dma_wait3A_118, %dma_wait3A_119] : memref<32x78x128xi32, #tpu.memory_space<hbm>> -> memref<1x78x128xi32, #tpu.memory_space<hbm>>
      %dma_wait3A_121 = tpu.memref_squeeze %dma_wait3A_120 : memref<1x78x128xi32, #tpu.memory_space<hbm>> -> memref<78x128xi32, #tpu.memory_space<hbm>>
      %dma_wait3A_122 = arith.constant 0 : i32
      %dma_wait3A_123 = arith.constant 0 : i32
      %dma_wait3A_124 = tpu.memref_slice %arg2[%add3A, %dma_wait3A_122, %dma_wait3A_123] : memref<32x78x128xi32, #tpu.memory_space<hbm>> -> memref<1x78x128xi32, #tpu.memory_space<hbm>>
      %dma_wait3A_125 = tpu.memref_squeeze %dma_wait3A_124 : memref<1x78x128xi32, #tpu.memory_space<hbm>> -> memref<78x128xi32, #tpu.memory_space<hbm>>
      tpu.wait_dma2 semaphore(%run_scoped3A_109 : memref<!tpu.dma_semaphore, #tpu.memory_space<semaphore_mem>>) src(%dma_wait3A_125 : memref<78x128xi32, #tpu.memory_space<hbm>>) dst(%arg8 : memref<78x128xi32, #tpu.memory_space<vmem>>)
      tpu.yield
    }) : () -> ()
    "tpu.region"() ({
      %run_scoped3A_109 = tpu.sem_alloc : memref<!tpu.dma_semaphore, #tpu.memory_space<semaphore_mem>>
      %dma_start3A_110 = arith.constant 0 : i32
      %dma_start3A_111 = arith.constant 0 : i32
      %dma_start3A_112 = tpu.memref_slice %arg3[%add3A, %dma_start3A_110, %dma_start3A_111] : memref<32x78x128xi32, #tpu.memory_space<hbm>> -> memref<1x78x128xi32, #tpu.memory_space<hbm>>
      %dma_start3A_113 = tpu.memref_squeeze %dma_start3A_112 : memref<1x78x128xi32, #tpu.memory_space<hbm>> -> memref<78x128xi32, #tpu.memory_space<hbm>>
      %dma_start3A_114 = arith.constant 0 : i32
      %dma_start3A_115 = arith.constant 0 : i32
      %dma_start3A_116 = tpu.memref_slice %arg3[%add3A, %dma_start3A_114, %dma_start3A_115] : memref<32x78x128xi32, #tpu.memory_space<hbm>> -> memref<1x78x128xi32, #tpu.memory_space<hbm>>
      %dma_start3A_117 = tpu.memref_squeeze %dma_start3A_116 : memref<1x78x128xi32, #tpu.memory_space<hbm>> -> memref<78x128xi32, #tpu.memory_space<hbm>>
      tpu.enqueue_dma source(%dma_start3A_117 : memref<78x128xi32, #tpu.memory_space<hbm>>) target(%arg9 : memref<78x128xi32, #tpu.memory_space<vmem>>) target_semaphore(%run_scoped3A_109 : memref<!tpu.dma_semaphore, #tpu.memory_space<semaphore_mem>>)
      %dma_wait3A_118 = arith.constant 0 : i32
      %dma_wait3A_119 = arith.constant 0 : i32
      %dma_wait3A_120 = tpu.memref_slice %arg3[%add3A, %dma_wait3A_118, %dma_wait3A_119] : memref<32x78x128xi32, #tpu.memory_space<hbm>> -> memref<1x78x128xi32, #tpu.memory_space<hbm>>
      %dma_wait3A_121 = tpu.memref_squeeze %dma_wait3A_120 : memref<1x78x128xi32, #tpu.memory_space<hbm>> -> memref<78x128xi32, #tpu.memory_space<hbm>>
      %dma_wait3A_122 = arith.constant 0 : i32
      %dma_wait3A_123 = arith.constant 0 : i32
      %dma_wait3A_124 = tpu.memref_slice %arg3[%add3A, %dma_wait3A_122, %dma_wait3A_123] : memref<32x78x128xi32, #tpu.memory_space<hbm>> -> memref<1x78x128xi32, #tpu.memory_space<hbm>>
      %dma_wait3A_125 = tpu.memref_squeeze %dma_wait3A_124 : memref<1x78x128xi32, #tpu.memory_space<hbm>> -> memref<78x128xi32, #tpu.memory_space<hbm>>
      tpu.wait_dma2 semaphore(%run_scoped3A_109 : memref<!tpu.dma_semaphore, #tpu.memory_space<semaphore_mem>>) src(%dma_wait3A_125 : memref<78x128xi32, #tpu.memory_space<hbm>>) dst(%arg9 : memref<78x128xi32, #tpu.memory_space<vmem>>)
      tpu.yield
    }) : () -> ()
    "tpu.region"() ({
      %run_scoped3A_109 = tpu.sem_alloc : memref<!tpu.dma_semaphore, #tpu.memory_space<semaphore_mem>>
      %dma_start3A_110 = arith.constant 0 : i32
      %dma_start3A_111 = tpu.memref_slice %arg4[%add3A, %dma_start3A_110] : memref<32x16xi32, #tpu.memory_space<hbm>> -> memref<1x16xi32, #tpu.memory_space<hbm>>
      %dma_start3A_112 = tpu.memref_squeeze %dma_start3A_111 : memref<1x16xi32, #tpu.memory_space<hbm>> -> memref<16xi32, #tpu.memory_space<hbm>>
      %dma_start3A_113 = arith.constant 0 : i32
      %dma_start3A_114 = tpu.memref_slice %arg4[%add3A, %dma_start3A_113] : memref<32x16xi32, #tpu.memory_space<hbm>> -> memref<1x16xi32, #tpu.memory_space<hbm>>
      %dma_start3A_115 = tpu.memref_squeeze %dma_start3A_114 : memref<1x16xi32, #tpu.memory_space<hbm>> -> memref<16xi32, #tpu.memory_space<hbm>>
      tpu.enqueue_dma source(%dma_start3A_115 : memref<16xi32, #tpu.memory_space<hbm>>) target(%arg10 : memref<16xi32, #tpu.memory_space<vmem>>) target_semaphore(%run_scoped3A_109 : memref<!tpu.dma_semaphore, #tpu.memory_space<semaphore_mem>>)
      %dma_wait3A_116 = arith.constant 0 : i32
      %dma_wait3A_117 = tpu.memref_slice %arg4[%add3A, %dma_wait3A_116] : memref<32x16xi32, #tpu.memory_space<hbm>> -> memref<1x16xi32, #tpu.memory_space<hbm>>
      %dma_wait3A_118 = tpu.memref_squeeze %dma_wait3A_117 : memref<1x16xi32, #tpu.memory_space<hbm>> -> memref<16xi32, #tpu.memory_space<hbm>>
      %dma_wait3A_119 = arith.constant 0 : i32
      %dma_wait3A_120 = tpu.memref_slice %arg4[%add3A, %dma_wait3A_119] : memref<32x16xi32, #tpu.memory_space<hbm>> -> memref<1x16xi32, #tpu.memory_space<hbm>>
      %dma_wait3A_121 = tpu.memref_squeeze %dma_wait3A_120 : memref<1x16xi32, #tpu.memory_space<hbm>> -> memref<16xi32, #tpu.memory_space<hbm>>
      tpu.wait_dma2 semaphore(%run_scoped3A_109 : memref<!tpu.dma_semaphore, #tpu.memory_space<semaphore_mem>>) src(%dma_wait3A_121 : memref<16xi32, #tpu.memory_space<hbm>>) dst(%arg10 : memref<16xi32, #tpu.memory_space<vmem>>)
      tpu.yield
    }) : () -> ()
    "tpu.region"() ({
      %run_scoped3A_109 = tpu.sem_alloc : memref<!tpu.dma_semaphore, #tpu.memory_space<semaphore_mem>>
      %dma_start3A_110 = arith.constant 0 : i32
      %dma_start3A_111 = tpu.memref_slice %arg5[%add3A, %dma_start3A_110] : memref<32x16xi32, #tpu.memory_space<hbm>> -> memref<1x16xi32, #tpu.memory_space<hbm>>
      %dma_start3A_112 = tpu.memref_squeeze %dma_start3A_111 : memref<1x16xi32, #tpu.memory_space<hbm>> -> memref<16xi32, #tpu.memory_space<hbm>>
      %dma_start3A_113 = arith.constant 0 : i32
      %dma_start3A_114 = tpu.memref_slice %arg5[%add3A, %dma_start3A_113] : memref<32x16xi32, #tpu.memory_space<hbm>> -> memref<1x16xi32, #tpu.memory_space<hbm>>
      %dma_start3A_115 = tpu.memref_squeeze %dma_start3A_114 : memref<1x16xi32, #tpu.memory_space<hbm>> -> memref<16xi32, #tpu.memory_space<hbm>>
      tpu.enqueue_dma source(%dma_start3A_115 : memref<16xi32, #tpu.memory_space<hbm>>) target(%arg11 : memref<16xi32, #tpu.memory_space<vmem>>) target_semaphore(%run_scoped3A_109 : memref<!tpu.dma_semaphore, #tpu.memory_space<semaphore_mem>>)
      %dma_wait3A_116 = arith.constant 0 : i32
      %dma_wait3A_117 = tpu.memref_slice %arg5[%add3A, %dma_wait3A_116] : memref<32x16xi32, #tpu.memory_space<hbm>> -> memref<1x16xi32, #tpu.memory_space<hbm>>
      %dma_wait3A_118 = tpu.memref_squeeze %dma_wait3A_117 : memref<1x16xi32, #tpu.memory_space<hbm>> -> memref<16xi32, #tpu.memory_space<hbm>>
      %dma_wait3A_119 = arith.constant 0 : i32
      %dma_wait3A_120 = tpu.memref_slice %arg5[%add3A, %dma_wait3A_119] : memref<32x16xi32, #tpu.memory_space<hbm>> -> memref<1x16xi32, #tpu.memory_space<hbm>>
      %dma_wait3A_121 = tpu.memref_squeeze %dma_wait3A_120 : memref<1x16xi32, #tpu.memory_space<hbm>> -> memref<16xi32, #tpu.memory_space<hbm>>
      tpu.wait_dma2 semaphore(%run_scoped3A_109 : memref<!tpu.dma_semaphore, #tpu.memory_space<semaphore_mem>>) src(%dma_wait3A_121 : memref<16xi32, #tpu.memory_space<hbm>>) dst(%arg11 : memref<16xi32, #tpu.memory_space<vmem>>)
      tpu.yield
    }) : () -> ()
    %barrier3A = arith.constant 0 : index
    tpu.barrier barrier_id(%barrier3A)
    %dma_start3A = arith.constant 0 : i32
    %dma_start3A_9 = arith.constant 0 : i32
    %dma_start3A_10 = tpu.memref_slice %arg8[%dma_start3A, %dma_start3A_9] : memref<78x128xi32, #tpu.memory_space<vmem>> -> memref<1x128xi32, #tpu.memory_space<vmem>>
    %dma_start3A_11 = tpu.memref_squeeze %dma_start3A_10 : memref<1x128xi32, #tpu.memory_space<vmem>> -> memref<128xi32, #tpu.memory_space<vmem>>
    %dma_start3A_12 = arith.constant 0 : i32
    %dma_start3A_13 = arith.constant 0 : i32
    %dma_start3A_14 = tpu.memref_slice %arg6[%dma_start3A_12, %dma_start3A_13] : memref<10240x32xf32, #tpu.memory_space<hbm>> -> memref<10240x32xf32, #tpu.memory_space<hbm>>
    tpu.enqueue_indirect_dma source(%dma_start3A_14 : memref<10240x32xf32, #tpu.memory_space<hbm>>) target(%arg12 : memref<128x32xf32, #tpu.memory_space<vmem>>) offsets(%dma_start3A_11 : memref<128xi32, #tpu.memory_space<vmem>>) semaphore(%arg19 : memref<!tpu.dma_semaphore, #tpu.memory_space<semaphore_mem>>)
    %dma_start3A_15 = arith.constant 1 : i32
    %dma_start3A_16 = arith.constant 0 : i32
    %dma_start3A_17 = tpu.memref_slice %arg8[%dma_start3A_15, %dma_start3A_16] : memref<78x128xi32, #tpu.memory_space<vmem>> -> memref<1x128xi32, #tpu.memory_space<vmem>>
    %dma_start3A_18 = tpu.memref_squeeze %dma_start3A_17 : memref<1x128xi32, #tpu.memory_space<vmem>> -> memref<128xi32, #tpu.memory_space<vmem>>
    %dma_start3A_19 = arith.constant 0 : i32
    %dma_start3A_20 = arith.constant 0 : i32
    %dma_start3A_21 = tpu.memref_slice %arg6[%dma_start3A_19, %dma_start3A_20] : memref<10240x32xf32, #tpu.memory_space<hbm>> -> memref<10240x32xf32, #tpu.memory_space<hbm>>
    tpu.enqueue_indirect_dma source(%dma_start3A_21 : memref<10240x32xf32, #tpu.memory_space<hbm>>) target(%arg13 : memref<128x32xf32, #tpu.memory_space<vmem>>) offsets(%dma_start3A_18 : memref<128xi32, #tpu.memory_space<vmem>>) semaphore(%arg19 : memref<!tpu.dma_semaphore, #tpu.memory_space<semaphore_mem>>)
    %dma_start3A_22 = arith.constant 2 : i32
    %dma_start3A_23 = arith.constant 0 : i32
    %dma_start3A_24 = tpu.memref_slice %arg8[%dma_start3A_22, %dma_start3A_23] : memref<78x128xi32, #tpu.memory_space<vmem>> -> memref<1x128xi32, #tpu.memory_space<vmem>>
    %dma_start3A_25 = tpu.memref_squeeze %dma_start3A_24 : memref<1x128xi32, #tpu.memory_space<vmem>> -> memref<128xi32, #tpu.memory_space<vmem>>
    %dma_start3A_26 = arith.constant 0 : i32
    %dma_start3A_27 = arith.constant 0 : i32
    %dma_start3A_28 = tpu.memref_slice %arg6[%dma_start3A_26, %dma_start3A_27] : memref<10240x32xf32, #tpu.memory_space<hbm>> -> memref<10240x32xf32, #tpu.memory_space<hbm>>
    tpu.enqueue_indirect_dma source(%dma_start3A_28 : memref<10240x32xf32, #tpu.memory_space<hbm>>) target(%arg14 : memref<128x32xf32, #tpu.memory_space<vmem>>) offsets(%dma_start3A_25 : memref<128xi32, #tpu.memory_space<vmem>>) semaphore(%arg20 : memref<!tpu.dma_semaphore, #tpu.memory_space<semaphore_mem>>)
    %dma_start3A_29 = arith.constant 3 : i32
    %dma_start3A_30 = arith.constant 0 : i32
    %dma_start3A_31 = tpu.memref_slice %arg8[%dma_start3A_29, %dma_start3A_30] : memref<78x128xi32, #tpu.memory_space<vmem>> -> memref<1x128xi32, #tpu.memory_space<vmem>>
    %dma_start3A_32 = tpu.memref_squeeze %dma_start3A_31 : memref<1x128xi32, #tpu.memory_space<vmem>> -> memref<128xi32, #tpu.memory_space<vmem>>
    %dma_start3A_33 = arith.constant 0 : i32
    %dma_start3A_34 = arith.constant 0 : i32
    %dma_start3A_35 = tpu.memref_slice %arg6[%dma_start3A_33, %dma_start3A_34] : memref<10240x32xf32, #tpu.memory_space<hbm>> -> memref<10240x32xf32, #tpu.memory_space<hbm>>
    tpu.enqueue_indirect_dma source(%dma_start3A_35 : memref<10240x32xf32, #tpu.memory_space<hbm>>) target(%arg15 : memref<128x32xf32, #tpu.memory_space<vmem>>) offsets(%dma_start3A_32 : memref<128xi32, #tpu.memory_space<vmem>>) semaphore(%arg20 : memref<!tpu.dma_semaphore, #tpu.memory_space<semaphore_mem>>)
    %scan3A_36 = arith.constant 0 : i32
    %scan3A_37 = arith.constant 0 : i32
    %scan3A_38 = arith.constant 18 : i32
    %scan3A_39 = arith.addi %scan3A_37, %scan3A_38 : i32
    %scan3A_40 = arith.constant 1 : i32
    scf.for %scan3A_109 = %scan3A_37 to %scan3A_39 step %scan3A_40  : i32 {
      %mul3A_110 = arith.constant 2 : i32
      %mul3A_111 = arith.muli %mul3A_110, %scan3A_109 : i32
      %mul3A_112 = arith.constant 2 : i32
      %mul3A_113 = arith.muli %mul3A_112, %mul3A_111 : i32
      %dma_wait3A_114 = arith.constant 0 : i32
      %dma_wait3A_115 = tpu.memref_slice %arg8[%mul3A_113, %dma_wait3A_114] : memref<78x128xi32, #tpu.memory_space<vmem>> -> memref<1x128xi32, #tpu.memory_space<vmem>>
      %dma_wait3A_116 = tpu.memref_squeeze %dma_wait3A_115 : memref<1x128xi32, #tpu.memory_space<vmem>> -> memref<128xi32, #tpu.memory_space<vmem>>
      %dma_wait3A_117 = arith.constant 0 : i32
      %dma_wait3A_118 = arith.constant 0 : i32
      %dma_wait3A_119 = tpu.memref_slice %arg6[%dma_wait3A_117, %dma_wait3A_118] : memref<10240x32xf32, #tpu.memory_space<hbm>> -> memref<10240x32xf32, #tpu.memory_space<hbm>>
      tpu.wait_indirect_dma semaphore(%arg19 : memref<!tpu.dma_semaphore, #tpu.memory_space<semaphore_mem>>) src(%dma_wait3A_119 : memref<10240x32xf32, #tpu.memory_space<hbm>>) dst(%arg12 : memref<128x32xf32, #tpu.memory_space<vmem>>)
      %mul3A_120 = arith.constant 2 : i32
      %mul3A_121 = arith.muli %mul3A_120, %mul3A_111 : i32
      %add3A_122 = arith.constant 1 : i32
      %add3A_123 = arith.addi %mul3A_121, %add3A_122 : i32
      %dma_wait3A_124 = arith.constant 0 : i32
      %dma_wait3A_125 = tpu.memref_slice %arg8[%add3A_123, %dma_wait3A_124] : memref<78x128xi32, #tpu.memory_space<vmem>> -> memref<1x128xi32, #tpu.memory_space<vmem>>
      %dma_wait3A_126 = tpu.memref_squeeze %dma_wait3A_125 : memref<1x128xi32, #tpu.memory_space<vmem>> -> memref<128xi32, #tpu.memory_space<vmem>>
      %dma_wait3A_127 = arith.constant 0 : i32
      %dma_wait3A_128 = arith.constant 0 : i32
      %dma_wait3A_129 = tpu.memref_slice %arg6[%dma_wait3A_127, %dma_wait3A_128] : memref<10240x32xf32, #tpu.memory_space<hbm>> -> memref<10240x32xf32, #tpu.memory_space<hbm>>
      tpu.wait_indirect_dma semaphore(%arg19 : memref<!tpu.dma_semaphore, #tpu.memory_space<semaphore_mem>>) src(%dma_wait3A_129 : memref<10240x32xf32, #tpu.memory_space<hbm>>) dst(%arg13 : memref<128x32xf32, #tpu.memory_space<vmem>>)
      %mul3A_130 = arith.constant 2 : i32
      %mul3A_131 = arith.muli %mul3A_130, %mul3A_111 : i32
      "tpu.region"() ({
        %run_scoped3A_202 = tpu.sem_alloc : memref<!tpu.dma_semaphore, #tpu.memory_space<semaphore_mem>>
        %dma_start3A_203 = arith.constant 0 : i32
        %dma_start3A_204 = tpu.memref_slice %arg9[%mul3A_131, %dma_start3A_203] : memref<78x128xi32, #tpu.memory_space<vmem>> -> memref<1x128xi32, #tpu.memory_space<vmem>>
        %dma_start3A_205 = tpu.memref_squeeze %dma_start3A_204 : memref<1x128xi32, #tpu.memory_space<vmem>> -> memref<128xi32, #tpu.memory_space<vmem>>
        %dma_start3A_206 = arith.constant 0 : i32
        %dma_start3A_207 = arith.constant 0 : i32
        %dma_start3A_208 = tpu.memref_slice %arg18[%dma_start3A_206, %dma_start3A_207] : memref<10240x32xf32, #tpu.memory_space<vmem_shared>> -> memref<10240x32xf32, #tpu.memory_space<vmem_shared>>
        tpu.enqueue_indirect_dma source(%arg12 : memref<128x32xf32, #tpu.memory_space<vmem>>) target(%dma_start3A_208 : memref<10240x32xf32, #tpu.memory_space<vmem_shared>>) offsets(%dma_start3A_205 : memref<128xi32, #tpu.memory_space<vmem>>) semaphore(%run_scoped3A_202 : memref<!tpu.dma_semaphore, #tpu.memory_space<semaphore_mem>>) {add = true}
        %dma_wait3A_209 = arith.constant 0 : i32
        %dma_wait3A_210 = tpu.memref_slice %arg9[%mul3A_131, %dma_wait3A_209] : memref<78x128xi32, #tpu.memory_space<vmem>> -> memref<1x128xi32, #tpu.memory_space<vmem>>
        %dma_wait3A_211 = tpu.memref_squeeze %dma_wait3A_210 : memref<1x128xi32, #tpu.memory_space<vmem>> -> memref<128xi32, #tpu.memory_space<vmem>>
        %dma_wait3A_212 = arith.constant 0 : i32
        %dma_wait3A_213 = arith.constant 0 : i32
        %dma_wait3A_214 = tpu.memref_slice %arg18[%dma_wait3A_212, %dma_wait3A_213] : memref<10240x32xf32, #tpu.memory_space<vmem_shared>> -> memref<10240x32xf32, #tpu.memory_space<vmem_shared>>
        tpu.wait_indirect_dma semaphore(%run_scoped3A_202 : memref<!tpu.dma_semaphore, #tpu.memory_space<semaphore_mem>>) src(%arg12 : memref<128x32xf32, #tpu.memory_space<vmem>>) dst(%dma_wait3A_214 : memref<10240x32xf32, #tpu.memory_space<vmem_shared>>)
        tpu.yield
      }) : () -> ()
      %mul3A_132 = arith.constant 2 : i32
      %mul3A_133 = arith.muli %mul3A_132, %mul3A_111 : i32
      %add3A_134 = arith.constant 1 : i32
      %add3A_135 = arith.addi %mul3A_133, %add3A_134 : i32
      "tpu.region"() ({
        %run_scoped3A_202 = tpu.sem_alloc : memref<!tpu.dma_semaphore, #tpu.memory_space<semaphore_mem>>
        %dma_start3A_203 = arith.constant 0 : i32
        %dma_start3A_204 = tpu.memref_slice %arg9[%add3A_135, %dma_start3A_203] : memref<78x128xi32, #tpu.memory_space<vmem>> -> memref<1x128xi32, #tpu.memory_space<vmem>>
        %dma_start3A_205 = tpu.memref_squeeze %dma_start3A_204 : memref<1x128xi32, #tpu.memory_space<vmem>> -> memref<128xi32, #tpu.memory_space<vmem>>
        %dma_start3A_206 = arith.constant 0 : i32
        %dma_start3A_207 = arith.constant 0 : i32
        %dma_start3A_208 = tpu.memref_slice %arg18[%dma_start3A_206, %dma_start3A_207] : memref<10240x32xf32, #tpu.memory_space<vmem_shared>> -> memref<10240x32xf32, #tpu.memory_space<vmem_shared>>
        tpu.enqueue_indirect_dma source(%arg13 : memref<128x32xf32, #tpu.memory_space<vmem>>) target(%dma_start3A_208 : memref<10240x32xf32, #tpu.memory_space<vmem_shared>>) offsets(%dma_start3A_205 : memref<128xi32, #tpu.memory_space<vmem>>) semaphore(%run_scoped3A_202 : memref<!tpu.dma_semaphore, #tpu.memory_space<semaphore_mem>>) {add = true}
        %dma_wait3A_209 = arith.constant 0 : i32
        %dma_wait3A_210 = tpu.memref_slice %arg9[%add3A_135, %dma_wait3A_209] : memref<78x128xi32, #tpu.memory_space<vmem>> -> memref<1x128xi32, #tpu.memory_space<vmem>>
        %dma_wait3A_211 = tpu.memref_squeeze %dma_wait3A_210 : memref<1x128xi32, #tpu.memory_space<vmem>> -> memref<128xi32, #tpu.memory_space<vmem>>
        %dma_wait3A_212 = arith.constant 0 : i32
        %dma_wait3A_213 = arith.constant 0 : i32
        %dma_wait3A_214 = tpu.memref_slice %arg18[%dma_wait3A_212, %dma_wait3A_213] : memref<10240x32xf32, #tpu.memory_space<vmem_shared>> -> memref<10240x32xf32, #tpu.memory_space<vmem_shared>>
        tpu.wait_indirect_dma semaphore(%run_scoped3A_202 : memref<!tpu.dma_semaphore, #tpu.memory_space<semaphore_mem>>) src(%arg13 : memref<128x32xf32, #tpu.memory_space<vmem>>) dst(%dma_wait3A_214 : memref<10240x32xf32, #tpu.memory_space<vmem_shared>>)
        tpu.yield
      }) : () -> ()
      %add3A_136 = arith.constant 2 : i32
      %add3A_137 = arith.addi %mul3A_111, %add3A_136 : i32
      %mul3A_138 = arith.constant 2 : i32
      %mul3A_139 = arith.muli %mul3A_138, %add3A_137 : i32
      %dma_start3A_140 = arith.constant 0 : i32
      %dma_start3A_141 = tpu.memref_slice %arg8[%mul3A_139, %dma_start3A_140] : memref<78x128xi32, #tpu.memory_space<vmem>> -> memref<1x128xi32, #tpu.memory_space<vmem>>
      %dma_start3A_142 = tpu.memref_squeeze %dma_start3A_141 : memref<1x128xi32, #tpu.memory_space<vmem>> -> memref<128xi32, #tpu.memory_space<vmem>>
      %dma_start3A_143 = arith.constant 0 : i32
      %dma_start3A_144 = arith.constant 0 : i32
      %dma_start3A_145 = tpu.memref_slice %arg6[%dma_start3A_143, %dma_start3A_144] : memref<10240x32xf32, #tpu.memory_space<hbm>> -> memref<10240x32xf32, #tpu.memory_space<hbm>>
      tpu.enqueue_indirect_dma source(%dma_start3A_145 : memref<10240x32xf32, #tpu.memory_space<hbm>>) target(%arg12 : memref<128x32xf32, #tpu.memory_space<vmem>>) offsets(%dma_start3A_142 : memref<128xi32, #tpu.memory_space<vmem>>) semaphore(%arg19 : memref<!tpu.dma_semaphore, #tpu.memory_space<semaphore_mem>>)
      %mul3A_146 = arith.constant 2 : i32
      %mul3A_147 = arith.muli %mul3A_146, %add3A_137 : i32
      %add3A_148 = arith.constant 1 : i32
      %add3A_149 = arith.addi %mul3A_147, %add3A_148 : i32
      %dma_start3A_150 = arith.constant 0 : i32
      %dma_start3A_151 = tpu.memref_slice %arg8[%add3A_149, %dma_start3A_150] : memref<78x128xi32, #tpu.memory_space<vmem>> -> memref<1x128xi32, #tpu.memory_space<vmem>>
      %dma_start3A_152 = tpu.memref_squeeze %dma_start3A_151 : memref<1x128xi32, #tpu.memory_space<vmem>> -> memref<128xi32, #tpu.memory_space<vmem>>
      %dma_start3A_153 = arith.constant 0 : i32
      %dma_start3A_154 = arith.constant 0 : i32
      %dma_start3A_155 = tpu.memref_slice %arg6[%dma_start3A_153, %dma_start3A_154] : memref<10240x32xf32, #tpu.memory_space<hbm>> -> memref<10240x32xf32, #tpu.memory_space<hbm>>
      tpu.enqueue_indirect_dma source(%dma_start3A_155 : memref<10240x32xf32, #tpu.memory_space<hbm>>) target(%arg13 : memref<128x32xf32, #tpu.memory_space<vmem>>) offsets(%dma_start3A_152 : memref<128xi32, #tpu.memory_space<vmem>>) semaphore(%arg19 : memref<!tpu.dma_semaphore, #tpu.memory_space<semaphore_mem>>)
      %add3A_156 = arith.constant 1 : i32
      %add3A_157 = arith.addi %mul3A_111, %add3A_156 : i32
      %mul3A_158 = arith.constant 2 : i32
      %mul3A_159 = arith.muli %mul3A_158, %add3A_157 : i32
      %dma_wait3A_160 = arith.constant 0 : i32
      %dma_wait3A_161 = tpu.memref_slice %arg8[%mul3A_159, %dma_wait3A_160] : memref<78x128xi32, #tpu.memory_space<vmem>> -> memref<1x128xi32, #tpu.memory_space<vmem>>
      %dma_wait3A_162 = tpu.memref_squeeze %dma_wait3A_161 : memref<1x128xi32, #tpu.memory_space<vmem>> -> memref<128xi32, #tpu.memory_space<vmem>>
      %dma_wait3A_163 = arith.constant 0 : i32
      %dma_wait3A_164 = arith.constant 0 : i32
      %dma_wait3A_165 = tpu.memref_slice %arg6[%dma_wait3A_163, %dma_wait3A_164] : memref<10240x32xf32, #tpu.memory_space<hbm>> -> memref<10240x32xf32, #tpu.memory_space<hbm>>
      tpu.wait_indirect_dma semaphore(%arg20 : memref<!tpu.dma_semaphore, #tpu.memory_space<semaphore_mem>>) src(%dma_wait3A_165 : memref<10240x32xf32, #tpu.memory_space<hbm>>) dst(%arg14 : memref<128x32xf32, #tpu.memory_space<vmem>>)
      %mul3A_166 = arith.constant 2 : i32
      %mul3A_167 = arith.muli %mul3A_166, %add3A_157 : i32
      %add3A_168 = arith.constant 1 : i32
      %add3A_169 = arith.addi %mul3A_167, %add3A_168 : i32
      %dma_wait3A_170 = arith.constant 0 : i32
      %dma_wait3A_171 = tpu.memref_slice %arg8[%add3A_169, %dma_wait3A_170] : memref<78x128xi32, #tpu.memory_space<vmem>> -> memref<1x128xi32, #tpu.memory_space<vmem>>
      %dma_wait3A_172 = tpu.memref_squeeze %dma_wait3A_171 : memref<1x128xi32, #tpu.memory_space<vmem>> -> memref<128xi32, #tpu.memory_space<vmem>>
      %dma_wait3A_173 = arith.constant 0 : i32
      %dma_wait3A_174 = arith.constant 0 : i32
      %dma_wait3A_175 = tpu.memref_slice %arg6[%dma_wait3A_173, %dma_wait3A_174] : memref<10240x32xf32, #tpu.memory_space<hbm>> -> memref<10240x32xf32, #tpu.memory_space<hbm>>
      tpu.wait_indirect_dma semaphore(%arg20 : memref<!tpu.dma_semaphore, #tpu.memory_space<semaphore_mem>>) src(%dma_wait3A_175 : memref<10240x32xf32, #tpu.memory_space<hbm>>) dst(%arg15 : memref<128x32xf32, #tpu.memory_space<vmem>>)
      %mul3A_176 = arith.constant 2 : i32
      %mul3A_177 = arith.muli %mul3A_176, %add3A_157 : i32
      "tpu.region"() ({
        %run_scoped3A_202 = tpu.sem_alloc : memref<!tpu.dma_semaphore, #tpu.memory_space<semaphore_mem>>
        %dma_start3A_203 = arith.constant 0 : i32
        %dma_start3A_204 = tpu.memref_slice %arg9[%mul3A_177, %dma_start3A_203] : memref<78x128xi32, #tpu.memory_space<vmem>> -> memref<1x128xi32, #tpu.memory_space<vmem>>
        %dma_start3A_205 = tpu.memref_squeeze %dma_start3A_204 : memref<1x128xi32, #tpu.memory_space<vmem>> -> memref<128xi32, #tpu.memory_space<vmem>>
        %dma_start3A_206 = arith.constant 0 : i32
        %dma_start3A_207 = arith.constant 0 : i32
        %dma_start3A_208 = tpu.memref_slice %arg18[%dma_start3A_206, %dma_start3A_207] : memref<10240x32xf32, #tpu.memory_space<vmem_shared>> -> memref<10240x32xf32, #tpu.memory_space<vmem_shared>>
        tpu.enqueue_indirect_dma source(%arg14 : memref<128x32xf32, #tpu.memory_space<vmem>>) target(%dma_start3A_208 : memref<10240x32xf32, #tpu.memory_space<vmem_shared>>) offsets(%dma_start3A_205 : memref<128xi32, #tpu.memory_space<vmem>>) semaphore(%run_scoped3A_202 : memref<!tpu.dma_semaphore, #tpu.memory_space<semaphore_mem>>) {add = true}
        %dma_wait3A_209 = arith.constant 0 : i32
        %dma_wait3A_210 = tpu.memref_slice %arg9[%mul3A_177, %dma_wait3A_209] : memref<78x128xi32, #tpu.memory_space<vmem>> -> memref<1x128xi32, #tpu.memory_space<vmem>>
        %dma_wait3A_211 = tpu.memref_squeeze %dma_wait3A_210 : memref<1x128xi32, #tpu.memory_space<vmem>> -> memref<128xi32, #tpu.memory_space<vmem>>
        %dma_wait3A_212 = arith.constant 0 : i32
        %dma_wait3A_213 = arith.constant 0 : i32
        %dma_wait3A_214 = tpu.memref_slice %arg18[%dma_wait3A_212, %dma_wait3A_213] : memref<10240x32xf32, #tpu.memory_space<vmem_shared>> -> memref<10240x32xf32, #tpu.memory_space<vmem_shared>>
        tpu.wait_indirect_dma semaphore(%run_scoped3A_202 : memref<!tpu.dma_semaphore, #tpu.memory_space<semaphore_mem>>) src(%arg14 : memref<128x32xf32, #tpu.memory_space<vmem>>) dst(%dma_wait3A_214 : memref<10240x32xf32, #tpu.memory_space<vmem_shared>>)
        tpu.yield
      }) : () -> ()
      %mul3A_178 = arith.constant 2 : i32
      %mul3A_179 = arith.muli %mul3A_178, %add3A_157 : i32
      %add3A_180 = arith.constant 1 : i32
      %add3A_181 = arith.addi %mul3A_179, %add3A_180 : i32
      "tpu.region"() ({
        %run_scoped3A_202 = tpu.sem_alloc : memref<!tpu.dma_semaphore, #tpu.memory_space<semaphore_mem>>
        %dma_start3A_203 = arith.constant 0 : i32
        %dma_start3A_204 = tpu.memref_slice %arg9[%add3A_181, %dma_start3A_203] : memref<78x128xi32, #tpu.memory_space<vmem>> -> memref<1x128xi32, #tpu.memory_space<vmem>>
        %dma_start3A_205 = tpu.memref_squeeze %dma_start3A_204 : memref<1x128xi32, #tpu.memory_space<vmem>> -> memref<128xi32, #tpu.memory_space<vmem>>
        %dma_start3A_206 = arith.constant 0 : i32
        %dma_start3A_207 = arith.constant 0 : i32
        %dma_start3A_208 = tpu.memref_slice %arg18[%dma_start3A_206, %dma_start3A_207] : memref<10240x32xf32, #tpu.memory_space<vmem_shared>> -> memref<10240x32xf32, #tpu.memory_space<vmem_shared>>
        tpu.enqueue_indirect_dma source(%arg15 : memref<128x32xf32, #tpu.memory_space<vmem>>) target(%dma_start3A_208 : memref<10240x32xf32, #tpu.memory_space<vmem_shared>>) offsets(%dma_start3A_205 : memref<128xi32, #tpu.memory_space<vmem>>) semaphore(%run_scoped3A_202 : memref<!tpu.dma_semaphore, #tpu.memory_space<semaphore_mem>>) {add = true}
        %dma_wait3A_209 = arith.constant 0 : i32
        %dma_wait3A_210 = tpu.memref_slice %arg9[%add3A_181, %dma_wait3A_209] : memref<78x128xi32, #tpu.memory_space<vmem>> -> memref<1x128xi32, #tpu.memory_space<vmem>>
        %dma_wait3A_211 = tpu.memref_squeeze %dma_wait3A_210 : memref<1x128xi32, #tpu.memory_space<vmem>> -> memref<128xi32, #tpu.memory_space<vmem>>
        %dma_wait3A_212 = arith.constant 0 : i32
        %dma_wait3A_213 = arith.constant 0 : i32
        %dma_wait3A_214 = tpu.memref_slice %arg18[%dma_wait3A_212, %dma_wait3A_213] : memref<10240x32xf32, #tpu.memory_space<vmem_shared>> -> memref<10240x32xf32, #tpu.memory_space<vmem_shared>>
        tpu.wait_indirect_dma semaphore(%run_scoped3A_202 : memref<!tpu.dma_semaphore, #tpu.memory_space<semaphore_mem>>) src(%arg15 : memref<128x32xf32, #tpu.memory_space<vmem>>) dst(%dma_wait3A_214 : memref<10240x32xf32, #tpu.memory_space<vmem_shared>>)
        tpu.yield
      }) : () -> ()
      %add3A_182 = arith.constant 3 : i32
      %add3A_183 = arith.addi %mul3A_111, %add3A_182 : i32
      %mul3A_184 = arith.constant 2 : i32
      %mul3A_185 = arith.muli %mul3A_184, %add3A_183 : i32
      %dma_start3A_186 = arith.constant 0 : i32
      %dma_start3A_187 = tpu.memref_slice %arg8[%mul3A_185, %dma_start3A_186] : memref<78x128xi32, #tpu.memory_space<vmem>> -> memref<1x128xi32, #tpu.memory_space<vmem>>
      %dma_start3A_188 = tpu.memref_squeeze %dma_start3A_187 : memref<1x128xi32, #tpu.memory_space<vmem>> -> memref<128xi32, #tpu.memory_space<vmem>>
      %dma_start3A_189 = arith.constant 0 : i32
      %dma_start3A_190 = arith.constant 0 : i32
      %dma_start3A_191 = tpu.memref_slice %arg6[%dma_start3A_189, %dma_start3A_190] : memref<10240x32xf32, #tpu.memory_space<hbm>> -> memref<10240x32xf32, #tpu.memory_space<hbm>>
      tpu.enqueue_indirect_dma source(%dma_start3A_191 : memref<10240x32xf32, #tpu.memory_space<hbm>>) target(%arg14 : memref<128x32xf32, #tpu.memory_space<vmem>>) offsets(%dma_start3A_188 : memref<128xi32, #tpu.memory_space<vmem>>) semaphore(%arg20 : memref<!tpu.dma_semaphore, #tpu.memory_space<semaphore_mem>>)
      %mul3A_192 = arith.constant 2 : i32
      %mul3A_193 = arith.muli %mul3A_192, %add3A_183 : i32
      %add3A_194 = arith.constant 1 : i32
      %add3A_195 = arith.addi %mul3A_193, %add3A_194 : i32
      %dma_start3A_196 = arith.constant 0 : i32
      %dma_start3A_197 = tpu.memref_slice %arg8[%add3A_195, %dma_start3A_196] : memref<78x128xi32, #tpu.memory_space<vmem>> -> memref<1x128xi32, #tpu.memory_space<vmem>>
      %dma_start3A_198 = tpu.memref_squeeze %dma_start3A_197 : memref<1x128xi32, #tpu.memory_space<vmem>> -> memref<128xi32, #tpu.memory_space<vmem>>
      %dma_start3A_199 = arith.constant 0 : i32
      %dma_start3A_200 = arith.constant 0 : i32
      %dma_start3A_201 = tpu.memref_slice %arg6[%dma_start3A_199, %dma_start3A_200] : memref<10240x32xf32, #tpu.memory_space<hbm>> -> memref<10240x32xf32, #tpu.memory_space<hbm>>
      tpu.enqueue_indirect_dma source(%dma_start3A_201 : memref<10240x32xf32, #tpu.memory_space<hbm>>) target(%arg15 : memref<128x32xf32, #tpu.memory_space<vmem>>) offsets(%dma_start3A_198 : memref<128xi32, #tpu.memory_space<vmem>>) semaphore(%arg20 : memref<!tpu.dma_semaphore, #tpu.memory_space<semaphore_mem>>)
    }
    %scan3A_41 = arith.constant 18 : i32
    %dma_wait3A = arith.constant 72 : i32
    %dma_wait3A_42 = arith.constant 0 : i32
    %dma_wait3A_43 = tpu.memref_slice %arg8[%dma_wait3A, %dma_wait3A_42] : memref<78x128xi32, #tpu.memory_space<vmem>> -> memref<1x128xi32, #tpu.memory_space<vmem>>
    %dma_wait3A_44 = tpu.memref_squeeze %dma_wait3A_43 : memref<1x128xi32, #tpu.memory_space<vmem>> -> memref<128xi32, #tpu.memory_space<vmem>>
    %dma_wait3A_45 = arith.constant 0 : i32
    %dma_wait3A_46 = arith.constant 0 : i32
    %dma_wait3A_47 = tpu.memref_slice %arg6[%dma_wait3A_45, %dma_wait3A_46] : memref<10240x32xf32, #tpu.memory_space<hbm>> -> memref<10240x32xf32, #tpu.memory_space<hbm>>
    tpu.wait_indirect_dma semaphore(%arg19 : memref<!tpu.dma_semaphore, #tpu.memory_space<semaphore_mem>>) src(%dma_wait3A_47 : memref<10240x32xf32, #tpu.memory_space<hbm>>) dst(%arg12 : memref<128x32xf32, #tpu.memory_space<vmem>>)
    %dma_wait3A_48 = arith.constant 73 : i32
    %dma_wait3A_49 = arith.constant 0 : i32
    %dma_wait3A_50 = tpu.memref_slice %arg8[%dma_wait3A_48, %dma_wait3A_49] : memref<78x128xi32, #tpu.memory_space<vmem>> -> memref<1x128xi32, #tpu.memory_space<vmem>>
    %dma_wait3A_51 = tpu.memref_squeeze %dma_wait3A_50 : memref<1x128xi32, #tpu.memory_space<vmem>> -> memref<128xi32, #tpu.memory_space<vmem>>
    %dma_wait3A_52 = arith.constant 0 : i32
    %dma_wait3A_53 = arith.constant 0 : i32
    %dma_wait3A_54 = tpu.memref_slice %arg6[%dma_wait3A_52, %dma_wait3A_53] : memref<10240x32xf32, #tpu.memory_space<hbm>> -> memref<10240x32xf32, #tpu.memory_space<hbm>>
    tpu.wait_indirect_dma semaphore(%arg19 : memref<!tpu.dma_semaphore, #tpu.memory_space<semaphore_mem>>) src(%dma_wait3A_54 : memref<10240x32xf32, #tpu.memory_space<hbm>>) dst(%arg13 : memref<128x32xf32, #tpu.memory_space<vmem>>)
    %run_scoped3A = arith.constant 72 : i32
    "tpu.region"() ({
      %run_scoped3A_109 = tpu.sem_alloc : memref<!tpu.dma_semaphore, #tpu.memory_space<semaphore_mem>>
      %dma_start3A_110 = arith.constant 0 : i32
      %dma_start3A_111 = tpu.memref_slice %arg9[%run_scoped3A, %dma_start3A_110] : memref<78x128xi32, #tpu.memory_space<vmem>> -> memref<1x128xi32, #tpu.memory_space<vmem>>
      %dma_start3A_112 = tpu.memref_squeeze %dma_start3A_111 : memref<1x128xi32, #tpu.memory_space<vmem>> -> memref<128xi32, #tpu.memory_space<vmem>>
      %dma_start3A_113 = arith.constant 0 : i32
      %dma_start3A_114 = arith.constant 0 : i32
      %dma_start3A_115 = tpu.memref_slice %arg18[%dma_start3A_113, %dma_start3A_114] : memref<10240x32xf32, #tpu.memory_space<vmem_shared>> -> memref<10240x32xf32, #tpu.memory_space<vmem_shared>>
      tpu.enqueue_indirect_dma source(%arg12 : memref<128x32xf32, #tpu.memory_space<vmem>>) target(%dma_start3A_115 : memref<10240x32xf32, #tpu.memory_space<vmem_shared>>) offsets(%dma_start3A_112 : memref<128xi32, #tpu.memory_space<vmem>>) semaphore(%run_scoped3A_109 : memref<!tpu.dma_semaphore, #tpu.memory_space<semaphore_mem>>) {add = true}
      %dma_wait3A_116 = arith.constant 0 : i32
      %dma_wait3A_117 = tpu.memref_slice %arg9[%run_scoped3A, %dma_wait3A_116] : memref<78x128xi32, #tpu.memory_space<vmem>> -> memref<1x128xi32, #tpu.memory_space<vmem>>
      %dma_wait3A_118 = tpu.memref_squeeze %dma_wait3A_117 : memref<1x128xi32, #tpu.memory_space<vmem>> -> memref<128xi32, #tpu.memory_space<vmem>>
      %dma_wait3A_119 = arith.constant 0 : i32
      %dma_wait3A_120 = arith.constant 0 : i32
      %dma_wait3A_121 = tpu.memref_slice %arg18[%dma_wait3A_119, %dma_wait3A_120] : memref<10240x32xf32, #tpu.memory_space<vmem_shared>> -> memref<10240x32xf32, #tpu.memory_space<vmem_shared>>
      tpu.wait_indirect_dma semaphore(%run_scoped3A_109 : memref<!tpu.dma_semaphore, #tpu.memory_space<semaphore_mem>>) src(%arg12 : memref<128x32xf32, #tpu.memory_space<vmem>>) dst(%dma_wait3A_121 : memref<10240x32xf32, #tpu.memory_space<vmem_shared>>)
      tpu.yield
    }) : () -> ()
    %run_scoped3A_55 = arith.constant 73 : i32
    "tpu.region"() ({
      %run_scoped3A_109 = tpu.sem_alloc : memref<!tpu.dma_semaphore, #tpu.memory_space<semaphore_mem>>
      %dma_start3A_110 = arith.constant 0 : i32
      %dma_start3A_111 = tpu.memref_slice %arg9[%run_scoped3A_55, %dma_start3A_110] : memref<78x128xi32, #tpu.memory_space<vmem>> -> memref<1x128xi32, #tpu.memory_space<vmem>>
      %dma_start3A_112 = tpu.memref_squeeze %dma_start3A_111 : memref<1x128xi32, #tpu.memory_space<vmem>> -> memref<128xi32, #tpu.memory_space<vmem>>
      %dma_start3A_113 = arith.constant 0 : i32
      %dma_start3A_114 = arith.constant 0 : i32
      %dma_start3A_115 = tpu.memref_slice %arg18[%dma_start3A_113, %dma_start3A_114] : memref<10240x32xf32, #tpu.memory_space<vmem_shared>> -> memref<10240x32xf32, #tpu.memory_space<vmem_shared>>
      tpu.enqueue_indirect_dma source(%arg13 : memref<128x32xf32, #tpu.memory_space<vmem>>) target(%dma_start3A_115 : memref<10240x32xf32, #tpu.memory_space<vmem_shared>>) offsets(%dma_start3A_112 : memref<128xi32, #tpu.memory_space<vmem>>) semaphore(%run_scoped3A_109 : memref<!tpu.dma_semaphore, #tpu.memory_space<semaphore_mem>>) {add = true}
      %dma_wait3A_116 = arith.constant 0 : i32
      %dma_wait3A_117 = tpu.memref_slice %arg9[%run_scoped3A_55, %dma_wait3A_116] : memref<78x128xi32, #tpu.memory_space<vmem>> -> memref<1x128xi32, #tpu.memory_space<vmem>>
      %dma_wait3A_118 = tpu.memref_squeeze %dma_wait3A_117 : memref<1x128xi32, #tpu.memory_space<vmem>> -> memref<128xi32, #tpu.memory_space<vmem>>
      %dma_wait3A_119 = arith.constant 0 : i32
      %dma_wait3A_120 = arith.constant 0 : i32
      %dma_wait3A_121 = tpu.memref_slice %arg18[%dma_wait3A_119, %dma_wait3A_120] : memref<10240x32xf32, #tpu.memory_space<vmem_shared>> -> memref<10240x32xf32, #tpu.memory_space<vmem_shared>>
      tpu.wait_indirect_dma semaphore(%run_scoped3A_109 : memref<!tpu.dma_semaphore, #tpu.memory_space<semaphore_mem>>) src(%arg13 : memref<128x32xf32, #tpu.memory_space<vmem>>) dst(%dma_wait3A_121 : memref<10240x32xf32, #tpu.memory_space<vmem_shared>>)
      tpu.yield
    }) : () -> ()
    %dma_wait3A_56 = arith.constant 74 : i32
    %dma_wait3A_57 = arith.constant 0 : i32
    %dma_wait3A_58 = tpu.memref_slice %arg8[%dma_wait3A_56, %dma_wait3A_57] : memref<78x128xi32, #tpu.memory_space<vmem>> -> memref<1x128xi32, #tpu.memory_space<vmem>>
    %dma_wait3A_59 = tpu.memref_squeeze %dma_wait3A_58 : memref<1x128xi32, #tpu.memory_space<vmem>> -> memref<128xi32, #tpu.memory_space<vmem>>
    %dma_wait3A_60 = arith.constant 0 : i32
    %dma_wait3A_61 = arith.constant 0 : i32
    %dma_wait3A_62 = tpu.memref_slice %arg6[%dma_wait3A_60, %dma_wait3A_61] : memref<10240x32xf32, #tpu.memory_space<hbm>> -> memref<10240x32xf32, #tpu.memory_space<hbm>>
    tpu.wait_indirect_dma semaphore(%arg20 : memref<!tpu.dma_semaphore, #tpu.memory_space<semaphore_mem>>) src(%dma_wait3A_62 : memref<10240x32xf32, #tpu.memory_space<hbm>>) dst(%arg14 : memref<128x32xf32, #tpu.memory_space<vmem>>)
    %dma_wait3A_63 = arith.constant 75 : i32
    %dma_wait3A_64 = arith.constant 0 : i32
    %dma_wait3A_65 = tpu.memref_slice %arg8[%dma_wait3A_63, %dma_wait3A_64] : memref<78x128xi32, #tpu.memory_space<vmem>> -> memref<1x128xi32, #tpu.memory_space<vmem>>
    %dma_wait3A_66 = tpu.memref_squeeze %dma_wait3A_65 : memref<1x128xi32, #tpu.memory_space<vmem>> -> memref<128xi32, #tpu.memory_space<vmem>>
    %dma_wait3A_67 = arith.constant 0 : i32
    %dma_wait3A_68 = arith.constant 0 : i32
    %dma_wait3A_69 = tpu.memref_slice %arg6[%dma_wait3A_67, %dma_wait3A_68] : memref<10240x32xf32, #tpu.memory_space<hbm>> -> memref<10240x32xf32, #tpu.memory_space<hbm>>
    tpu.wait_indirect_dma semaphore(%arg20 : memref<!tpu.dma_semaphore, #tpu.memory_space<semaphore_mem>>) src(%dma_wait3A_69 : memref<10240x32xf32, #tpu.memory_space<hbm>>) dst(%arg15 : memref<128x32xf32, #tpu.memory_space<vmem>>)
    %run_scoped3A_70 = arith.constant 74 : i32
    "tpu.region"() ({
      %run_scoped3A_109 = tpu.sem_alloc : memref<!tpu.dma_semaphore, #tpu.memory_space<semaphore_mem>>
      %dma_start3A_110 = arith.constant 0 : i32
      %dma_start3A_111 = tpu.memref_slice %arg9[%run_scoped3A_70, %dma_start3A_110] : memref<78x128xi32, #tpu.memory_space<vmem>> -> memref<1x128xi32, #tpu.memory_space<vmem>>
      %dma_start3A_112 = tpu.memref_squeeze %dma_start3A_111 : memref<1x128xi32, #tpu.memory_space<vmem>> -> memref<128xi32, #tpu.memory_space<vmem>>
      %dma_start3A_113 = arith.constant 0 : i32
      %dma_start3A_114 = arith.constant 0 : i32
      %dma_start3A_115 = tpu.memref_slice %arg18[%dma_start3A_113, %dma_start3A_114] : memref<10240x32xf32, #tpu.memory_space<vmem_shared>> -> memref<10240x32xf32, #tpu.memory_space<vmem_shared>>
      tpu.enqueue_indirect_dma source(%arg14 : memref<128x32xf32, #tpu.memory_space<vmem>>) target(%dma_start3A_115 : memref<10240x32xf32, #tpu.memory_space<vmem_shared>>) offsets(%dma_start3A_112 : memref<128xi32, #tpu.memory_space<vmem>>) semaphore(%run_scoped3A_109 : memref<!tpu.dma_semaphore, #tpu.memory_space<semaphore_mem>>) {add = true}
      %dma_wait3A_116 = arith.constant 0 : i32
      %dma_wait3A_117 = tpu.memref_slice %arg9[%run_scoped3A_70, %dma_wait3A_116] : memref<78x128xi32, #tpu.memory_space<vmem>> -> memref<1x128xi32, #tpu.memory_space<vmem>>
      %dma_wait3A_118 = tpu.memref_squeeze %dma_wait3A_117 : memref<1x128xi32, #tpu.memory_space<vmem>> -> memref<128xi32, #tpu.memory_space<vmem>>
      %dma_wait3A_119 = arith.constant 0 : i32
      %dma_wait3A_120 = arith.constant 0 : i32
      %dma_wait3A_121 = tpu.memref_slice %arg18[%dma_wait3A_119, %dma_wait3A_120] : memref<10240x32xf32, #tpu.memory_space<vmem_shared>> -> memref<10240x32xf32, #tpu.memory_space<vmem_shared>>
      tpu.wait_indirect_dma semaphore(%run_scoped3A_109 : memref<!tpu.dma_semaphore, #tpu.memory_space<semaphore_mem>>) src(%arg14 : memref<128x32xf32, #tpu.memory_space<vmem>>) dst(%dma_wait3A_121 : memref<10240x32xf32, #tpu.memory_space<vmem_shared>>)
      tpu.yield
    }) : () -> ()
    %run_scoped3A_71 = arith.constant 75 : i32
    "tpu.region"() ({
      %run_scoped3A_109 = tpu.sem_alloc : memref<!tpu.dma_semaphore, #tpu.memory_space<semaphore_mem>>
      %dma_start3A_110 = arith.constant 0 : i32
      %dma_start3A_111 = tpu.memref_slice %arg9[%run_scoped3A_71, %dma_start3A_110] : memref<78x128xi32, #tpu.memory_space<vmem>> -> memref<1x128xi32, #tpu.memory_space<vmem>>
      %dma_start3A_112 = tpu.memref_squeeze %dma_start3A_111 : memref<1x128xi32, #tpu.memory_space<vmem>> -> memref<128xi32, #tpu.memory_space<vmem>>
      %dma_start3A_113 = arith.constant 0 : i32
      %dma_start3A_114 = arith.constant 0 : i32
      %dma_start3A_115 = tpu.memref_slice %arg18[%dma_start3A_113, %dma_start3A_114] : memref<10240x32xf32, #tpu.memory_space<vmem_shared>> -> memref<10240x32xf32, #tpu.memory_space<vmem_shared>>
      tpu.enqueue_indirect_dma source(%arg15 : memref<128x32xf32, #tpu.memory_space<vmem>>) target(%dma_start3A_115 : memref<10240x32xf32, #tpu.memory_space<vmem_shared>>) offsets(%dma_start3A_112 : memref<128xi32, #tpu.memory_space<vmem>>) semaphore(%run_scoped3A_109 : memref<!tpu.dma_semaphore, #tpu.memory_space<semaphore_mem>>) {add = true}
      %dma_wait3A_116 = arith.constant 0 : i32
      %dma_wait3A_117 = tpu.memref_slice %arg9[%run_scoped3A_71, %dma_wait3A_116] : memref<78x128xi32, #tpu.memory_space<vmem>> -> memref<1x128xi32, #tpu.memory_space<vmem>>
      %dma_wait3A_118 = tpu.memref_squeeze %dma_wait3A_117 : memref<1x128xi32, #tpu.memory_space<vmem>> -> memref<128xi32, #tpu.memory_space<vmem>>
      %dma_wait3A_119 = arith.constant 0 : i32
      %dma_wait3A_120 = arith.constant 0 : i32
      %dma_wait3A_121 = tpu.memref_slice %arg18[%dma_wait3A_119, %dma_wait3A_120] : memref<10240x32xf32, #tpu.memory_space<vmem_shared>> -> memref<10240x32xf32, #tpu.memory_space<vmem_shared>>
      tpu.wait_indirect_dma semaphore(%run_scoped3A_109 : memref<!tpu.dma_semaphore, #tpu.memory_space<semaphore_mem>>) src(%arg15 : memref<128x32xf32, #tpu.memory_space<vmem>>) dst(%dma_wait3A_121 : memref<10240x32xf32, #tpu.memory_space<vmem_shared>>)
      tpu.yield
    }) : () -> ()
    %dma_start3A_72 = arith.constant 76 : i32
    %dma_start3A_73 = arith.constant 0 : i32
    %dma_start3A_74 = tpu.memref_slice %arg8[%dma_start3A_72, %dma_start3A_73] : memref<78x128xi32, #tpu.memory_space<vmem>> -> memref<1x128xi32, #tpu.memory_space<vmem>>
    %dma_start3A_75 = tpu.memref_squeeze %dma_start3A_74 : memref<1x128xi32, #tpu.memory_space<vmem>> -> memref<128xi32, #tpu.memory_space<vmem>>
    %dma_start3A_76 = arith.constant 0 : i32
    %dma_start3A_77 = arith.constant 0 : i32
    %dma_start3A_78 = tpu.memref_slice %arg6[%dma_start3A_76, %dma_start3A_77] : memref<10240x32xf32, #tpu.memory_space<hbm>> -> memref<10240x32xf32, #tpu.memory_space<hbm>>
    tpu.enqueue_indirect_dma source(%dma_start3A_78 : memref<10240x32xf32, #tpu.memory_space<hbm>>) target(%arg12 : memref<128x32xf32, #tpu.memory_space<vmem>>) offsets(%dma_start3A_75 : memref<128xi32, #tpu.memory_space<vmem>>) semaphore(%arg19 : memref<!tpu.dma_semaphore, #tpu.memory_space<semaphore_mem>>)
    %dma_wait3A_79 = arith.constant 76 : i32
    %dma_wait3A_80 = arith.constant 0 : i32
    %dma_wait3A_81 = tpu.memref_slice %arg8[%dma_wait3A_79, %dma_wait3A_80] : memref<78x128xi32, #tpu.memory_space<vmem>> -> memref<1x128xi32, #tpu.memory_space<vmem>>
    %dma_wait3A_82 = tpu.memref_squeeze %dma_wait3A_81 : memref<1x128xi32, #tpu.memory_space<vmem>> -> memref<128xi32, #tpu.memory_space<vmem>>
    %dma_wait3A_83 = arith.constant 0 : i32
    %dma_wait3A_84 = arith.constant 0 : i32
    %dma_wait3A_85 = tpu.memref_slice %arg6[%dma_wait3A_83, %dma_wait3A_84] : memref<10240x32xf32, #tpu.memory_space<hbm>> -> memref<10240x32xf32, #tpu.memory_space<hbm>>
    tpu.wait_indirect_dma semaphore(%arg19 : memref<!tpu.dma_semaphore, #tpu.memory_space<semaphore_mem>>) src(%dma_wait3A_85 : memref<10240x32xf32, #tpu.memory_space<hbm>>) dst(%arg12 : memref<128x32xf32, #tpu.memory_space<vmem>>)
    %run_scoped3A_86 = arith.constant 76 : i32
    "tpu.region"() ({
      %run_scoped3A_109 = tpu.sem_alloc : memref<!tpu.dma_semaphore, #tpu.memory_space<semaphore_mem>>
      %dma_start3A_110 = arith.constant 0 : i32
      %dma_start3A_111 = tpu.memref_slice %arg9[%run_scoped3A_86, %dma_start3A_110] : memref<78x128xi32, #tpu.memory_space<vmem>> -> memref<1x128xi32, #tpu.memory_space<vmem>>
      %dma_start3A_112 = tpu.memref_squeeze %dma_start3A_111 : memref<1x128xi32, #tpu.memory_space<vmem>> -> memref<128xi32, #tpu.memory_space<vmem>>
      %dma_start3A_113 = arith.constant 0 : i32
      %dma_start3A_114 = arith.constant 0 : i32
      %dma_start3A_115 = tpu.memref_slice %arg18[%dma_start3A_113, %dma_start3A_114] : memref<10240x32xf32, #tpu.memory_space<vmem_shared>> -> memref<10240x32xf32, #tpu.memory_space<vmem_shared>>
      tpu.enqueue_indirect_dma source(%arg12 : memref<128x32xf32, #tpu.memory_space<vmem>>) target(%dma_start3A_115 : memref<10240x32xf32, #tpu.memory_space<vmem_shared>>) offsets(%dma_start3A_112 : memref<128xi32, #tpu.memory_space<vmem>>) semaphore(%run_scoped3A_109 : memref<!tpu.dma_semaphore, #tpu.memory_space<semaphore_mem>>) {add = true}
      %dma_wait3A_116 = arith.constant 0 : i32
      %dma_wait3A_117 = tpu.memref_slice %arg9[%run_scoped3A_86, %dma_wait3A_116] : memref<78x128xi32, #tpu.memory_space<vmem>> -> memref<1x128xi32, #tpu.memory_space<vmem>>
      %dma_wait3A_118 = tpu.memref_squeeze %dma_wait3A_117 : memref<1x128xi32, #tpu.memory_space<vmem>> -> memref<128xi32, #tpu.memory_space<vmem>>
      %dma_wait3A_119 = arith.constant 0 : i32
      %dma_wait3A_120 = arith.constant 0 : i32
      %dma_wait3A_121 = tpu.memref_slice %arg18[%dma_wait3A_119, %dma_wait3A_120] : memref<10240x32xf32, #tpu.memory_space<vmem_shared>> -> memref<10240x32xf32, #tpu.memory_space<vmem_shared>>
      tpu.wait_indirect_dma semaphore(%run_scoped3A_109 : memref<!tpu.dma_semaphore, #tpu.memory_space<semaphore_mem>>) src(%arg12 : memref<128x32xf32, #tpu.memory_space<vmem>>) dst(%dma_wait3A_121 : memref<10240x32xf32, #tpu.memory_space<vmem_shared>>)
      tpu.yield
    }) : () -> ()
    %dma_start3A_87 = arith.constant 77 : i32
    %dma_start3A_88 = arith.constant 0 : i32
    %dma_start3A_89 = tpu.memref_slice %arg8[%dma_start3A_87, %dma_start3A_88] : memref<78x128xi32, #tpu.memory_space<vmem>> -> memref<1x128xi32, #tpu.memory_space<vmem>>
    %dma_start3A_90 = tpu.memref_squeeze %dma_start3A_89 : memref<1x128xi32, #tpu.memory_space<vmem>> -> memref<128xi32, #tpu.memory_space<vmem>>
    %dma_start3A_91 = arith.constant 0 : i32
    %dma_start3A_92 = arith.constant 0 : i32
    %dma_start3A_93 = tpu.memref_slice %arg6[%dma_start3A_91, %dma_start3A_92] : memref<10240x32xf32, #tpu.memory_space<hbm>> -> memref<10240x32xf32, #tpu.memory_space<hbm>>
    tpu.enqueue_indirect_dma source(%dma_start3A_93 : memref<10240x32xf32, #tpu.memory_space<hbm>>) target(%arg13 : memref<128x32xf32, #tpu.memory_space<vmem>>) offsets(%dma_start3A_90 : memref<128xi32, #tpu.memory_space<vmem>>) semaphore(%arg19 : memref<!tpu.dma_semaphore, #tpu.memory_space<semaphore_mem>>)
    %dma_wait3A_94 = arith.constant 77 : i32
    %dma_wait3A_95 = arith.constant 0 : i32
    %dma_wait3A_96 = tpu.memref_slice %arg8[%dma_wait3A_94, %dma_wait3A_95] : memref<78x128xi32, #tpu.memory_space<vmem>> -> memref<1x128xi32, #tpu.memory_space<vmem>>
    %dma_wait3A_97 = tpu.memref_squeeze %dma_wait3A_96 : memref<1x128xi32, #tpu.memory_space<vmem>> -> memref<128xi32, #tpu.memory_space<vmem>>
    %dma_wait3A_98 = arith.constant 0 : i32
    %dma_wait3A_99 = arith.constant 0 : i32
    %dma_wait3A_100 = tpu.memref_slice %arg6[%dma_wait3A_98, %dma_wait3A_99] : memref<10240x32xf32, #tpu.memory_space<hbm>> -> memref<10240x32xf32, #tpu.memory_space<hbm>>
    tpu.wait_indirect_dma semaphore(%arg19 : memref<!tpu.dma_semaphore, #tpu.memory_space<semaphore_mem>>) src(%dma_wait3A_100 : memref<10240x32xf32, #tpu.memory_space<hbm>>) dst(%arg13 : memref<128x32xf32, #tpu.memory_space<vmem>>)
    %run_scoped3A_101 = arith.constant 77 : i32
    "tpu.region"() ({
      %run_scoped3A_109 = tpu.sem_alloc : memref<!tpu.dma_semaphore, #tpu.memory_space<semaphore_mem>>
      %dma_start3A_110 = arith.constant 0 : i32
      %dma_start3A_111 = tpu.memref_slice %arg9[%run_scoped3A_101, %dma_start3A_110] : memref<78x128xi32, #tpu.memory_space<vmem>> -> memref<1x128xi32, #tpu.memory_space<vmem>>
      %dma_start3A_112 = tpu.memref_squeeze %dma_start3A_111 : memref<1x128xi32, #tpu.memory_space<vmem>> -> memref<128xi32, #tpu.memory_space<vmem>>
      %dma_start3A_113 = arith.constant 0 : i32
      %dma_start3A_114 = arith.constant 0 : i32
      %dma_start3A_115 = tpu.memref_slice %arg18[%dma_start3A_113, %dma_start3A_114] : memref<10240x32xf32, #tpu.memory_space<vmem_shared>> -> memref<10240x32xf32, #tpu.memory_space<vmem_shared>>
      tpu.enqueue_indirect_dma source(%arg13 : memref<128x32xf32, #tpu.memory_space<vmem>>) target(%dma_start3A_115 : memref<10240x32xf32, #tpu.memory_space<vmem_shared>>) offsets(%dma_start3A_112 : memref<128xi32, #tpu.memory_space<vmem>>) semaphore(%run_scoped3A_109 : memref<!tpu.dma_semaphore, #tpu.memory_space<semaphore_mem>>) {add = true}
      %dma_wait3A_116 = arith.constant 0 : i32
      %dma_wait3A_117 = tpu.memref_slice %arg9[%run_scoped3A_101, %dma_wait3A_116] : memref<78x128xi32, #tpu.memory_space<vmem>> -> memref<1x128xi32, #tpu.memory_space<vmem>>
      %dma_wait3A_118 = tpu.memref_squeeze %dma_wait3A_117 : memref<1x128xi32, #tpu.memory_space<vmem>> -> memref<128xi32, #tpu.memory_space<vmem>>
      %dma_wait3A_119 = arith.constant 0 : i32
      %dma_wait3A_120 = arith.constant 0 : i32
      %dma_wait3A_121 = tpu.memref_slice %arg18[%dma_wait3A_119, %dma_wait3A_120] : memref<10240x32xf32, #tpu.memory_space<vmem_shared>> -> memref<10240x32xf32, #tpu.memory_space<vmem_shared>>
      tpu.wait_indirect_dma semaphore(%run_scoped3A_109 : memref<!tpu.dma_semaphore, #tpu.memory_space<semaphore_mem>>) src(%arg13 : memref<128x32xf32, #tpu.memory_space<vmem>>) dst(%dma_wait3A_121 : memref<10240x32xf32, #tpu.memory_space<vmem_shared>>)
      tpu.yield
    }) : () -> ()
    %dma_start3A_102 = arith.constant 0 : i32
    %dma_start3A_103 = arith.constant 0 : i32
    %dma_start3A_104 = tpu.memref_slice %arg6[%dma_start3A_102, %dma_start3A_103] : memref<10240x32xf32, #tpu.memory_space<hbm>> -> memref<10240x32xf32, #tpu.memory_space<hbm>>
    tpu.enqueue_indirect_dma source(%dma_start3A_104 : memref<10240x32xf32, #tpu.memory_space<hbm>>) target(%arg16 : memref<16x32xf32, #tpu.memory_space<vmem>>) offsets(%arg10 : memref<16xi32, #tpu.memory_space<vmem>>) semaphore(%arg19 : memref<!tpu.dma_semaphore, #tpu.memory_space<semaphore_mem>>)
    %dma_wait3A_105 = arith.constant 0 : i32
    %dma_wait3A_106 = arith.constant 0 : i32
    %dma_wait3A_107 = tpu.memref_slice %arg6[%dma_wait3A_105, %dma_wait3A_106] : memref<10240x32xf32, #tpu.memory_space<hbm>> -> memref<10240x32xf32, #tpu.memory_space<hbm>>
    tpu.wait_indirect_dma semaphore(%arg19 : memref<!tpu.dma_semaphore, #tpu.memory_space<semaphore_mem>>) src(%dma_wait3A_107 : memref<10240x32xf32, #tpu.memory_space<hbm>>) dst(%arg16 : memref<16x32xf32, #tpu.memory_space<vmem>>)
    "tpu.region"() ({
      %run_scoped3A_109 = tpu.sem_alloc : memref<!tpu.dma_semaphore, #tpu.memory_space<semaphore_mem>>
      %dma_start3A_110 = arith.constant 0 : i32
      %dma_start3A_111 = arith.constant 0 : i32
      %dma_start3A_112 = tpu.memref_slice %arg18[%dma_start3A_110, %dma_start3A_111] : memref<10240x32xf32, #tpu.memory_space<vmem_shared>> -> memref<10240x32xf32, #tpu.memory_space<vmem_shared>>
      tpu.enqueue_indirect_dma source(%arg16 : memref<16x32xf32, #tpu.memory_space<vmem>>) target(%dma_start3A_112 : memref<10240x32xf32, #tpu.memory_space<vmem_shared>>) offsets(%arg11 : memref<16xi32, #tpu.memory_space<vmem>>) semaphore(%run_scoped3A_109 : memref<!tpu.dma_semaphore, #tpu.memory_space<semaphore_mem>>) {add = true}
      %dma_wait3A_113 = arith.constant 0 : i32
      %dma_wait3A_114 = arith.constant 0 : i32
      %dma_wait3A_115 = tpu.memref_slice %arg18[%dma_wait3A_113, %dma_wait3A_114] : memref<10240x32xf32, #tpu.memory_space<vmem_shared>> -> memref<10240x32xf32, #tpu.memory_space<vmem_shared>>
      tpu.wait_indirect_dma semaphore(%run_scoped3A_109 : memref<!tpu.dma_semaphore, #tpu.memory_space<semaphore_mem>>) src(%arg16 : memref<16x32xf32, #tpu.memory_space<vmem>>) dst(%dma_wait3A_115 : memref<10240x32xf32, #tpu.memory_space<vmem_shared>>)
      tpu.yield
    }) : () -> ()
    %barrier3A_108 = arith.constant 0 : index
    tpu.barrier barrier_id(%barrier3A_108)
    "tpu.region"() ({
      %run_scoped3A_109 = tpu.sem_alloc : memref<!tpu.dma_semaphore, #tpu.memory_space<semaphore_mem>>
      %dma_start3A_110 = arith.constant 0 : i32
      %dma_start3A_111 = tpu.memref_slice %arg7[%arg0, %mul3A_2, %dma_start3A_110] : memref<2x10240x32xf32, #tpu.memory_space<hbm>> -> memref<1x640x32xf32, #tpu.memory_space<hbm>>
      %dma_start3A_112 = tpu.memref_squeeze %dma_start3A_111 : memref<1x640x32xf32, #tpu.memory_space<hbm>> -> memref<640x32xf32, #tpu.memory_space<hbm>>
      %dma_start3A_113 = arith.constant 0 : i32
      %dma_start3A_114 = tpu.memref_slice %arg18[%mul3A_2, %dma_start3A_113] : memref<10240x32xf32, #tpu.memory_space<vmem_shared>> -> memref<640x32xf32, #tpu.memory_space<vmem_shared>>
      tpu.enqueue_dma source(%dma_start3A_114 : memref<640x32xf32, #tpu.memory_space<vmem_shared>>) target(%dma_start3A_112 : memref<640x32xf32, #tpu.memory_space<hbm>>) target_semaphore(%run_scoped3A_109 : memref<!tpu.dma_semaphore, #tpu.memory_space<semaphore_mem>>)
      %dma_wait3A_115 = arith.constant 0 : i32
      %dma_wait3A_116 = tpu.memref_slice %arg7[%arg0, %mul3A_2, %dma_wait3A_115] : memref<2x10240x32xf32, #tpu.memory_space<hbm>> -> memref<1x640x32xf32, #tpu.memory_space<hbm>>
      %dma_wait3A_117 = tpu.memref_squeeze %dma_wait3A_116 : memref<1x640x32xf32, #tpu.memory_space<hbm>> -> memref<640x32xf32, #tpu.memory_space<hbm>>
      %dma_wait3A_118 = arith.constant 0 : i32
      %dma_wait3A_119 = tpu.memref_slice %arg18[%mul3A_2, %dma_wait3A_118] : memref<10240x32xf32, #tpu.memory_space<vmem_shared>> -> memref<640x32xf32, #tpu.memory_space<vmem_shared>>
      tpu.wait_dma2 semaphore(%run_scoped3A_109 : memref<!tpu.dma_semaphore, #tpu.memory_space<semaphore_mem>>) src(%dma_wait3A_119 : memref<640x32xf32, #tpu.memory_space<vmem_shared>>) dst(%dma_wait3A_117 : memref<640x32xf32, #tpu.memory_space<hbm>>)
      tpu.yield
    }) : () -> ()
    return
  }
}

module attributes {stable_mosaic.version = 14 : i64} {
  func.func @body(%arg0: i32, %arg1: memref<2000x128xf32, #tpu.memory_space<vmem>>, %arg2: memref<128x16xf32, #tpu.memory_space<vmem>>, %arg3: memref<2x2000x16xf32, #tpu.memory_space<vmem>>, %arg4: memref<2000x16xf32, #tpu.memory_space<vmem>>, %arg5: memref<2000x1xf32, #tpu.memory_space<vmem>>) attributes {dimension_semantics = [#tpu.dimension_semantics<arbitrary>], iteration_bounds = array<i64: 5>, scalar_prefetch = 0 : i64, scratch_operands = 0 : i64, tpu.core_type = #tpu.core_type<tc>, window_params = [{transform_indices = @transform_0, window_bounds = array<i64: 2000, 128>}, {pipeline_mode = #tpu.pipeline_mode<synchronous>, transform_indices = @transform_1, window_bounds = array<i64: 128, 16>}, {transform_indices = @transform_2, window_bounds = array<i64: 2, 2000, 16>}, {transform_indices = @transform_3, window_bounds = array<i64: 2000, 16>}, {transform_indices = @transform_4, window_bounds = array<i64: 2000, 1>}]} {
    %get3A = arith.constant 0 : index
    %get3A_0 = arith.constant 0 : index
    %get3A_1 = arith.constant 0 : index
    %get3A_2 = vector.load %arg3[%get3A, %get3A_0, %get3A_1] : memref<2x2000x16xf32, #tpu.memory_space<vmem>>, vector<1x2000x16xf32>
    %get3A_3 = vector.shape_cast %get3A_2 : vector<1x2000x16xf32> to vector<2000x16xf32>
    %slice3A = vector.extract_strided_slice %get3A_3 {offsets = [0, 0], sizes = [2000, 1], strides = [1, 1]} : vector<2000x16xf32> to vector<2000x1xf32>
    %get3A_4 = arith.constant 1 : index
    %get3A_5 = arith.constant 0 : index
    %get3A_6 = arith.constant 0 : index
    %get3A_7 = vector.load %arg3[%get3A_4, %get3A_5, %get3A_6] : memref<2x2000x16xf32, #tpu.memory_space<vmem>>, vector<1x2000x16xf32>
    %get3A_8 = vector.shape_cast %get3A_7 : vector<1x2000x16xf32> to vector<2000x16xf32>
    %slice3A_9 = vector.extract_strided_slice %get3A_8 {offsets = [0, 0], sizes = [2000, 1], strides = [1, 1]} : vector<2000x16xf32> to vector<2000x1xf32>
    %add3A = arith.addf %slice3A, %slice3A_9 : vector<2000x1xf32>
    %add3A_10 = arith.constant 1.000000e+00 : f32
    %add3A_11 = vector.broadcast %add3A_10 : f32 to vector<2000x1xf32>
    %add3A_12 = arith.addf %add3A, %add3A_11 : vector<2000x1xf32>
    %rsqrt3A = math.rsqrt %add3A_12 : vector<2000x1xf32>
    %get3A_13 = arith.constant 0 : index
    %get3A_14 = arith.constant 0 : index
    %get3A_15 = vector.load %arg1[%get3A_13, %get3A_14] : memref<2000x128xf32, #tpu.memory_space<vmem>>, vector<2000x128xf32>
    %get3A_16 = arith.constant 0 : index
    %get3A_17 = arith.constant 0 : index
    %get3A_18 = vector.load %arg2[%get3A_16, %get3A_17] : memref<128x16xf32, #tpu.memory_space<vmem>>, vector<128x16xf32>
    %dot_general3A = arith.constant dense<0.000000e+00> : vector<2000x16xf32>
    %dot_general3A_19 = tpu.matmul %get3A_15, %get3A_18, %dot_general3A {dimension_numbers = #tpu.dot_dimension_numbers<[1], [0], [0], [1], [0, 0, 1, 1], [], []>, transpose_lhs_hint = false} : vector<2000x128xf32>, vector<128x16xf32>, vector<2000x16xf32> -> vector<2000x16xf32>
    %mul3A = vector.broadcast %rsqrt3A : vector<2000x1xf32> to vector<2000x16xf32>
    %mul3A_20 = arith.mulf %dot_general3A_19, %mul3A : vector<2000x16xf32>
    %swap3A = arith.constant 0 : index
    %swap3A_21 = arith.constant 0 : index
    %swap3A_22 = vector.load %arg4[%swap3A, %swap3A_21] : memref<2000x16xf32, #tpu.memory_space<vmem>>, vector<2000x16xf32>
    tpu.vector_store %arg4[%swap3A, %swap3A_21], %mul3A_20 {strides = array<i32>} : memref<2000x16xf32, #tpu.memory_space<vmem>>, vector<2000x16xf32>,
    %swap3A_23 = arith.constant 0 : index
    %swap3A_24 = arith.constant 0 : index
    %swap3A_25 = vector.load %arg5[%swap3A_23, %swap3A_24] : memref<2000x1xf32, #tpu.memory_space<vmem>>, vector<2000x1xf32>
    tpu.vector_store %arg5[%swap3A_23, %swap3A_24], %rsqrt3A {strides = array<i32>} : memref<2000x1xf32, #tpu.memory_space<vmem>>, vector<2000x1xf32>,
    return
  }
  func.func @transform_0(%arg0: i32) -> (i32, i32) {
    %c0_i32 = arith.constant 0 : i32
    %c0_i32_0 = arith.constant 0 : i32
    return %arg0, %c0_i32 : i32, i32
  }
  func.func @transform_1(%arg0: i32) -> (i32, i32) {
    %c0_i32 = arith.constant 0 : i32
    %c0_i32_0 = arith.constant 0 : i32
    %c0_i32_1 = arith.constant 0 : i32
    return %c0_i32, %c0_i32_0 : i32, i32
  }
  func.func @transform_2(%arg0: i32) -> (i32, i32, i32) {
    %c0_i32 = arith.constant 0 : i32
    %c0_i32_0 = arith.constant 0 : i32
    %c0_i32_1 = arith.constant 0 : i32
    return %c0_i32, %arg0, %c0_i32_0 : i32, i32, i32
  }
  func.func @transform_3(%arg0: i32) -> (i32, i32) {
    %c0_i32 = arith.constant 0 : i32
    %c0_i32_0 = arith.constant 0 : i32
    return %arg0, %c0_i32 : i32, i32
  }
  func.func @transform_4(%arg0: i32) -> (i32, i32) {
    %c0_i32 = arith.constant 0 : i32
    %c0_i32_0 = arith.constant 0 : i32
    return %arg0, %c0_i32 : i32, i32
  }
}

module attributes {stable_mosaic.version = 14 : i64} {
  func.func @body(%arg0: i32, %arg1: memref<2x1280x16xf32, #tpu.memory_space<vmem>>, %arg2: memref<1280x16xf32, #tpu.memory_space<vmem>>, %arg3: memref<1280x1xf32, #tpu.memory_space<vmem>>, %arg4: memref<1x16xf32, #tpu.memory_space<vmem>>, %arg5: memref<16x32xf32, #tpu.memory_space<vmem>>, %arg6: memref<1280x32xf32, #tpu.memory_space<vmem>>) attributes {dimension_semantics = [#tpu.dimension_semantics<arbitrary>], iteration_bounds = array<i64: 8>, scalar_prefetch = 0 : i64, scratch_operands = 0 : i64, tpu.core_type = #tpu.core_type<tc>, window_params = [{transform_indices = @transform_0, window_bounds = array<i64: 2, 1280, 16>}, {transform_indices = @transform_1, window_bounds = array<i64: 1280, 16>}, {transform_indices = @transform_2, window_bounds = array<i64: 1280, 1>}, {pipeline_mode = #tpu.pipeline_mode<synchronous>, transform_indices = @transform_3, window_bounds = array<i64: 1, 16>}, {pipeline_mode = #tpu.pipeline_mode<synchronous>, transform_indices = @transform_4, window_bounds = array<i64: 16, 32>}, {transform_indices = @transform_5, window_bounds = array<i64: 1280, 32>}]} {
    %get3A = arith.constant 0 : index
    %get3A_0 = arith.constant 0 : index
    %get3A_1 = vector.load %arg3[%get3A, %get3A_0] : memref<1280x1xf32, #tpu.memory_space<vmem>>, vector<1280x1xf32>
    %get3A_2 = arith.constant 0 : index
    %get3A_3 = arith.constant 0 : index
    %get3A_4 = arith.constant 0 : index
    %get3A_5 = vector.load %arg1[%get3A_2, %get3A_3, %get3A_4] : memref<2x1280x16xf32, #tpu.memory_space<vmem>>, vector<1x1280x16xf32>
    %get3A_6 = vector.shape_cast %get3A_5 : vector<1x1280x16xf32> to vector<1280x16xf32>
    %get3A_7 = arith.constant 1 : index
    %get3A_8 = arith.constant 0 : index
    %get3A_9 = arith.constant 0 : index
    %get3A_10 = vector.load %arg1[%get3A_7, %get3A_8, %get3A_9] : memref<2x1280x16xf32, #tpu.memory_space<vmem>>, vector<1x1280x16xf32>
    %get3A_11 = vector.shape_cast %get3A_10 : vector<1x1280x16xf32> to vector<1280x16xf32>
    %add3A = arith.addf %get3A_6, %get3A_11 : vector<1280x16xf32>
    %get3A_12 = arith.constant 0 : index
    %get3A_13 = arith.constant 0 : index
    %get3A_14 = vector.load %arg2[%get3A_12, %get3A_13] : memref<1280x16xf32, #tpu.memory_space<vmem>>, vector<1280x16xf32>
    %add3A_15 = arith.addf %add3A, %get3A_14 : vector<1280x16xf32>
    %mul3A = vector.broadcast %get3A_1 : vector<1280x1xf32> to vector<1280x16xf32>
    %mul3A_16 = arith.mulf %mul3A, %add3A_15 : vector<1280x16xf32>
    %get3A_17 = arith.constant 0 : index
    %get3A_18 = arith.constant 0 : index
    %get3A_19 = vector.load %arg4[%get3A_17, %get3A_18] : memref<1x16xf32, #tpu.memory_space<vmem>>, vector<1x16xf32>
    %add3A_20 = vector.broadcast %get3A_19 : vector<1x16xf32> to vector<1280x16xf32>
    %add3A_21 = arith.addf %mul3A_16, %add3A_20 : vector<1280x16xf32>
    %max3A = arith.constant 0.000000e+00 : f32
    %max3A_22 = vector.broadcast %max3A : f32 to vector<1280x16xf32>
    %max3A_23 = arith.maximumf %add3A_21, %max3A_22 : vector<1280x16xf32>
    %get3A_24 = arith.constant 0 : index
    %get3A_25 = arith.constant 0 : index
    %get3A_26 = vector.load %arg5[%get3A_24, %get3A_25] : memref<16x32xf32, #tpu.memory_space<vmem>>, vector<16x32xf32>
    %dot_general3A = arith.constant dense<0.000000e+00> : vector<1280x32xf32>
    %dot_general3A_27 = tpu.matmul %max3A_23, %get3A_26, %dot_general3A {dimension_numbers = #tpu.dot_dimension_numbers<[1], [0], [0], [1], [0, 0, 1, 1], [], []>, transpose_lhs_hint = false} : vector<1280x16xf32>, vector<16x32xf32>, vector<1280x32xf32> -> vector<1280x32xf32>
    %mul3A_28 = vector.broadcast %get3A_1 : vector<1280x1xf32> to vector<1280x32xf32>
    %mul3A_29 = arith.mulf %dot_general3A_27, %mul3A_28 : vector<1280x32xf32>
    %swap3A = arith.constant 0 : index
    %swap3A_30 = arith.constant 0 : index
    %swap3A_31 = vector.load %arg6[%swap3A, %swap3A_30] : memref<1280x32xf32, #tpu.memory_space<vmem>>, vector<1280x32xf32>
    tpu.vector_store %arg6[%swap3A, %swap3A_30], %mul3A_29 {strides = array<i32>} : memref<1280x32xf32, #tpu.memory_space<vmem>>, vector<1280x32xf32>,
    return
  }
  func.func @transform_0(%arg0: i32) -> (i32, i32, i32) {
    %c0_i32 = arith.constant 0 : i32
    %c0_i32_0 = arith.constant 0 : i32
    %c0_i32_1 = arith.constant 0 : i32
    return %c0_i32, %arg0, %c0_i32_0 : i32, i32, i32
  }
  func.func @transform_1(%arg0: i32) -> (i32, i32) {
    %c0_i32 = arith.constant 0 : i32
    %c0_i32_0 = arith.constant 0 : i32
    return %arg0, %c0_i32 : i32, i32
  }
  func.func @transform_2(%arg0: i32) -> (i32, i32) {
    %c0_i32 = arith.constant 0 : i32
    %c0_i32_0 = arith.constant 0 : i32
    return %arg0, %c0_i32 : i32, i32
  }
  func.func @transform_3(%arg0: i32) -> (i32, i32) {
    %c0_i32 = arith.constant 0 : i32
    %c0_i32_0 = arith.constant 0 : i32
    %c0_i32_1 = arith.constant 0 : i32
    return %c0_i32, %c0_i32_0 : i32, i32
  }
  func.func @transform_4(%arg0: i32) -> (i32, i32) {
    %c0_i32 = arith.constant 0 : i32
    %c0_i32_0 = arith.constant 0 : i32
    %c0_i32_1 = arith.constant 0 : i32
    return %c0_i32, %c0_i32_0 : i32, i32
  }
  func.func @transform_5(%arg0: i32) -> (i32, i32) {
    %c0_i32 = arith.constant 0 : i32
    %c0_i32_0 = arith.constant 0 : i32
    return %arg0, %c0_i32 : i32, i32
  }
}

module attributes {stable_mosaic.version = 14 : i64} {
  func.func @body(%arg0: i32, %arg1: memref<2x1280x32xf32, #tpu.memory_space<vmem>>, %arg2: memref<1280x32xf32, #tpu.memory_space<vmem>>, %arg3: memref<1280x1xf32, #tpu.memory_space<vmem>>, %arg4: memref<1x32xf32, #tpu.memory_space<vmem>>, %arg5: memref<1280x32xf32, #tpu.memory_space<vmem>>) attributes {dimension_semantics = [#tpu.dimension_semantics<arbitrary>], iteration_bounds = array<i64: 8>, scalar_prefetch = 0 : i64, scratch_operands = 0 : i64, tpu.core_type = #tpu.core_type<tc>, window_params = [{transform_indices = @transform_0, window_bounds = array<i64: 2, 1280, 32>}, {transform_indices = @transform_1, window_bounds = array<i64: 1280, 32>}, {transform_indices = @transform_2, window_bounds = array<i64: 1280, 1>}, {pipeline_mode = #tpu.pipeline_mode<synchronous>, transform_indices = @transform_3, window_bounds = array<i64: 1, 32>}, {transform_indices = @transform_4, window_bounds = array<i64: 1280, 32>}]} {
    %get3A = arith.constant 0 : index
    %get3A_0 = arith.constant 0 : index
    %get3A_1 = arith.constant 0 : index
    %get3A_2 = vector.load %arg1[%get3A, %get3A_0, %get3A_1] : memref<2x1280x32xf32, #tpu.memory_space<vmem>>, vector<1x1280x32xf32>
    %get3A_3 = vector.shape_cast %get3A_2 : vector<1x1280x32xf32> to vector<1280x32xf32>
    %get3A_4 = arith.constant 1 : index
    %get3A_5 = arith.constant 0 : index
    %get3A_6 = arith.constant 0 : index
    %get3A_7 = vector.load %arg1[%get3A_4, %get3A_5, %get3A_6] : memref<2x1280x32xf32, #tpu.memory_space<vmem>>, vector<1x1280x32xf32>
    %get3A_8 = vector.shape_cast %get3A_7 : vector<1x1280x32xf32> to vector<1280x32xf32>
    %add3A = arith.addf %get3A_3, %get3A_8 : vector<1280x32xf32>
    %get3A_9 = arith.constant 0 : index
    %get3A_10 = arith.constant 0 : index
    %get3A_11 = vector.load %arg2[%get3A_9, %get3A_10] : memref<1280x32xf32, #tpu.memory_space<vmem>>, vector<1280x32xf32>
    %add3A_12 = arith.addf %add3A, %get3A_11 : vector<1280x32xf32>
    %get3A_13 = arith.constant 0 : index
    %get3A_14 = arith.constant 0 : index
    %get3A_15 = vector.load %arg3[%get3A_13, %get3A_14] : memref<1280x1xf32, #tpu.memory_space<vmem>>, vector<1280x1xf32>
    %mul3A = vector.broadcast %get3A_15 : vector<1280x1xf32> to vector<1280x32xf32>
    %mul3A_16 = arith.mulf %mul3A, %add3A_12 : vector<1280x32xf32>
    %get3A_17 = arith.constant 0 : index
    %get3A_18 = arith.constant 0 : index
    %get3A_19 = vector.load %arg4[%get3A_17, %get3A_18] : memref<1x32xf32, #tpu.memory_space<vmem>>, vector<1x32xf32>
    %add3A_20 = vector.broadcast %get3A_19 : vector<1x32xf32> to vector<1280x32xf32>
    %add3A_21 = arith.addf %mul3A_16, %add3A_20 : vector<1280x32xf32>
    %swap3A = arith.constant 0 : index
    %swap3A_22 = arith.constant 0 : index
    %swap3A_23 = vector.load %arg5[%swap3A, %swap3A_22] : memref<1280x32xf32, #tpu.memory_space<vmem>>, vector<1280x32xf32>
    tpu.vector_store %arg5[%swap3A, %swap3A_22], %add3A_21 {strides = array<i32>} : memref<1280x32xf32, #tpu.memory_space<vmem>>, vector<1280x32xf32>,
    return
  }
  func.func @transform_0(%arg0: i32) -> (i32, i32, i32) {
    %c0_i32 = arith.constant 0 : i32
    %c0_i32_0 = arith.constant 0 : i32
    %c0_i32_1 = arith.constant 0 : i32
    return %c0_i32, %arg0, %c0_i32_0 : i32, i32, i32
  }
  func.func @transform_1(%arg0: i32) -> (i32, i32) {
    %c0_i32 = arith.constant 0 : i32
    %c0_i32_0 = arith.constant 0 : i32
    return %arg0, %c0_i32 : i32, i32
  }
  func.func @transform_2(%arg0: i32) -> (i32, i32) {
    %c0_i32 = arith.constant 0 : i32
    %c0_i32_0 = arith.constant 0 : i32
    return %arg0, %c0_i32 : i32, i32
  }
  func.func @transform_3(%arg0: i32) -> (i32, i32) {
    %c0_i32 = arith.constant 0 : i32
    %c0_i32_0 = arith.constant 0 : i32
    %c0_i32_1 = arith.constant 0 : i32
    return %c0_i32, %c0_i32_0 : i32, i32
  }
  func.func @transform_4(%arg0: i32) -> (i32, i32) {
    %c0_i32 = arith.constant 0 : i32
    %c0_i32_0 = arith.constant 0 : i32
    return %arg0, %c0_i32 : i32, i32
  }
}

</mosaic_0001>

<sc_bundles>
// kernel: kernel.11.cloned.1.call-start
scs
__scs_entry_jumppad:
0x0: {  	(pc) =	sbr.rel $0x88, $3  }
0x1: {  	(tag) =	ssettag $0x0;
	lr =	simm.s32 $0x1  }
0x2: {  	[smem:$0x3F9B] =	sst lr;
	_ =	strace $0xD0000000  }
0x3: {  	_ = 	snop  }
0x4: {  	_ = 	snop  }
0x5: {  	_ = 	snop  }
0x6: {  	_ = 	snop  }
0x7: {  	_ = 	snop  }
__scs_overlays_trampoline_lowered:
0x8: {  	[smem:$0x3FAA] =	sst s0  }
0x9: {  	[smem:$0x3FAB] =	sst s1  }
0xa: {  	[smem:$0x3FAC] =	sst s2  }
0xb: {  	[smem:$0x3FAD] =	sst s3  }
0xc: {  	[smem:$0x3FAE] =	sst s4  }
0xd: {  	[smem:$0x3FAF] =	sst s5  }
0xe: {  	[smem:$0x3FB0] =	sst s6  }
0xf: {  	[smem:$0x3FB1] =	sst s7  }
0x10: {  	[smem:$0x3FB2] =	sst s8  }
0x11: {  	[smem:$0x3FB3] =	sst s9;
	s0 =	simm.s32 @!p0 $0x0  }
0x12: {  	s1 =	sld [smem:$0x3F99];
	s0 =	simm.s32 @p0 $0x1  }
0x13: {  	[smem:$0x3FB4] =	sst s0;
	s0 =	simm.s32 @!p1 $0x0  }
0x14: {  	s2 =	sld [smem:$0x3F98];
	s0 =	simm.s32 @p1 $0x1  }
0x15: {  	[smem:$0x3FB5] =	sst s0;
	s0 =	simm.s32 @!p2 $0x0  }
0x16: {  	s3 =	sld [smem:$0x3FDB];
	s0 =	simm.s32 @p2 $0x1  }
0x17: {  	s4 =	simm.s32 $0x1BF5;
	[smem:$0x3FB7] =	sst s0  }
0x18: {  	s0 =	sld [smem:$0x3F9A];
	_ =	swait.ge [sflag:s4], $0x0  }
0x19: {  	s7 =	sld [smem:$0x3F9B]  }
0x1a: {  	s8 =	sadd.s32 $0xFFFFE003, lr  }
0x1b: {  	s9 =	sadd.s32 $0xFFFFFEF7, lr;
	s5 =	simm.s32 $0xFFFFFFFF;
	p2 =	slt.u32 s8, $0xFFFFF086  }
0x1c: {  	p1 =	slt.u32 s9, $0xF7A;
	s5 =	simm.s32 @!p2 $0x0  }
0x1d: {  	s5 =	simm.s32 @p1 $0x1;
	p0 =	seq.s32 s7, s2  }
0x1e: {  	s7 =	smul.u32 @!p0 $0xF7A, s2;
	p2 =	seq.s32 @!p0 s5, $0x0  }
0x1f: {  	s9 =	smul.u32 $0xF7A, s1;
	s8 =	simm.s32 @!p0 $0x1BF5;
	p2 =	por !p2, p0  }
0x20: {  	[sflag:s8] =	ssyncset.s32 @!p0 $0xFFFFF086;
	s6 =	sadd.s32 @!p0 s3, s7;
	s7 =	simm.s32 @!p0 $0x108  }
0x21: {  	s3 =	sadd.s32 s3, s9;
	s6 =	sadd.s32 @!p0 $0x88, s6;
	s7 =	simm.s32 @p2 $0x1082  }
0x22: {  	[simem:s7], [sflag:s8] =	dma.local @!p0 [hbm:s6], $0xF7A  }
0x23: {  	s9 =	sor.u32 $0xD0000000, s2;
	s6 =	simm.s32 $0x108;
	_ =	swait.ge @!p0 [sflag:s8], $0x0  }
0x24: {  	s3 =	sadd.s32 $0x88, s3;
	s6 =	simm.s32 @!p1 $0x1082;
	[sflag:s4] =	ssyncset.s32 $0xFFFFF086  }
0x25: {  	[simem:s6], [sflag:s4] =	dma.local [hbm:s3], $0xF7A  }
0x26: {  	[smem:$0x3F9B] =	sst s1;
	(tag) =	ssettag s2;
	_ =	strace s9  }
0x27: {  	s1 =	sld [smem:$0x3FAB]  }
0x28: {  	s2 =	sld [smem:$0x3FAC]  }
0x29: {  	s4 =	sld [smem:$0x3FAE]  }
0x2a: {  	p0 =	seq.s32 s5, $0x0;
	s5 =	sld [smem:$0x3FAF]  }
0x2b: {  	s6 =	sld [smem:$0x3FB0]  }
0x2c: {  	s7 =	sld [smem:$0x3FB1]  }
0x2d: {  	s3 =	simm.s32 $0x108;
	s8 =	sld [smem:$0x3FB2]  }
0x2e: {  	s3 =	simm.s32 @!p0 $0x1082;
	s9 =	sld [smem:$0x3FB3]  }
0x2f: {  	lr =	sadd.s32 s0, s3;
	s0 =	sld [smem:$0x3FAA]  }
0x30: {  	s3 =	sld [smem:$0x3FAD]  }
0x31: {  	[smem:$0x3FB6] =	sst s10  }
0x32: {  	s10 =	sld [smem:$0x3FB4];
	_ =	sdelay $0x3  }
0x33: {  	p0 =	seq.s32 s10, $0x1;
	s10 =	sld [smem:$0x3FB6];
	_ =	sdelay $0x3  }
0x34: {  	[smem:$0x3FB6] =	sst s10  }
0x35: {  	s10 =	sld [smem:$0x3FB5];
	_ =	sdelay $0x3  }
0x36: {  	p1 =	seq.s32 s10, $0x1;
	s10 =	sld [smem:$0x3FB6];
	_ =	sdelay $0x3  }
0x37: {  	[smem:$0x3FB6] =	sst s10  }
0x38: {  	s10 =	sld [smem:$0x3FB7]  }
0x39: {  	_ = 	snop;
	(pc) =	sbr.ind lr, $3  }
0x3a: {  	_ = 	snop  }
0x3b: {  	_ = 	snop  }
0x3c: {  	p2 =	seq.s32 s10, $0x1;
	s10 =	sld [smem:$0x3FB6]  }
0x3d: {  	_ =	shalt  }
0x3e: {  	_ =	shalt  }
0x3f: {  	_ =	shalt  }
0x40: {  	_ =	shalt  }
0x41: {  	_ =	shalt  }
0x42: {  	_ =	shalt  }
0x43: {  	_ =	shalt  }
0x44: {  	_ =	shalt  }
0x45: {  	_ =	shalt  }
0x46: {  	_ =	shalt  }
0x47: {  	_ =	shalt  }
0x48: {  	_ =	shalt  }
0x49: {  	_ =	shalt  }
0x4a: {  	_ =	shalt  }
0x4b: {  	_ =	shalt  }
0x4c: {  	_ =	shalt  }
0x4d: {  	_ =	shalt  }
0x4e: {  	_ =	shalt  }
0x4f: {  	_ =	shalt  }
0x50: {  	_ =	shalt  }
0x51: {  	_ =	shalt  }
0x52: {  	_ =	shalt  }
0x53: {  	_ =	shalt  }
0x54: {  	_ =	shalt  }
0x55: {  	_ =	shalt  }
0x56: {  	_ =	shalt  }
0x57: {  	_ =	shalt  }
0x58: {  	_ =	shalt  }
0x59: {  	_ =	shalt  }
0x5a: {  	_ =	shalt  }
0x5b: {  	_ =	shalt  }
0x5c: {  	_ =	shalt  }
0x5d: {  	_ =	shalt  }
0x5e: {  	_ =	shalt  }
0x5f: {  	_ =	shalt  }
0x60: {  	_ =	shalt  }
0x61: {  	_ =	shalt  }
0x62: {  	_ =	shalt  }
0x63: {  	_ =	shalt  }
0x64: {  	_ =	shalt  }
0x65: {  	_ =	shalt  }
0x66: {  	_ =	shalt  }
0x67: {  	_ =	shalt  }
0x68: {  	_ =	shalt  }
0x69: {  	_ =	shalt  }
0x6a: {  	_ =	shalt  }
0x6b: {  	_ =	shalt  }
0x6c: {  	_ =	shalt  }
0x6d: {  	_ =	shalt  }
0x6e: {  	_ =	shalt  }
0x6f: {  	_ =	shalt  }
0x70: {  	_ =	shalt  }
0x71: {  	_ =	shalt  }
0x72: {  	_ =	shalt  }
0x73: {  	_ =	shalt  }
0x74: {  	_ =	shalt  }
0x75: {  	_ =	shalt  }
0x76: {  	_ =	shalt  }
0x77: {  	_ =	shalt  }
0x78: {  	_ =	shalt  }
0x79: {  	_ =	shalt  }
0x7a: {  	_ =	shalt  }
0x7b: {  	_ =	shalt  }
0x7c: {  	_ =	shalt  }
0x7d: {  	_ =	shalt  }
0x7e: {  	_ =	shalt  }
0x7f: {  	_ =	shalt  }
0x80: {  	_ =	shalt  }
0x81: {  	_ =	shalt  }
0x82: {  	_ =	shalt  }
0x83: {  	_ =	shalt  }
0x84: {  	_ =	shalt  }
0x85: {  	_ =	shalt  }
0x86: {  	_ =	shalt  }
0x87: {  	_ =	shalt  }
.Lfunc_end0:
.L_simem_size_0:
called_computation.1_lowered:
.L_overlay_start_0:
0x88: {  	s2 =	sld [smem:$0x3FD9]  }
0x89: {  	s3 =	sld [smem:$0x3FFE];
	_ =	sdelay $0x1  }
0x8a: {  	s1 =	srdreg.scid  }
0x8b: {  	s0 =	sand.u32 $0x1, s1  }
0x8c: {  	s17 =	sshll.u32 s0, $0xA;
	s2 =	sadd.s32 s3, s2  }
0x8d: {  	s2 =	sadd.s32 s2, s17  }
0x8e: {  	[smem:$0x3FC2] =	sst s2  }
0x8f: {  	_ = 	snop  }
0x90: {  	s2 =	sld [smem:$0x3FD0];
	(tm) =	ssettm $0x1  }
0x91: {  	s18 =	sld [smem:$0x3FFB];
	_ =	sdelay $0x3  }
0x92: {  	_ =	strace s18  }
0x93: {  	s3 =	sld [smem:$0x3FFC];
	_ =	sdelay $0x3  }
0x94: {  	_ =	strace s3  }
0x95: {  	s3 =	sld [smem:$0x3FFD];
	_ =	sdelay $0x3  }
0x96: {  	_ =	strace s3  }
0x97: {  	_ =	strace $0x8FFFFFFF  }
0x98: {  	s19 =	sld [smem:$0x3FDB];
	_ =	sdelay $0x1  }
0x99: {  	s4 =	simm.s32 $_scs_section_size  }
0x9a: {  	s5 =	simm.s32 $_size__tile_overlayer_lowered;
	s6 =	simm.s32 $_tile_overlayer_lowered  }
0x9b: {  	s22 =	simm.s32 $0x1BFF;
	s21 =	sshll.u32 s6, $0x1;
	s3 =	sadd.s32 s4, s19  }
0x9c: {  	s7 =	simm.s32 $0x0;
	s20 =	sshll.u32 s5, $0x1;
	s5 =	sadd.s32 s21, s3  }
0x9d: {  	[timem:s7], [sflag:s22] =	dma.local [hbm:s5], s20  }
0x9e: {  	_ =	swait.ge [sflag:s22], s20  }
0x9f: {  	s4 =	ssub.s32 $0x0, s20;
	[sflag:s22] =	ssyncset.done $0x0  }
0xa0: {  	[sflag:s22] =	ssyncadd.s32 s4;
	_ =	sdelay $0x1  }
0xa1: {  	s23 =	simm.s32 $0x1B8B  }
0xa2: {  	_ =	swait.ge [sflag:s23], $0x1  }
0xa3: {  	[sflag:s23] =	ssyncset.done $0x0  }
0xa4: {  	s25 =	simm.s32 $0x1B8E;
	s24 =	sld [smem:$0x3FFE];
	[sflag:s23] =	ssyncadd.s32 $0xFFFFFFFF  }
0xa5: {  	s26 =	simm.s32 $execute0_lowered;
	[smem:$0x3FD2] =	sst s25  }
0xa6: {  	s5 =	sshll.u32 s26, $0x1;
	_ =	strace $0x80000049;
	[dreg:$0x1] =	wrdreg $0xFFFFFFFF  }
0xa7: {  	s28 =	simm.s32 $_size_execute0_lowered;
	s3 =	sadd.s32 s3, s5;
	[dreg:$0x0] =	wrdreg $0x0  }
0xa8: {  	s5 =	sshll.u32 s28, $0x1;
	[dreg:$0x2] =	wrdreg s3  }
0xa9: {  	[dreg:$0x3] =	wrdreg s5  }
0xaa: {  	[dreg:$0x4] =	wrdreg $0xC0  }
0xab: {  	_ =	task [dreg:s7], $0x5FFFF  }
0xac: {  	[dreg:$0x1] =	wrdreg $0xFFFFFFFF  }
0xad: {  	[dreg:$0x0] =	wrdreg $0x60  }
0xae: {  	[dreg:$0x2] =	wrdreg s2  }
0xaf: {  	[dreg:$0x3] =	wrdreg s24  }
0xb0: {  	[dreg:$0x4] =	wrdreg $0x97200  }
0xb1: {  	[dreg:$0x5] =	wrdreg $0x9  }
0xb2: {  	_ =	task.clear_ibuf [dreg:s7], $0x6FFFF;
	_ =	strace $0x90000049  }
0xb3: {  	s29 =	simm.s32 $0x9;
	_ =	strace $0x8000004B  }
0xb4: {  	_ =	swait.ge [sflag:s29], $0x1  }
0xb5: {  	[sflag:s29] =	ssyncadd.s32 $0xFFFFFFFF  }
0xb6: {  	_ =	strace $0x9000004B  }
0xb7: {  	_ =	sfence  }
0xb8: {  	s30 =	sld [smem:$0x0];
	_ =	sdelay $0x2  }
0xb9: {  	s31 =	sshll.u32 s1, $0xD;
	s1 =	sshrl.u32 s1, $0x2  }
0xba: {  	s3 =	sand.u32 $0x4000, s31;
	s1 =	sadd.s32 s1, s30  }
0xbb: {  	s0 =	sor.u32 s3, s0;
	s1 =	sshll.u32 s1, $0x11  }
0xbc: {  	s0 =	sor.u32 s1, s0  }
0xbd: {  	s0 =	sadd.s32 $0x8F2B, s0  }
0xbe: {  	[sflag:s0] =	ssyncadd.remote.s32 $0x1  }
0xbf: {  	_ =	sfence.sel $0xFFFF  }
0xc0: {  	[dreg:$0x0] =	wrdreg $0xFFFFFFFF;
	(pc) =	sbr.abs _section_cstart, $3  }
0xc1: {  	[dreg:$0x1] =	wrdreg $0xFFFFFFFF  }
0xc2: {  	_ =	task.clear_ibuf [dreg:s7], $0x2FFFF;
	_ =	strace $0x9FFFFFFF  }
0xc3: {  	(tm) =	ssettm $0x7FFFFFFF  }
tec
execute0_lowered:
.L_overlay_start_1:
0x0: {  	(tag) =	ssettag $0x1  }
0x1: {  	s0 =	srdreg.scid;
	s1 =	rddreg [dreg:$0x0]  }
0x2: {  	s7 =	stileid.u32;
	s5 =	rddreg [dreg:$0x1]  }
0x3: {  	s3 =	simm.s32 $0x0;
	s13 =	simm.s32 $0x3;
	s15 =	simm.s32 $0x4E00  }
0x4: {  	s16 =	simm.s32 $0x4E10;
	s17 =	simm.s32 $0x80;
	s18 =	simm.s32 $0x4E20  }
0x5: {  	s19 =	simm.s32 $0x5620;
	s21 =	simm.s32 $0x5E20;
	s23 =	simm.s32 $0x6620  }
0x6: {  	s24 =	simm.s32 $0x1;
	s25 =	simm.s32 $0x2;
	s29 =	simm.s32 $0x4C00  }
0x7: {  	s30 =	simm.s32 $0x4C80;
	s31 =	simm.s32 $0x2600;
	s14 =	simm.s32 $0x10  }
0x8: {  	s20 =	simm.s32 $0x6E20;
	s0 =	sand.u32 $0x1, s0;
	s2 =	sshll.u32 s7, $0x1  }
0x9: {  	s7 =	smul.u32 $0x2800, s7;
	[smem:$0x7FF] =	sst s3;
	s4 =	sor.u32 s0, s2  }
0xa: {  	s2 =	rddreg [dreg:$0x2];
	s8 =	smul.u32 $0x28000, s0;
	_ =	strace $0x8000004A  }
0xb: {  	s0 =	ssub.s32 $0x2, s0;
	s6 =	smul.u32 $0x4E0, s4;
	s4 =	sshll.u32 s4, $0x1  }
0xc: {  	s11 =	sshrl.u32 s0, $0x1;
	s10 =	sadd.s32 s4, s5;
	s8 =	sadd.s32 s7, s8  }
0xd: {  	s4 =	sadd.s32 $0xC000, s5;
	s0 =	ssub.s32 s0, s11;
	s9 =	sadd.s32 s6, s5  }
0xe: {  	s8 =	sshrl.u32 s8, $0x3;
	s6 =	sadd.s32 s1, s6;
	s11 =	smax.u32 s0, $0x1  }
0xf: {  	s1 =	simm.s32 $0x4D00;
	s0 =	simm.s32 $0x2680;
	s12 =	sadd.s32 s8, s5  }
0x10: {  	s5 =	sadd.s32 s7, s2;
	s7 =	sadd.s32 $0x2200, s9;
	s8 =	sadd.s32 $0xBE00, s10  }
0x11: {  	v0 =	vimm.f32 $0.0e+00;
	s9 =	sadd.s32 $0x2000, s10;
	s10 =	sadd.s32 $0x11000, s12;
	s12 =	simm.s32 $0x4D80  }
.LBB2_1:
0x12: {  	s22 =	simm.s32 $0x40;
	s26 =	simm.s32 $0x0  }
.LBB2_2:
0x13: {  	p0 =	sne.s32 s22, $0x9FC0;
	[tilespmem:s26+$0x6F20] =	vst v0;
	s26 =	smov.u32 s22;
	s22 =	sadd.s32 $0x40, s22  }
.Ltmp0:
0x14: {  	(pc) =	sbr.rel @p0 .LBB2_2-.Ltmp0, $2  }
0x15: {  	_ =	sdelay $0x2  }
0x16: {  	s26 =	sshra.s32 s26, $0x2  }
0x17: {  	[tilespmem:s26+$0x6F20] =	vst v0;
	s22 =	simm.s32 $0x6F20  }
0x18: {  	[spmem:s5] =	stream.linear.scatter [tilespmem:s22], [sflag:$0x3], $0x2800, $0x38;
	[tilespmem:$0xBF20] =	vst v63  }
0x19: {  	_ =	swait.ge [sflag:s13], $0x2800  }
0x1a: {  	[sflag:s13] =	ssyncset.done $0x0  }
0x1b: {  	s22 =	simm.s32 $0x0;
	[sflag:s13] =	ssyncadd.s32 $0xFFFFD800  }
0x1c: {  	[tilespmem:s22], [sflag:$0x3] =	stream.linear.gather [hbm4b:s6+s22], $0x2700, $0x38;
	[tilespmem:$0xBF20] =	vst v63  }
0x1d: {  	_ =	swait.ge [sflag:s13], $0x2700  }
0x1e: {  	[sflag:s13] =	ssyncset.done $0x0  }
0x1f: {  	s28 =	simm.s32 $0x2700;
	[sflag:s13] =	ssyncadd.s32 $0xFFFFD900  }
0x20: {  	[tilespmem:s28], [sflag:$0x3] =	stream.linear.gather [hbm4b:s7+s22], $0x2700, $0x38;
	[tilespmem:$0xBF20] =	vst v63  }
0x21: {  	_ =	swait.ge [sflag:s13], $0x2700  }
0x22: {  	[sflag:s13] =	ssyncset.done $0x0  }
0x23: {  	[sflag:s13] =	ssyncadd.s32 $0xFFFFD900  }
0x24: {  	[tilespmem:s15], [sflag:$0x3] =	stream.linear.gather [hbm4b:s8+s22], $0x10, $0x38;
	[tilespmem:$0xBF20] =	vst v63  }
0x25: {  	_ =	swait.ge [sflag:s13], $0x10  }
0x26: {  	[sflag:s13] =	ssyncset.done $0x0  }
0x27: {  	[sflag:s13] =	ssyncadd.s32 $0xFFFFFFF0  }
0x28: {  	[tilespmem:s16], [sflag:$0x3] =	stream.linear.gather [hbm4b:s9+s22], $0x10, $0x38;
	[tilespmem:$0xBF20] =	vst v63  }
0x29: {  	_ =	swait.ge [sflag:s13], $0x10  }
0x2a: {  	[sflag:s13] =	ssyncset.done $0x0  }
0x2b: {  	[sflag:s13] =	ssyncadd.s32 $0xFFFFFFF0  }
0x2c: {  	[bflag:$0x0] =	sbarrier.arrive $0xFFFF  }
0x2d: {  	[tilespmem:s18], [sflag:$0x1] =	stream.indirect.gather [hbm4b:s4+s17], $0x10, s22, s17, $0xb8;
	[tilespmem:$0xBF20] =	vst v63  }
0x2e: {  	_ = 	snop  }
0x2f: {  	[tilespmem:s19], [sflag:$0x1] =	stream.indirect.gather [hbm4b:s4+s17], $0x10, s17, s17, $0xb8;
	[tilespmem:$0xBF20] =	vst v63  }
0x30: {  	s28 =	simm.s32 $0x100  }
0x31: {  	[tilespmem:s21], [sflag:$0x2] =	stream.indirect.gather [hbm4b:s4+s17], $0x10, s28, s17, $0xb8;
	[tilespmem:$0xBF20] =	vst v63  }
0x32: {  	s26 =	simm.s32 $0x180  }
0x33: {  	[tilespmem:s23], [sflag:$0x2] =	stream.indirect.gather [hbm4b:s4+s17], $0x10, s26, s17, $0xb8;
	[tilespmem:$0xBF20] =	vst v63  }
0x34: {  	_ =	swait.ge [sflag:s24], $0x800  }
0x35: {  	[sflag:s24] =	ssyncset.done $0x0  }
0x36: {  	[sflag:s24] =	ssyncadd.s32 $0xFFFFF800  }
0x37: {  	_ =	swait.ge [sflag:s24], $0x800  }
0x38: {  	[sflag:s24] =	ssyncset.done $0x0  }
0x39: {  	s28 =	simm.s32 $0x2700;
	[sflag:s24] =	ssyncadd.s32 $0xFFFFF800  }
0x3a: {  	[spmem:s2] =	stream.indirect.scatter.add.f32 [tilespmem:s18], [sflag:$0x3], $0x10, s28, s17, $0xb8;
	[tilespmem:$0xBF20] =	vst v63  }
0x3b: {  	_ =	swait.ge [sflag:s13], $0x800  }
0x3c: {  	[sflag:s13] =	ssyncset.done $0x0  }
0x3d: {  	s26 =	simm.s32 $0x2780;
	[sflag:s13] =	ssyncadd.s32 $0xFFFFF800  }
0x3e: {  	[spmem:s2] =	stream.indirect.scatter.add.f32 [tilespmem:s19], [sflag:$0x3], $0x10, s26, s17, $0xb8;
	[tilespmem:$0xBF20] =	vst v63  }
0x3f: {  	_ =	swait.ge [sflag:s13], $0x800  }
0x40: {  	[sflag:s13] =	ssyncset.done $0x0  }
0x41: {  	s28 =	simm.s32 $0x200;
	[sflag:s13] =	ssyncadd.s32 $0xFFFFF800  }
0x42: {  	[tilespmem:s18], [sflag:$0x1] =	stream.indirect.gather [hbm4b:s4+s17], $0x10, s28, s17, $0xb8;
	[tilespmem:$0xBF20] =	vst v63  }
0x43: {  	s26 =	simm.s32 $0x280  }
0x44: {  	[tilespmem:s19], [sflag:$0x1] =	stream.indirect.gather [hbm4b:s4+s17], $0x10, s26, s17, $0xb8;
	[tilespmem:$0xBF20] =	vst v63  }
0x45: {  	_ =	swait.ge [sflag:s25], $0x800  }
0x46: {  	[sflag:s25] =	ssyncset.done $0x0  }
0x47: {  	[sflag:s25] =	ssyncadd.s32 $0xFFFFF800  }
0x48: {  	_ =	swait.ge [sflag:s25], $0x800  }
0x49: {  	[sflag:s25] =	ssyncset.done $0x0  }
0x4a: {  	s28 =	simm.s32 $0x2800;
	[sflag:s25] =	ssyncadd.s32 $0xFFFFF800  }
0x4b: {  	[spmem:s2] =	stream.indirect.scatter.add.f32 [tilespmem:s21], [sflag:$0x3], $0x10, s28, s17, $0xb8;
	[tilespmem:$0xBF20] =	vst v63  }
0x4c: {  	_ =	swait.ge [sflag:s13], $0x800  }
0x4d: {  	[sflag:s13] =	ssyncset.done $0x0  }
0x4e: {  	s26 =	simm.s32 $0x2880;
	[sflag:s13] =	ssyncadd.s32 $0xFFFFF800  }
0x4f: {  	[spmem:s2] =	stream.indirect.scatter.add.f32 [tilespmem:s23], [sflag:$0x3], $0x10, s26, s17, $0xb8;
	[tilespmem:$0xBF20] =	vst v63  }
0x50: {  	_ =	swait.ge [sflag:s13], $0x800  }
0x51: {  	s22 =	simm.s32 $0x800;
	[sflag:s13] =	ssyncset.done $0x0  }
0x52: {  	s28 =	simm.s32 $0x300;
	s26 =	simm.s32 $0x380;
	[sflag:s13] =	ssyncadd.s32 $0xFFFFF800  }
0x53: {  	[tilespmem:s21], [sflag:$0x2] =	stream.indirect.gather [hbm4b:s4+s17], $0x10, s28, s17, $0xb8;
	[tilespmem:$0xBF20] =	vst v63  }
.LBB2_4:
0x54: {  	[tilespmem:s23], [sflag:$0x2] =	stream.indirect.gather [hbm4b:s4+s17], $0x10, s26, s17, $0xb8;
	[tilespmem:$0xBF20] =	vst v63  }
0x55: {  	s26 =	smov.u32 s22  }
0x56: {  	p0 =	sne.s32 s22, $0x8800;
	s22 =	sadd.s32 $0x800, s22;
	_ =	swait.ge [sflag:s24], $0x800  }
0x57: {  	[sflag:s24] =	ssyncset.done $0x0  }
0x58: {  	[sflag:s24] =	ssyncadd.s32 $0xFFFFF800  }
0x59: {  	_ =	swait.ge [sflag:s24], $0x800  }
0x5a: {  	s26 =	sshra.s32 s26, $0x2;
	[sflag:s24] =	ssyncset.done $0x0  }
0x5b: {  	s28 =	sadd.s32 $0x2700, s26;
	[sflag:s24] =	ssyncadd.s32 $0xFFFFF800  }
0x5c: {  	[spmem:s2] =	stream.indirect.scatter.add.f32 [tilespmem:s18], [sflag:$0x3], $0x10, s28, s17, $0xb8;
	[tilespmem:$0xBF20] =	vst v63  }
0x5d: {  	_ =	swait.ge [sflag:s13], $0x800  }
0x5e: {  	[sflag:s13] =	ssyncset.done $0x0  }
0x5f: {  	s28 =	sadd.s32 $0x2780, s26;
	[sflag:s13] =	ssyncadd.s32 $0xFFFFF800  }
0x60: {  	[spmem:s2] =	stream.indirect.scatter.add.f32 [tilespmem:s19], [sflag:$0x3], $0x10, s28, s17, $0xb8;
	[tilespmem:$0xBF20] =	vst v63  }
0x61: {  	_ =	swait.ge [sflag:s13], $0x800  }
0x62: {  	[sflag:s13] =	ssyncset.done $0x0  }
0x63: {  	s28 =	sadd.s32 $0x200, s26;
	[sflag:s13] =	ssyncadd.s32 $0xFFFFF800  }
0x64: {  	[tilespmem:s18], [sflag:$0x1] =	stream.indirect.gather [hbm4b:s4+s17], $0x10, s28, s17, $0xb8;
	[tilespmem:$0xBF20] =	vst v63  }
0x65: {  	s28 =	sadd.s32 $0x280, s26  }
0x66: {  	[tilespmem:s19], [sflag:$0x1] =	stream.indirect.gather [hbm4b:s4+s17], $0x10, s28, s17, $0xb8;
	[tilespmem:$0xBF20] =	vst v63  }
0x67: {  	_ =	swait.ge [sflag:s25], $0x800  }
0x68: {  	[sflag:s25] =	ssyncset.done $0x0  }
0x69: {  	[sflag:s25] =	ssyncadd.s32 $0xFFFFF800  }
0x6a: {  	_ =	swait.ge [sflag:s25], $0x800  }
0x6b: {  	[sflag:s25] =	ssyncset.done $0x0  }
0x6c: {  	s28 =	sadd.s32 $0x2800, s26;
	[sflag:s25] =	ssyncadd.s32 $0xFFFFF800  }
0x6d: {  	[spmem:s2] =	stream.indirect.scatter.add.f32 [tilespmem:s21], [sflag:$0x3], $0x10, s28, s17, $0xb8;
	[tilespmem:$0xBF20] =	vst v63  }
0x6e: {  	_ =	swait.ge [sflag:s13], $0x800  }
0x6f: {  	[sflag:s13] =	ssyncset.done $0x0  }
0x70: {  	s28 =	sadd.s32 $0x2880, s26;
	[sflag:s13] =	ssyncadd.s32 $0xFFFFF800  }
0x71: {  	[spmem:s2] =	stream.indirect.scatter.add.f32 [tilespmem:s23], [sflag:$0x3], $0x10, s28, s17, $0xb8;
	[tilespmem:$0xBF20] =	vst v63  }
.Ltmp1:
0x72: {  	_ =	swait.ge [sflag:s13], $0x800;
	(pc) =	sbr.rel @p0 .LBB2_4-.Ltmp1, $4  }
0x73: {  	[sflag:s13] =	ssyncset.done $0x0  }
0x74: {  	s28 =	sadd.s32 $0x300, s26;
	[sflag:s13] =	ssyncadd.s32 $0xFFFFF800  }
0x75: {  	[tilespmem:s21], [sflag:$0x2] =	stream.indirect.gather [hbm4b:s4+s17], $0x10, s28, s17, $0xb8;
	[tilespmem:$0xBF20] =	vst v63  }
0x76: {  	s26 =	sadd.s32 $0x380, s26  }
0x77: {  	[tilespmem:s23], [sflag:$0x2] =	stream.indirect.gather [hbm4b:s4+s17], $0x10, s26, s17, $0xb8;
	[tilespmem:$0xBF20] =	vst v63  }
0x78: {  	_ =	swait.ge [sflag:s24], $0x800  }
0x79: {  	[sflag:s24] =	ssyncset.done $0x0  }
0x7a: {  	[sflag:s24] =	ssyncadd.s32 $0xFFFFF800  }
0x7b: {  	_ =	swait.ge [sflag:s24], $0x800  }
0x7c: {  	[sflag:s24] =	ssyncset.done $0x0  }
0x7d: {  	s22 =	simm.s32 $0x4B00;
	[sflag:s24] =	ssyncadd.s32 $0xFFFFF800  }
0x7e: {  	[spmem:s2] =	stream.indirect.scatter.add.f32 [tilespmem:s18], [sflag:$0x3], $0x10, s22, s17, $0xb8;
	[tilespmem:$0xBF20] =	vst v63  }
0x7f: {  	_ =	swait.ge [sflag:s13], $0x800  }
0x80: {  	[sflag:s13] =	ssyncset.done $0x0  }
0x81: {  	s28 =	simm.s32 $0x4B80;
	[sflag:s13] =	ssyncadd.s32 $0xFFFFF800  }
0x82: {  	[spmem:s2] =	stream.indirect.scatter.add.f32 [tilespmem:s19], [sflag:$0x3], $0x10, s28, s17, $0xb8;
	[tilespmem:$0xBF20] =	vst v63  }
0x83: {  	_ =	swait.ge [sflag:s13], $0x800  }
0x84: {  	[sflag:s13] =	ssyncset.done $0x0  }
0x85: {  	[sflag:s13] =	ssyncadd.s32 $0xFFFFF800  }
0x86: {  	_ =	swait.ge [sflag:s25], $0x800  }
0x87: {  	[sflag:s25] =	ssyncset.done $0x0  }
0x88: {  	[sflag:s25] =	ssyncadd.s32 $0xFFFFF800  }
0x89: {  	_ =	swait.ge [sflag:s25], $0x800  }
0x8a: {  	[sflag:s25] =	ssyncset.done $0x0  }
0x8b: {  	[sflag:s25] =	ssyncadd.s32 $0xFFFFF800  }
0x8c: {  	[spmem:s2] =	stream.indirect.scatter.add.f32 [tilespmem:s21], [sflag:$0x3], $0x10, s29, s17, $0xb8;
	[tilespmem:$0xBF20] =	vst v63  }
0x8d: {  	_ =	swait.ge [sflag:s13], $0x800  }
0x8e: {  	[sflag:s13] =	ssyncset.done $0x0  }
0x8f: {  	[sflag:s13] =	ssyncadd.s32 $0xFFFFF800  }
0x90: {  	[spmem:s2] =	stream.indirect.scatter.add.f32 [tilespmem:s23], [sflag:$0x3], $0x10, s30, s17, $0xb8;
	[tilespmem:$0xBF20] =	vst v63  }
0x91: {  	_ =	swait.ge [sflag:s13], $0x800  }
0x92: {  	[sflag:s13] =	ssyncset.done $0x0  }
0x93: {  	[sflag:s13] =	ssyncadd.s32 $0xFFFFF800  }
0x94: {  	[tilespmem:s18], [sflag:$0x1] =	stream.indirect.gather [hbm4b:s4+s17], $0x10, s31, s17, $0xb8;
	[tilespmem:$0xBF20] =	vst v63  }
0x95: {  	_ =	swait.ge [sflag:s24], $0x800  }
0x96: {  	[sflag:s24] =	ssyncset.done $0x0  }
0x97: {  	[sflag:s24] =	ssyncadd.s32 $0xFFFFF800  }
0x98: {  	[spmem:s2] =	stream.indirect.scatter.add.f32 [tilespmem:s18], [sflag:$0x3], $0x10, s1, s17, $0xb8;
	[tilespmem:$0xBF20] =	vst v63  }
0x99: {  	_ =	swait.ge [sflag:s13], $0x800  }
0x9a: {  	[sflag:s13] =	ssyncset.done $0x0  }
0x9b: {  	[sflag:s13] =	ssyncadd.s32 $0xFFFFF800  }
0x9c: {  	[tilespmem:s19], [sflag:$0x1] =	stream.indirect.gather [hbm4b:s4+s17], $0x10, s0, s17, $0xb8;
	[tilespmem:$0xBF20] =	vst v63  }
0x9d: {  	_ =	swait.ge [sflag:s24], $0x800  }
0x9e: {  	[sflag:s24] =	ssyncset.done $0x0  }
0x9f: {  	[sflag:s24] =	ssyncadd.s32 $0xFFFFF800  }
0xa0: {  	[spmem:s2] =	stream.indirect.scatter.add.f32 [tilespmem:s19], [sflag:$0x3], $0x10, s12, s17, $0xb8;
	[tilespmem:$0xBF20] =	vst v63  }
0xa1: {  	_ =	swait.ge [sflag:s13], $0x800  }
0xa2: {  	[sflag:s13] =	ssyncset.done $0x0  }
0xa3: {  	[sflag:s13] =	ssyncadd.s32 $0xFFFFF800  }
0xa4: {  	[tilespmem:s20], [sflag:$0x1] =	stream.indirect.gather [hbm4b:s4+s14], $0x10, s15, s14, $0xb8;
	[tilespmem:$0xBF20] =	vst v63  }
0xa5: {  	_ =	swait.ge [sflag:s24], $0x100  }
0xa6: {  	[sflag:s24] =	ssyncset.done $0x0  }
0xa7: {  	[sflag:s24] =	ssyncadd.s32 $0xFFFFFF00  }
0xa8: {  	[spmem:s2] =	stream.indirect.scatter.add.f32 [tilespmem:s20], [sflag:$0x3], $0x10, s16, s14, $0xb8;
	[tilespmem:$0xBF20] =	vst v63  }
0xa9: {  	s26 =	stileid.u32;
	_ =	swait.ge [sflag:s13], $0x100  }
0xaa: {  	s3 =	sadd.s32 $0x1, s3;
	s22 =	sshll.u32 s26, $0x6;
	[sflag:s13] =	ssyncset.done $0x0  }
0xab: {  	p0 =	sne.s32 s3, s11;
	s22 =	sor.u32 $0x1C03, s22;
	[sflag:s13] =	ssyncadd.s32 $0xFFFFFF00  }
.Ltmp2:
0xac: {  	s28 =	sshrl.u32 s5, $0x3;
	[bflag:$0x0] =	sbarrier.arrive $0xFFFF;
	(pc) =	sbr.rel @p0 .LBB2_1-.Ltmp2, $4  }
0xad: {  	[hbm:s10], [sflag:s22] =	dma.local [spmem:s28], $0x500  }
0xae: {  	_ =	swait.ge [sflag:s13], $0x500  }
0xaf: {  	[sflag:s13] =	ssyncset.done $0x0  }
0xb0: {  	[sflag:s13] =	ssyncadd.s32 $0xFFFFFB00  }
0xb1: {  	_ =	sfence.sel $0x180000  }
0xb2: {  	[bflag:$0x0] =	sbarrier.arrive $0xFFFF  }
0xb3: {  	_ =	strace $0x9000004A  }
0xb4: {  	s0 =	stileid.u32;
	[bflag:$0x2] =	sbarrier.arrive $0xFFFF  }
0xb5: {  	p0 =	sne.s32 s0, $0x0;
	s0 =	rddreg [dreg:$0x3]  }
0xb6: {  	s0 =	sadd.s32 @!p0 $0x100000, s0  }
0xb7: {  	[sflag:s0] =	ssyncadd.tile.s32 @!p0 $0x1;
	_ =	shalt  }
.Lfunc_end2:
_tile_overlayer_lowered:
.L_overlay_start_2:
0xb8: {  	(tag) =	ssettag $0x2  }
0xb9: {  	s0 =	rddreg [dreg:$0x0];
	s2 =	stileid.u32  }
0xba: {  	s1 =	rddreg [dreg:$0x1];
	p0 =	sne.s32 s2, $0x0  }
0xbb: {  	s3 =	rddreg [dreg:$0x2];
	[bflag:$0x3] =	sbarrier.arrive $0xFFFF;
	s2 =	simm.s32 @!p0 $0x1C03  }
0xbc: {  	[timem:s3], [sflag:s2] =	dma.local @!p0 [hbm:s0], s1  }
0xbd: {  	s0 =	simm.s32 @!p0 $0x3  }
0xbe: {  	_ =	swait.ge @!p0 [sflag:s0], s1  }
0xbf: {  	s1 =	ssub.s32 @!p0 $0x0, s1;
	[sflag:s0] =	ssyncset.done @!p0 $0x0  }
0xc0: {  	[sflag:s0] =	ssyncadd.s32 @!p0 s1  }
0xc1: {  	[bflag:$0x3] =	sbarrier.arrive $0xFFFF  }
0xc2: {  	_ =	shalt  }

// kernel: kernel.14.cloned.1.call-start
scs
__scs_entry_jumppad:
0x0: {  	(pc) =	sbr.rel $0x88, $3  }
0x1: {  	(tag) =	ssettag $0x0;
	lr =	simm.s32 $0x1  }
0x2: {  	[smem:$0x3F9B] =	sst lr;
	_ =	strace $0xD0000000  }
0x3: {  	_ = 	snop  }
0x4: {  	_ = 	snop  }
0x5: {  	_ = 	snop  }
0x6: {  	_ = 	snop  }
0x7: {  	_ = 	snop  }
__scs_overlays_trampoline_lowered:
0x8: {  	[smem:$0x3FAA] =	sst s0  }
0x9: {  	[smem:$0x3FAB] =	sst s1  }
0xa: {  	[smem:$0x3FAC] =	sst s2  }
0xb: {  	[smem:$0x3FAD] =	sst s3  }
0xc: {  	[smem:$0x3FAE] =	sst s4  }
0xd: {  	[smem:$0x3FAF] =	sst s5  }
0xe: {  	[smem:$0x3FB0] =	sst s6  }
0xf: {  	[smem:$0x3FB1] =	sst s7  }
0x10: {  	[smem:$0x3FB2] =	sst s8  }
0x11: {  	[smem:$0x3FB3] =	sst s9;
	s0 =	simm.s32 @!p0 $0x0  }
0x12: {  	s1 =	sld [smem:$0x3F99];
	s0 =	simm.s32 @p0 $0x1  }
0x13: {  	[smem:$0x3FB4] =	sst s0;
	s0 =	simm.s32 @!p1 $0x0  }
0x14: {  	s2 =	sld [smem:$0x3F98];
	s0 =	simm.s32 @p1 $0x1  }
0x15: {  	[smem:$0x3FB5] =	sst s0;
	s0 =	simm.s32 @!p2 $0x0  }
0x16: {  	s3 =	sld [smem:$0x3FDB];
	s0 =	simm.s32 @p2 $0x1  }
0x17: {  	s4 =	simm.s32 $0x1BF5;
	[smem:$0x3FB7] =	sst s0  }
0x18: {  	s0 =	sld [smem:$0x3F9A];
	_ =	swait.ge [sflag:s4], $0x0  }
0x19: {  	s7 =	sld [smem:$0x3F9B]  }
0x1a: {  	s8 =	sadd.s32 $0xFFFFE003, lr  }
0x1b: {  	s9 =	sadd.s32 $0xFFFFFEF7, lr;
	s5 =	simm.s32 $0xFFFFFFFF;
	p2 =	slt.u32 s8, $0xFFFFF086  }
0x1c: {  	p1 =	slt.u32 s9, $0xF7A;
	s5 =	simm.s32 @!p2 $0x0  }
0x1d: {  	s5 =	simm.s32 @p1 $0x1;
	p0 =	seq.s32 s7, s2  }
0x1e: {  	s7 =	smul.u32 @!p0 $0xF7A, s2;
	p2 =	seq.s32 @!p0 s5, $0x0  }
0x1f: {  	s9 =	smul.u32 $0xF7A, s1;
	s8 =	simm.s32 @!p0 $0x1BF5;
	p2 =	por !p2, p0  }
0x20: {  	[sflag:s8] =	ssyncset.s32 @!p0 $0xFFFFF086;
	s6 =	sadd.s32 @!p0 s3, s7;
	s7 =	simm.s32 @!p0 $0x108  }
0x21: {  	s3 =	sadd.s32 s3, s9;
	s6 =	sadd.s32 @!p0 $0x88, s6;
	s7 =	simm.s32 @p2 $0x1082  }
0x22: {  	[simem:s7], [sflag:s8] =	dma.local @!p0 [hbm:s6], $0xF7A  }
0x23: {  	s9 =	sor.u32 $0xD0000000, s2;
	s6 =	simm.s32 $0x108;
	_ =	swait.ge @!p0 [sflag:s8], $0x0  }
0x24: {  	s3 =	sadd.s32 $0x88, s3;
	s6 =	simm.s32 @!p1 $0x1082;
	[sflag:s4] =	ssyncset.s32 $0xFFFFF086  }
0x25: {  	[simem:s6], [sflag:s4] =	dma.local [hbm:s3], $0xF7A  }
0x26: {  	[smem:$0x3F9B] =	sst s1;
	(tag) =	ssettag s2;
	_ =	strace s9  }
0x27: {  	s1 =	sld [smem:$0x3FAB]  }
0x28: {  	s2 =	sld [smem:$0x3FAC]  }
0x29: {  	s4 =	sld [smem:$0x3FAE]  }
0x2a: {  	p0 =	seq.s32 s5, $0x0;
	s5 =	sld [smem:$0x3FAF]  }
0x2b: {  	s6 =	sld [smem:$0x3FB0]  }
0x2c: {  	s7 =	sld [smem:$0x3FB1]  }
0x2d: {  	s3 =	simm.s32 $0x108;
	s8 =	sld [smem:$0x3FB2]  }
0x2e: {  	s3 =	simm.s32 @!p0 $0x1082;
	s9 =	sld [smem:$0x3FB3]  }
0x2f: {  	lr =	sadd.s32 s0, s3;
	s0 =	sld [smem:$0x3FAA]  }
0x30: {  	s3 =	sld [smem:$0x3FAD]  }
0x31: {  	[smem:$0x3FB6] =	sst s10  }
0x32: {  	s10 =	sld [smem:$0x3FB4];
	_ =	sdelay $0x3  }
0x33: {  	p0 =	seq.s32 s10, $0x1;
	s10 =	sld [smem:$0x3FB6];
	_ =	sdelay $0x3  }
0x34: {  	[smem:$0x3FB6] =	sst s10  }
0x35: {  	s10 =	sld [smem:$0x3FB5];
	_ =	sdelay $0x3  }
0x36: {  	p1 =	seq.s32 s10, $0x1;
	s10 =	sld [smem:$0x3FB6];
	_ =	sdelay $0x3  }
0x37: {  	[smem:$0x3FB6] =	sst s10  }
0x38: {  	s10 =	sld [smem:$0x3FB7]  }
0x39: {  	_ = 	snop;
	(pc) =	sbr.ind lr, $3  }
0x3a: {  	_ = 	snop  }
0x3b: {  	_ = 	snop  }
0x3c: {  	p2 =	seq.s32 s10, $0x1;
	s10 =	sld [smem:$0x3FB6]  }
0x3d: {  	_ =	shalt  }
0x3e: {  	_ =	shalt  }
0x3f: {  	_ =	shalt  }
0x40: {  	_ =	shalt  }
0x41: {  	_ =	shalt  }
0x42: {  	_ =	shalt  }
0x43: {  	_ =	shalt  }
0x44: {  	_ =	shalt  }
0x45: {  	_ =	shalt  }
0x46: {  	_ =	shalt  }
0x47: {  	_ =	shalt  }
0x48: {  	_ =	shalt  }
0x49: {  	_ =	shalt  }
0x4a: {  	_ =	shalt  }
0x4b: {  	_ =	shalt  }
0x4c: {  	_ =	shalt  }
0x4d: {  	_ =	shalt  }
0x4e: {  	_ =	shalt  }
0x4f: {  	_ =	shalt  }
0x50: {  	_ =	shalt  }
0x51: {  	_ =	shalt  }
0x52: {  	_ =	shalt  }
0x53: {  	_ =	shalt  }
0x54: {  	_ =	shalt  }
0x55: {  	_ =	shalt  }
0x56: {  	_ =	shalt  }
0x57: {  	_ =	shalt  }
0x58: {  	_ =	shalt  }
0x59: {  	_ =	shalt  }
0x5a: {  	_ =	shalt  }
0x5b: {  	_ =	shalt  }
0x5c: {  	_ =	shalt  }
0x5d: {  	_ =	shalt  }
0x5e: {  	_ =	shalt  }
0x5f: {  	_ =	shalt  }
0x60: {  	_ =	shalt  }
0x61: {  	_ =	shalt  }
0x62: {  	_ =	shalt  }
0x63: {  	_ =	shalt  }
0x64: {  	_ =	shalt  }
0x65: {  	_ =	shalt  }
0x66: {  	_ =	shalt  }
0x67: {  	_ =	shalt  }
0x68: {  	_ =	shalt  }
0x69: {  	_ =	shalt  }
0x6a: {  	_ =	shalt  }
0x6b: {  	_ =	shalt  }
0x6c: {  	_ =	shalt  }
0x6d: {  	_ =	shalt  }
0x6e: {  	_ =	shalt  }
0x6f: {  	_ =	shalt  }
0x70: {  	_ =	shalt  }
0x71: {  	_ =	shalt  }
0x72: {  	_ =	shalt  }
0x73: {  	_ =	shalt  }
0x74: {  	_ =	shalt  }
0x75: {  	_ =	shalt  }
0x76: {  	_ =	shalt  }
0x77: {  	_ =	shalt  }
0x78: {  	_ =	shalt  }
0x79: {  	_ =	shalt  }
0x7a: {  	_ =	shalt  }
0x7b: {  	_ =	shalt  }
0x7c: {  	_ =	shalt  }
0x7d: {  	_ =	shalt  }
0x7e: {  	_ =	shalt  }
0x7f: {  	_ =	shalt  }
0x80: {  	_ =	shalt  }
0x81: {  	_ =	shalt  }
0x82: {  	_ =	shalt  }
0x83: {  	_ =	shalt  }
0x84: {  	_ =	shalt  }
0x85: {  	_ =	shalt  }
0x86: {  	_ =	shalt  }
0x87: {  	_ =	shalt  }
.Lfunc_end0:
.L_simem_size_0:
called_computation.2_lowered:
.L_overlay_start_0:
0x88: {  	s2 =	sld [smem:$0x3FD9]  }
0x89: {  	s3 =	sld [smem:$0x3FFE];
	_ =	sdelay $0x1  }
0x8a: {  	s1 =	srdreg.scid  }
0x8b: {  	s0 =	sand.u32 $0x1, s1  }
0x8c: {  	s17 =	sshll.u32 s0, $0xA;
	s2 =	sadd.s32 s3, s2  }
0x8d: {  	s2 =	sadd.s32 s2, s17  }
0x8e: {  	[smem:$0x3FC2] =	sst s2  }
0x8f: {  	_ = 	snop  }
0x90: {  	s2 =	sld [smem:$0x3FD0];
	(tm) =	ssettm $0x1  }
0x91: {  	s18 =	sld [smem:$0x3FFB];
	_ =	sdelay $0x3  }
0x92: {  	_ =	strace s18  }
0x93: {  	s3 =	sld [smem:$0x3FFC];
	_ =	sdelay $0x3  }
0x94: {  	_ =	strace s3  }
0x95: {  	s3 =	sld [smem:$0x3FFD];
	_ =	sdelay $0x3  }
0x96: {  	_ =	strace s3  }
0x97: {  	_ =	strace $0x8FFFFFFF  }
0x98: {  	s19 =	sld [smem:$0x3FDB];
	_ =	sdelay $0x1  }
0x99: {  	s4 =	simm.s32 $_scs_section_size  }
0x9a: {  	s5 =	simm.s32 $_size__tile_overlayer_lowered;
	s6 =	simm.s32 $_tile_overlayer_lowered  }
0x9b: {  	s22 =	simm.s32 $0x1BFF;
	s21 =	sshll.u32 s6, $0x1;
	s3 =	sadd.s32 s4, s19  }
0x9c: {  	s7 =	simm.s32 $0x0;
	s20 =	sshll.u32 s5, $0x1;
	s5 =	sadd.s32 s21, s3  }
0x9d: {  	[timem:s7], [sflag:s22] =	dma.local [hbm:s5], s20  }
0x9e: {  	_ =	swait.ge [sflag:s22], s20  }
0x9f: {  	s4 =	ssub.s32 $0x0, s20;
	[sflag:s22] =	ssyncset.done $0x0  }
0xa0: {  	[sflag:s22] =	ssyncadd.s32 s4;
	_ =	sdelay $0x1  }
0xa1: {  	s23 =	simm.s32 $0x1B8B  }
0xa2: {  	_ =	swait.ge [sflag:s23], $0x1  }
0xa3: {  	[sflag:s23] =	ssyncset.done $0x0  }
0xa4: {  	s25 =	simm.s32 $0x1B8E;
	s24 =	sld [smem:$0x3FFE];
	[sflag:s23] =	ssyncadd.s32 $0xFFFFFFFF  }
0xa5: {  	s26 =	simm.s32 $execute0_lowered;
	[smem:$0x3FD2] =	sst s25  }
0xa6: {  	s5 =	sshll.u32 s26, $0x1;
	_ =	strace $0x8000004C;
	[dreg:$0x1] =	wrdreg $0xFFFFFFFF  }
0xa7: {  	s28 =	simm.s32 $_size_execute0_lowered;
	s3 =	sadd.s32 s3, s5;
	[dreg:$0x0] =	wrdreg $0x0  }
0xa8: {  	s5 =	sshll.u32 s28, $0x1;
	[dreg:$0x2] =	wrdreg s3  }
0xa9: {  	[dreg:$0x3] =	wrdreg s5  }
0xaa: {  	[dreg:$0x4] =	wrdreg $0xC0  }
0xab: {  	_ =	task [dreg:s7], $0x5FFFF  }
0xac: {  	[dreg:$0x1] =	wrdreg $0xFFFFFFFF  }
0xad: {  	[dreg:$0x0] =	wrdreg $0x60  }
0xae: {  	[dreg:$0x2] =	wrdreg s2  }
0xaf: {  	[dreg:$0x3] =	wrdreg s24  }
0xb0: {  	[dreg:$0x4] =	wrdreg $0xE0200  }
0xb1: {  	[dreg:$0x5] =	wrdreg $0x9  }
0xb2: {  	_ =	task.clear_ibuf [dreg:s7], $0x6FFFF;
	_ =	strace $0x9000004C  }
0xb3: {  	s29 =	simm.s32 $0x9;
	_ =	strace $0x8000004E  }
0xb4: {  	_ =	swait.ge [sflag:s29], $0x1  }
0xb5: {  	[sflag:s29] =	ssyncadd.s32 $0xFFFFFFFF  }
0xb6: {  	_ =	strace $0x9000004E  }
0xb7: {  	_ =	sfence  }
0xb8: {  	s30 =	sld [smem:$0x0];
	_ =	sdelay $0x2  }
0xb9: {  	s31 =	sshll.u32 s1, $0xD;
	s1 =	sshrl.u32 s1, $0x2  }
0xba: {  	s3 =	sand.u32 $0x4000, s31;
	s1 =	sadd.s32 s1, s30  }
0xbb: {  	s0 =	sor.u32 s3, s0;
	s1 =	sshll.u32 s1, $0x11  }
0xbc: {  	s0 =	sor.u32 s1, s0  }
0xbd: {  	s0 =	sadd.s32 $0x8F2B, s0  }
0xbe: {  	[sflag:s0] =	ssyncadd.remote.s32 $0x1  }
0xbf: {  	_ =	sfence.sel $0xFFFF  }
0xc0: {  	[dreg:$0x0] =	wrdreg $0xFFFFFFFF;
	(pc) =	sbr.abs _section_cstart, $3  }
0xc1: {  	[dreg:$0x1] =	wrdreg $0xFFFFFFFF  }
0xc2: {  	_ =	task.clear_ibuf [dreg:s7], $0x2FFFF;
	_ =	strace $0x9FFFFFFF  }
0xc3: {  	(tm) =	ssettm $0x7FFFFFFF  }
tec
execute0_lowered:
.L_overlay_start_1:
0x0: {  	(tag) =	ssettag $0x1  }
0x1: {  	s0 =	srdreg.scid;
	s1 =	rddreg [dreg:$0x0]  }
0x2: {  	s7 =	stileid.u32;
	s5 =	rddreg [dreg:$0x1]  }
0x3: {  	s3 =	simm.s32 $0x0;
	s13 =	simm.s32 $0x3;
	s15 =	simm.s32 $0x4E00  }
0x4: {  	s16 =	simm.s32 $0x4E10;
	s17 =	simm.s32 $0x80;
	s18 =	simm.s32 $0x4E20  }
0x5: {  	s19 =	simm.s32 $0x5E20;
	s21 =	simm.s32 $0x6E20;
	s23 =	simm.s32 $0x7E20  }
0x6: {  	s24 =	simm.s32 $0x1;
	s25 =	simm.s32 $0x2;
	s29 =	simm.s32 $0x4C00  }
0x7: {  	s30 =	simm.s32 $0x4C80;
	s31 =	simm.s32 $0x2600;
	s14 =	simm.s32 $0x10  }
0x8: {  	s20 =	simm.s32 $0x8E20;
	s0 =	sand.u32 $0x1, s0;
	s2 =	sshll.u32 s7, $0x1  }
0x9: {  	s7 =	smul.u32 $0x5000, s7;
	[smem:$0x7FF] =	sst s3;
	s4 =	sor.u32 s0, s2  }
0xa: {  	s2 =	rddreg [dreg:$0x2];
	s8 =	smul.u32 $0x50000, s0;
	_ =	strace $0x8000004D  }
0xb: {  	s0 =	ssub.s32 $0x2, s0;
	s6 =	smul.u32 $0x4E0, s4;
	s4 =	sshll.u32 s4, $0x1  }
0xc: {  	s11 =	sshrl.u32 s0, $0x1;
	s10 =	sadd.s32 s4, s5;
	s8 =	sadd.s32 s7, s8  }
0xd: {  	s4 =	sadd.s32 $0xC000, s5;
	s0 =	ssub.s32 s0, s11;
	s9 =	sadd.s32 s6, s5  }
0xe: {  	s8 =	sshrl.u32 s8, $0x3;
	s6 =	sadd.s32 s1, s6;
	s11 =	smax.u32 s0, $0x1  }
0xf: {  	s1 =	simm.s32 $0x4D00;
	s0 =	simm.s32 $0x2680;
	s12 =	sadd.s32 s8, s5  }
0x10: {  	s5 =	sadd.s32 s7, s2;
	s7 =	sadd.s32 $0x2200, s9;
	s8 =	sadd.s32 $0xBE00, s10  }
0x11: {  	v0 =	vimm.f32 $0.0e+00;
	s9 =	sadd.s32 $0x2000, s10;
	s10 =	sadd.s32 $0x16000, s12;
	s12 =	simm.s32 $0x4D80  }
.LBB2_1:
0x12: {  	s22 =	simm.s32 $0x80;
	s26 =	simm.s32 $0x0  }
.LBB2_2:
0x13: {  	p0 =	sne.s32 s22, $0x13F80;
	[tilespmem:s26+$0x9020] =	vst v0;
	s28 =	smov.u32 s22;
	s22 =	sadd.s32 $0x80, s22  }
.Ltmp0:
0x14: {  	[tilespmem:s26+$0x9030] =	vst v0;
	(pc) =	sbr.rel @p0 .LBB2_2-.Ltmp0, $2  }
0x15: {  	_ =	sdelay $0x2  }
0x16: {  	s26 =	sshra.s32 s28, $0x2  }
0x17: {  	[tilespmem:s26+$0x9020] =	vst v0  }
0x18: {  	[tilespmem:s26+$0x9030] =	vst v0;
	s22 =	simm.s32 $0x9020  }
0x19: {  	[spmem:s5] =	stream.linear.scatter [tilespmem:s22], [sflag:$0x3], $0x5000, $0x38;
	[tilespmem:$0x13020] =	vst v63  }
0x1a: {  	_ =	swait.ge [sflag:s13], $0x5000  }
0x1b: {  	[sflag:s13] =	ssyncset.done $0x0  }
0x1c: {  	s22 =	simm.s32 $0x0;
	[sflag:s13] =	ssyncadd.s32 $0xFFFFB000  }
0x1d: {  	[tilespmem:s22], [sflag:$0x3] =	stream.linear.gather [hbm4b:s6+s22], $0x2700, $0x38;
	[tilespmem:$0x13020] =	vst v63  }
0x1e: {  	_ =	swait.ge [sflag:s13], $0x2700  }
0x1f: {  	[sflag:s13] =	ssyncset.done $0x0  }
0x20: {  	s28 =	simm.s32 $0x2700;
	[sflag:s13] =	ssyncadd.s32 $0xFFFFD900  }
0x21: {  	[tilespmem:s28], [sflag:$0x3] =	stream.linear.gather [hbm4b:s7+s22], $0x2700, $0x38;
	[tilespmem:$0x13020] =	vst v63  }
0x22: {  	_ =	swait.ge [sflag:s13], $0x2700  }
0x23: {  	[sflag:s13] =	ssyncset.done $0x0  }
0x24: {  	[sflag:s13] =	ssyncadd.s32 $0xFFFFD900  }
0x25: {  	[tilespmem:s15], [sflag:$0x3] =	stream.linear.gather [hbm4b:s8+s22], $0x10, $0x38;
	[tilespmem:$0x13020] =	vst v63  }
0x26: {  	_ =	swait.ge [sflag:s13], $0x10  }
0x27: {  	[sflag:s13] =	ssyncset.done $0x0  }
0x28: {  	[sflag:s13] =	ssyncadd.s32 $0xFFFFFFF0  }
0x29: {  	[tilespmem:s16], [sflag:$0x3] =	stream.linear.gather [hbm4b:s9+s22], $0x10, $0x38;
	[tilespmem:$0x13020] =	vst v63  }
0x2a: {  	_ =	swait.ge [sflag:s13], $0x10  }
0x2b: {  	[sflag:s13] =	ssyncset.done $0x0  }
0x2c: {  	[sflag:s13] =	ssyncadd.s32 $0xFFFFFFF0  }
0x2d: {  	[bflag:$0x0] =	sbarrier.arrive $0xFFFF  }
0x2e: {  	[tilespmem:s18], [sflag:$0x1] =	stream.indirect.gather [hbm4b:s4+s17], $0x20, s22, s17, $0xb8;
	[tilespmem:$0x13020] =	vst v63  }
0x2f: {  	_ = 	snop  }
0x30: {  	[tilespmem:s19], [sflag:$0x1] =	stream.indirect.gather [hbm4b:s4+s17], $0x20, s17, s17, $0xb8;
	[tilespmem:$0x13020] =	vst v63  }
0x31: {  	s28 =	simm.s32 $0x100  }
0x32: {  	[tilespmem:s21], [sflag:$0x2] =	stream.indirect.gather [hbm4b:s4+s17], $0x20, s28, s17, $0xb8;
	[tilespmem:$0x13020] =	vst v63  }
0x33: {  	s26 =	simm.s32 $0x180  }
0x34: {  	[tilespmem:s23], [sflag:$0x2] =	stream.indirect.gather [hbm4b:s4+s17], $0x20, s26, s17, $0xb8;
	[tilespmem:$0x13020] =	vst v63  }
0x35: {  	_ =	swait.ge [sflag:s24], $0x1000  }
0x36: {  	[sflag:s24] =	ssyncset.done $0x0  }
0x37: {  	[sflag:s24] =	ssyncadd.s32 $0xFFFFF000  }
0x38: {  	_ =	swait.ge [sflag:s24], $0x1000  }
0x39: {  	[sflag:s24] =	ssyncset.done $0x0  }
0x3a: {  	s28 =	simm.s32 $0x2700;
	[sflag:s24] =	ssyncadd.s32 $0xFFFFF000  }
0x3b: {  	[spmem:s2] =	stream.indirect.scatter.add.f32 [tilespmem:s18], [sflag:$0x3], $0x20, s28, s17, $0xb8;
	[tilespmem:$0x13020] =	vst v63  }
0x3c: {  	_ =	swait.ge [sflag:s13], $0x1000  }
0x3d: {  	[sflag:s13] =	ssyncset.done $0x0  }
0x3e: {  	s26 =	simm.s32 $0x2780;
	[sflag:s13] =	ssyncadd.s32 $0xFFFFF000  }
0x3f: {  	[spmem:s2] =	stream.indirect.scatter.add.f32 [tilespmem:s19], [sflag:$0x3], $0x20, s26, s17, $0xb8;
	[tilespmem:$0x13020] =	vst v63  }
0x40: {  	_ =	swait.ge [sflag:s13], $0x1000  }
0x41: {  	[sflag:s13] =	ssyncset.done $0x0  }
0x42: {  	s28 =	simm.s32 $0x200;
	[sflag:s13] =	ssyncadd.s32 $0xFFFFF000  }
0x43: {  	[tilespmem:s18], [sflag:$0x1] =	stream.indirect.gather [hbm4b:s4+s17], $0x20, s28, s17, $0xb8;
	[tilespmem:$0x13020] =	vst v63  }
0x44: {  	s26 =	simm.s32 $0x280  }
0x45: {  	[tilespmem:s19], [sflag:$0x1] =	stream.indirect.gather [hbm4b:s4+s17], $0x20, s26, s17, $0xb8;
	[tilespmem:$0x13020] =	vst v63  }
0x46: {  	_ =	swait.ge [sflag:s25], $0x1000  }
0x47: {  	[sflag:s25] =	ssyncset.done $0x0  }
0x48: {  	[sflag:s25] =	ssyncadd.s32 $0xFFFFF000  }
0x49: {  	_ =	swait.ge [sflag:s25], $0x1000  }
0x4a: {  	[sflag:s25] =	ssyncset.done $0x0  }
0x4b: {  	s28 =	simm.s32 $0x2800;
	[sflag:s25] =	ssyncadd.s32 $0xFFFFF000  }
0x4c: {  	[spmem:s2] =	stream.indirect.scatter.add.f32 [tilespmem:s21], [sflag:$0x3], $0x20, s28, s17, $0xb8;
	[tilespmem:$0x13020] =	vst v63  }
0x4d: {  	_ =	swait.ge [sflag:s13], $0x1000  }
0x4e: {  	[sflag:s13] =	ssyncset.done $0x0  }
0x4f: {  	s26 =	simm.s32 $0x2880;
	[sflag:s13] =	ssyncadd.s32 $0xFFFFF000  }
0x50: {  	[spmem:s2] =	stream.indirect.scatter.add.f32 [tilespmem:s23], [sflag:$0x3], $0x20, s26, s17, $0xb8;
	[tilespmem:$0x13020] =	vst v63  }
0x51: {  	_ =	swait.ge [sflag:s13], $0x1000  }
0x52: {  	s22 =	simm.s32 $0x800;
	[sflag:s13] =	ssyncset.done $0x0  }
0x53: {  	s28 =	simm.s32 $0x300;
	s26 =	simm.s32 $0x380;
	[sflag:s13] =	ssyncadd.s32 $0xFFFFF000  }
0x54: {  	[tilespmem:s21], [sflag:$0x2] =	stream.indirect.gather [hbm4b:s4+s17], $0x20, s28, s17, $0xb8;
	[tilespmem:$0x13020] =	vst v63  }
.LBB2_4:
0x55: {  	[tilespmem:s23], [sflag:$0x2] =	stream.indirect.gather [hbm4b:s4+s17], $0x20, s26, s17, $0xb8;
	[tilespmem:$0x13020] =	vst v63  }
0x56: {  	s26 =	smov.u32 s22  }
0x57: {  	p0 =	sne.s32 s22, $0x8800;
	s22 =	sadd.s32 $0x800, s22;
	_ =	swait.ge [sflag:s24], $0x1000  }
0x58: {  	[sflag:s24] =	ssyncset.done $0x0  }
0x59: {  	[sflag:s24] =	ssyncadd.s32 $0xFFFFF000  }
0x5a: {  	_ =	swait.ge [sflag:s24], $0x1000  }
0x5b: {  	s26 =	sshra.s32 s26, $0x2;
	[sflag:s24] =	ssyncset.done $0x0  }
0x5c: {  	s28 =	sadd.s32 $0x2700, s26;
	[sflag:s24] =	ssyncadd.s32 $0xFFFFF000  }
0x5d: {  	[spmem:s2] =	stream.indirect.scatter.add.f32 [tilespmem:s18], [sflag:$0x3], $0x20, s28, s17, $0xb8;
	[tilespmem:$0x13020] =	vst v63  }
0x5e: {  	_ =	swait.ge [sflag:s13], $0x1000  }
0x5f: {  	[sflag:s13] =	ssyncset.done $0x0  }
0x60: {  	s28 =	sadd.s32 $0x2780, s26;
	[sflag:s13] =	ssyncadd.s32 $0xFFFFF000  }
0x61: {  	[spmem:s2] =	stream.indirect.scatter.add.f32 [tilespmem:s19], [sflag:$0x3], $0x20, s28, s17, $0xb8;
	[tilespmem:$0x13020] =	vst v63  }
0x62: {  	_ =	swait.ge [sflag:s13], $0x1000  }
0x63: {  	[sflag:s13] =	ssyncset.done $0x0  }
0x64: {  	s28 =	sadd.s32 $0x200, s26;
	[sflag:s13] =	ssyncadd.s32 $0xFFFFF000  }
0x65: {  	[tilespmem:s18], [sflag:$0x1] =	stream.indirect.gather [hbm4b:s4+s17], $0x20, s28, s17, $0xb8;
	[tilespmem:$0x13020] =	vst v63  }
0x66: {  	s28 =	sadd.s32 $0x280, s26  }
0x67: {  	[tilespmem:s19], [sflag:$0x1] =	stream.indirect.gather [hbm4b:s4+s17], $0x20, s28, s17, $0xb8;
	[tilespmem:$0x13020] =	vst v63  }
0x68: {  	_ =	swait.ge [sflag:s25], $0x1000  }
0x69: {  	[sflag:s25] =	ssyncset.done $0x0  }
0x6a: {  	[sflag:s25] =	ssyncadd.s32 $0xFFFFF000  }
0x6b: {  	_ =	swait.ge [sflag:s25], $0x1000  }
0x6c: {  	[sflag:s25] =	ssyncset.done $0x0  }
0x6d: {  	s28 =	sadd.s32 $0x2800, s26;
	[sflag:s25] =	ssyncadd.s32 $0xFFFFF000  }
0x6e: {  	[spmem:s2] =	stream.indirect.scatter.add.f32 [tilespmem:s21], [sflag:$0x3], $0x20, s28, s17, $0xb8;
	[tilespmem:$0x13020] =	vst v63  }
0x6f: {  	_ =	swait.ge [sflag:s13], $0x1000  }
0x70: {  	[sflag:s13] =	ssyncset.done $0x0  }
0x71: {  	s28 =	sadd.s32 $0x2880, s26;
	[sflag:s13] =	ssyncadd.s32 $0xFFFFF000  }
0x72: {  	[spmem:s2] =	stream.indirect.scatter.add.f32 [tilespmem:s23], [sflag:$0x3], $0x20, s28, s17, $0xb8;
	[tilespmem:$0x13020] =	vst v63  }
.Ltmp1:
0x73: {  	_ =	swait.ge [sflag:s13], $0x1000;
	(pc) =	sbr.rel @p0 .LBB2_4-.Ltmp1, $4  }
0x74: {  	[sflag:s13] =	ssyncset.done $0x0  }
0x75: {  	s28 =	sadd.s32 $0x300, s26;
	[sflag:s13] =	ssyncadd.s32 $0xFFFFF000  }
0x76: {  	[tilespmem:s21], [sflag:$0x2] =	stream.indirect.gather [hbm4b:s4+s17], $0x20, s28, s17, $0xb8;
	[tilespmem:$0x13020] =	vst v63  }
0x77: {  	s26 =	sadd.s32 $0x380, s26  }
0x78: {  	[tilespmem:s23], [sflag:$0x2] =	stream.indirect.gather [hbm4b:s4+s17], $0x20, s26, s17, $0xb8;
	[tilespmem:$0x13020] =	vst v63  }
0x79: {  	_ =	swait.ge [sflag:s24], $0x1000  }
0x7a: {  	[sflag:s24] =	ssyncset.done $0x0  }
0x7b: {  	[sflag:s24] =	ssyncadd.s32 $0xFFFFF000  }
0x7c: {  	_ =	swait.ge [sflag:s24], $0x1000  }
0x7d: {  	[sflag:s24] =	ssyncset.done $0x0  }
0x7e: {  	s22 =	simm.s32 $0x4B00;
	[sflag:s24] =	ssyncadd.s32 $0xFFFFF000  }
0x7f: {  	[spmem:s2] =	stream.indirect.scatter.add.f32 [tilespmem:s18], [sflag:$0x3], $0x20, s22, s17, $0xb8;
	[tilespmem:$0x13020] =	vst v63  }
0x80: {  	_ =	swait.ge [sflag:s13], $0x1000  }
0x81: {  	[sflag:s13] =	ssyncset.done $0x0  }
0x82: {  	s28 =	simm.s32 $0x4B80;
	[sflag:s13] =	ssyncadd.s32 $0xFFFFF000  }
0x83: {  	[spmem:s2] =	stream.indirect.scatter.add.f32 [tilespmem:s19], [sflag:$0x3], $0x20, s28, s17, $0xb8;
	[tilespmem:$0x13020] =	vst v63  }
0x84: {  	_ =	swait.ge [sflag:s13], $0x1000  }
0x85: {  	[sflag:s13] =	ssyncset.done $0x0  }
0x86: {  	[sflag:s13] =	ssyncadd.s32 $0xFFFFF000  }
0x87: {  	_ =	swait.ge [sflag:s25], $0x1000  }
0x88: {  	[sflag:s25] =	ssyncset.done $0x0  }
0x89: {  	[sflag:s25] =	ssyncadd.s32 $0xFFFFF000  }
0x8a: {  	_ =	swait.ge [sflag:s25], $0x1000  }
0x8b: {  	[sflag:s25] =	ssyncset.done $0x0  }
0x8c: {  	[sflag:s25] =	ssyncadd.s32 $0xFFFFF000  }
0x8d: {  	[spmem:s2] =	stream.indirect.scatter.add.f32 [tilespmem:s21], [sflag:$0x3], $0x20, s29, s17, $0xb8;
	[tilespmem:$0x13020] =	vst v63  }
0x8e: {  	_ =	swait.ge [sflag:s13], $0x1000  }
0x8f: {  	[sflag:s13] =	ssyncset.done $0x0  }
0x90: {  	[sflag:s13] =	ssyncadd.s32 $0xFFFFF000  }
0x91: {  	[spmem:s2] =	stream.indirect.scatter.add.f32 [tilespmem:s23], [sflag:$0x3], $0x20, s30, s17, $0xb8;
	[tilespmem:$0x13020] =	vst v63  }
0x92: {  	_ =	swait.ge [sflag:s13], $0x1000  }
0x93: {  	[sflag:s13] =	ssyncset.done $0x0  }
0x94: {  	[sflag:s13] =	ssyncadd.s32 $0xFFFFF000  }
0x95: {  	[tilespmem:s18], [sflag:$0x1] =	stream.indirect.gather [hbm4b:s4+s17], $0x20, s31, s17, $0xb8;
	[tilespmem:$0x13020] =	vst v63  }
0x96: {  	_ =	swait.ge [sflag:s24], $0x1000  }
0x97: {  	[sflag:s24] =	ssyncset.done $0x0  }
0x98: {  	[sflag:s24] =	ssyncadd.s32 $0xFFFFF000  }
0x99: {  	[spmem:s2] =	stream.indirect.scatter.add.f32 [tilespmem:s18], [sflag:$0x3], $0x20, s1, s17, $0xb8;
	[tilespmem:$0x13020] =	vst v63  }
0x9a: {  	_ =	swait.ge [sflag:s13], $0x1000  }
0x9b: {  	[sflag:s13] =	ssyncset.done $0x0  }
0x9c: {  	[sflag:s13] =	ssyncadd.s32 $0xFFFFF000  }
0x9d: {  	[tilespmem:s19], [sflag:$0x1] =	stream.indirect.gather [hbm4b:s4+s17], $0x20, s0, s17, $0xb8;
	[tilespmem:$0x13020] =	vst v63  }
0x9e: {  	_ =	swait.ge [sflag:s24], $0x1000  }
0x9f: {  	[sflag:s24] =	ssyncset.done $0x0  }
0xa0: {  	[sflag:s24] =	ssyncadd.s32 $0xFFFFF000  }
0xa1: {  	[spmem:s2] =	stream.indirect.scatter.add.f32 [tilespmem:s19], [sflag:$0x3], $0x20, s12, s17, $0xb8;
	[tilespmem:$0x13020] =	vst v63  }
0xa2: {  	_ =	swait.ge [sflag:s13], $0x1000  }
0xa3: {  	[sflag:s13] =	ssyncset.done $0x0  }
0xa4: {  	[sflag:s13] =	ssyncadd.s32 $0xFFFFF000  }
0xa5: {  	[tilespmem:s20], [sflag:$0x1] =	stream.indirect.gather [hbm4b:s4+s14], $0x20, s15, s14, $0xb8;
	[tilespmem:$0x13020] =	vst v63  }
0xa6: {  	_ =	swait.ge [sflag:s24], $0x200  }
0xa7: {  	[sflag:s24] =	ssyncset.done $0x0  }
0xa8: {  	[sflag:s24] =	ssyncadd.s32 $0xFFFFFE00  }
0xa9: {  	[spmem:s2] =	stream.indirect.scatter.add.f32 [tilespmem:s20], [sflag:$0x3], $0x20, s16, s14, $0xb8;
	[tilespmem:$0x13020] =	vst v63  }
0xaa: {  	s26 =	stileid.u32;
	_ =	swait.ge [sflag:s13], $0x200  }
0xab: {  	s3 =	sadd.s32 $0x1, s3;
	s22 =	sshll.u32 s26, $0x6;
	[sflag:s13] =	ssyncset.done $0x0  }
0xac: {  	p0 =	sne.s32 s3, s11;
	s22 =	sor.u32 $0x1C03, s22;
	[sflag:s13] =	ssyncadd.s32 $0xFFFFFE00  }
.Ltmp2:
0xad: {  	s28 =	sshrl.u32 s5, $0x3;
	[bflag:$0x0] =	sbarrier.arrive $0xFFFF;
	(pc) =	sbr.rel @p0 .LBB2_1-.Ltmp2, $4  }
0xae: {  	[hbm:s10], [sflag:s22] =	dma.local [spmem:s28], $0xA00  }
0xaf: {  	_ =	swait.ge [sflag:s13], $0xA00  }
0xb0: {  	[sflag:s13] =	ssyncset.done $0x0  }
0xb1: {  	[sflag:s13] =	ssyncadd.s32 $0xFFFFF600  }
0xb2: {  	_ =	sfence.sel $0x180000  }
0xb3: {  	[bflag:$0x0] =	sbarrier.arrive $0xFFFF  }
0xb4: {  	_ =	strace $0x9000004D  }
0xb5: {  	s0 =	stileid.u32;
	[bflag:$0x2] =	sbarrier.arrive $0xFFFF  }
0xb6: {  	p0 =	sne.s32 s0, $0x0;
	s0 =	rddreg [dreg:$0x3]  }
0xb7: {  	s0 =	sadd.s32 @!p0 $0x100000, s0  }
0xb8: {  	[sflag:s0] =	ssyncadd.tile.s32 @!p0 $0x1;
	_ =	shalt  }
.Lfunc_end2:
_tile_overlayer_lowered:
.L_overlay_start_2:
0xb9: {  	(tag) =	ssettag $0x2  }
0xba: {  	s0 =	rddreg [dreg:$0x0];
	s2 =	stileid.u32  }
0xbb: {  	s1 =	rddreg [dreg:$0x1];
	p0 =	sne.s32 s2, $0x0  }
0xbc: {  	s3 =	rddreg [dreg:$0x2];
	[bflag:$0x3] =	sbarrier.arrive $0xFFFF;
	s2 =	simm.s32 @!p0 $0x1C03  }
0xbd: {  	[timem:s3], [sflag:s2] =	dma.local @!p0 [hbm:s0], s1  }
0xbe: {  	s0 =	simm.s32 @!p0 $0x3  }
0xbf: {  	_ =	swait.ge @!p0 [sflag:s0], s1  }
0xc0: {  	s1 =	ssub.s32 @!p0 $0x0, s1;
	[sflag:s0] =	ssyncset.done @!p0 $0x0  }
0xc1: {  	[sflag:s0] =	ssyncadd.s32 @!p0 s1  }
0xc2: {  	[bflag:$0x3] =	sbarrier.arrive $0xFFFF  }
0xc3: {  	_ =	shalt  }

// kernel: kernel.8.cloned.1.call-start
scs
__scs_entry_jumppad:
0x0: {  	(pc) =	sbr.rel $0x88, $3  }
0x1: {  	(tag) =	ssettag $0x0;
	lr =	simm.s32 $0x1  }
0x2: {  	[smem:$0x3F9B] =	sst lr;
	_ =	strace $0xD0000000  }
0x3: {  	_ = 	snop  }
0x4: {  	_ = 	snop  }
0x5: {  	_ = 	snop  }
0x6: {  	_ = 	snop  }
0x7: {  	_ = 	snop  }
__scs_overlays_trampoline_lowered:
0x8: {  	[smem:$0x3FAA] =	sst s0  }
0x9: {  	[smem:$0x3FAB] =	sst s1  }
0xa: {  	[smem:$0x3FAC] =	sst s2  }
0xb: {  	[smem:$0x3FAD] =	sst s3  }
0xc: {  	[smem:$0x3FAE] =	sst s4  }
0xd: {  	[smem:$0x3FAF] =	sst s5  }
0xe: {  	[smem:$0x3FB0] =	sst s6  }
0xf: {  	[smem:$0x3FB1] =	sst s7  }
0x10: {  	[smem:$0x3FB2] =	sst s8  }
0x11: {  	[smem:$0x3FB3] =	sst s9;
	s0 =	simm.s32 @!p0 $0x0  }
0x12: {  	s1 =	sld [smem:$0x3F99];
	s0 =	simm.s32 @p0 $0x1  }
0x13: {  	[smem:$0x3FB4] =	sst s0;
	s0 =	simm.s32 @!p1 $0x0  }
0x14: {  	s2 =	sld [smem:$0x3F98];
	s0 =	simm.s32 @p1 $0x1  }
0x15: {  	[smem:$0x3FB5] =	sst s0;
	s0 =	simm.s32 @!p2 $0x0  }
0x16: {  	s3 =	sld [smem:$0x3FDB];
	s0 =	simm.s32 @p2 $0x1  }
0x17: {  	s4 =	simm.s32 $0x1BF5;
	[smem:$0x3FB7] =	sst s0  }
0x18: {  	s0 =	sld [smem:$0x3F9A];
	_ =	swait.ge [sflag:s4], $0x0  }
0x19: {  	s7 =	sld [smem:$0x3F9B]  }
0x1a: {  	s8 =	sadd.s32 $0xFFFFE003, lr  }
0x1b: {  	s9 =	sadd.s32 $0xFFFFFEF7, lr;
	s5 =	simm.s32 $0xFFFFFFFF;
	p2 =	slt.u32 s8, $0xFFFFF086  }
0x1c: {  	p1 =	slt.u32 s9, $0xF7A;
	s5 =	simm.s32 @!p2 $0x0  }
0x1d: {  	s5 =	simm.s32 @p1 $0x1;
	p0 =	seq.s32 s7, s2  }
0x1e: {  	s7 =	smul.u32 @!p0 $0xF7A, s2;
	p2 =	seq.s32 @!p0 s5, $0x0  }
0x1f: {  	s9 =	smul.u32 $0xF7A, s1;
	s8 =	simm.s32 @!p0 $0x1BF5;
	p2 =	por !p2, p0  }
0x20: {  	[sflag:s8] =	ssyncset.s32 @!p0 $0xFFFFF086;
	s6 =	sadd.s32 @!p0 s3, s7;
	s7 =	simm.s32 @!p0 $0x108  }
0x21: {  	s3 =	sadd.s32 s3, s9;
	s6 =	sadd.s32 @!p0 $0x88, s6;
	s7 =	simm.s32 @p2 $0x1082  }
0x22: {  	[simem:s7], [sflag:s8] =	dma.local @!p0 [hbm:s6], $0xF7A  }
0x23: {  	s9 =	sor.u32 $0xD0000000, s2;
	s6 =	simm.s32 $0x108;
	_ =	swait.ge @!p0 [sflag:s8], $0x0  }
0x24: {  	s3 =	sadd.s32 $0x88, s3;
	s6 =	simm.s32 @!p1 $0x1082;
	[sflag:s4] =	ssyncset.s32 $0xFFFFF086  }
0x25: {  	[simem:s6], [sflag:s4] =	dma.local [hbm:s3], $0xF7A  }
0x26: {  	[smem:$0x3F9B] =	sst s1;
	(tag) =	ssettag s2;
	_ =	strace s9  }
0x27: {  	s1 =	sld [smem:$0x3FAB]  }
0x28: {  	s2 =	sld [smem:$0x3FAC]  }
0x29: {  	s4 =	sld [smem:$0x3FAE]  }
0x2a: {  	p0 =	seq.s32 s5, $0x0;
	s5 =	sld [smem:$0x3FAF]  }
0x2b: {  	s6 =	sld [smem:$0x3FB0]  }
0x2c: {  	s7 =	sld [smem:$0x3FB1]  }
0x2d: {  	s3 =	simm.s32 $0x108;
	s8 =	sld [smem:$0x3FB2]  }
0x2e: {  	s3 =	simm.s32 @!p0 $0x1082;
	s9 =	sld [smem:$0x3FB3]  }
0x2f: {  	lr =	sadd.s32 s0, s3;
	s0 =	sld [smem:$0x3FAA]  }
0x30: {  	s3 =	sld [smem:$0x3FAD]  }
0x31: {  	[smem:$0x3FB6] =	sst s10  }
0x32: {  	s10 =	sld [smem:$0x3FB4];
	_ =	sdelay $0x3  }
0x33: {  	p0 =	seq.s32 s10, $0x1;
	s10 =	sld [smem:$0x3FB6];
	_ =	sdelay $0x3  }
0x34: {  	[smem:$0x3FB6] =	sst s10  }
0x35: {  	s10 =	sld [smem:$0x3FB5];
	_ =	sdelay $0x3  }
0x36: {  	p1 =	seq.s32 s10, $0x1;
	s10 =	sld [smem:$0x3FB6];
	_ =	sdelay $0x3  }
0x37: {  	[smem:$0x3FB6] =	sst s10  }
0x38: {  	s10 =	sld [smem:$0x3FB7]  }
0x39: {  	_ = 	snop;
	(pc) =	sbr.ind lr, $3  }
0x3a: {  	_ = 	snop  }
0x3b: {  	_ = 	snop  }
0x3c: {  	p2 =	seq.s32 s10, $0x1;
	s10 =	sld [smem:$0x3FB6]  }
0x3d: {  	_ =	shalt  }
0x3e: {  	_ =	shalt  }
0x3f: {  	_ =	shalt  }
0x40: {  	_ =	shalt  }
0x41: {  	_ =	shalt  }
0x42: {  	_ =	shalt  }
0x43: {  	_ =	shalt  }
0x44: {  	_ =	shalt  }
0x45: {  	_ =	shalt  }
0x46: {  	_ =	shalt  }
0x47: {  	_ =	shalt  }
0x48: {  	_ =	shalt  }
0x49: {  	_ =	shalt  }
0x4a: {  	_ =	shalt  }
0x4b: {  	_ =	shalt  }
0x4c: {  	_ =	shalt  }
0x4d: {  	_ =	shalt  }
0x4e: {  	_ =	shalt  }
0x4f: {  	_ =	shalt  }
0x50: {  	_ =	shalt  }
0x51: {  	_ =	shalt  }
0x52: {  	_ =	shalt  }
0x53: {  	_ =	shalt  }
0x54: {  	_ =	shalt  }
0x55: {  	_ =	shalt  }
0x56: {  	_ =	shalt  }
0x57: {  	_ =	shalt  }
0x58: {  	_ =	shalt  }
0x59: {  	_ =	shalt  }
0x5a: {  	_ =	shalt  }
0x5b: {  	_ =	shalt  }
0x5c: {  	_ =	shalt  }
0x5d: {  	_ =	shalt  }
0x5e: {  	_ =	shalt  }
0x5f: {  	_ =	shalt  }
0x60: {  	_ =	shalt  }
0x61: {  	_ =	shalt  }
0x62: {  	_ =	shalt  }
0x63: {  	_ =	shalt  }
0x64: {  	_ =	shalt  }
0x65: {  	_ =	shalt  }
0x66: {  	_ =	shalt  }
0x67: {  	_ =	shalt  }
0x68: {  	_ =	shalt  }
0x69: {  	_ =	shalt  }
0x6a: {  	_ =	shalt  }
0x6b: {  	_ =	shalt  }
0x6c: {  	_ =	shalt  }
0x6d: {  	_ =	shalt  }
0x6e: {  	_ =	shalt  }
0x6f: {  	_ =	shalt  }
0x70: {  	_ =	shalt  }
0x71: {  	_ =	shalt  }
0x72: {  	_ =	shalt  }
0x73: {  	_ =	shalt  }
0x74: {  	_ =	shalt  }
0x75: {  	_ =	shalt  }
0x76: {  	_ =	shalt  }
0x77: {  	_ =	shalt  }
0x78: {  	_ =	shalt  }
0x79: {  	_ =	shalt  }
0x7a: {  	_ =	shalt  }
0x7b: {  	_ =	shalt  }
0x7c: {  	_ =	shalt  }
0x7d: {  	_ =	shalt  }
0x7e: {  	_ =	shalt  }
0x7f: {  	_ =	shalt  }
0x80: {  	_ =	shalt  }
0x81: {  	_ =	shalt  }
0x82: {  	_ =	shalt  }
0x83: {  	_ =	shalt  }
0x84: {  	_ =	shalt  }
0x85: {  	_ =	shalt  }
0x86: {  	_ =	shalt  }
0x87: {  	_ =	shalt  }
.Lfunc_end0:
.L_simem_size_0:
called_computation_lowered:
.L_overlay_start_0:
0x88: {  	s2 =	sld [smem:$0x3FD9]  }
0x89: {  	s3 =	sld [smem:$0x3FFE];
	_ =	sdelay $0x1  }
0x8a: {  	s1 =	srdreg.scid  }
0x8b: {  	s0 =	sand.u32 $0x1, s1  }
0x8c: {  	s17 =	sshll.u32 s0, $0xA;
	s2 =	sadd.s32 s3, s2  }
0x8d: {  	s2 =	sadd.s32 s2, s17  }
0x8e: {  	[smem:$0x3FC2] =	sst s2  }
0x8f: {  	_ = 	snop  }
0x90: {  	s2 =	sld [smem:$0x3FD0];
	(tm) =	ssettm $0x1  }
0x91: {  	s18 =	sld [smem:$0x3FFB];
	_ =	sdelay $0x3  }
0x92: {  	_ =	strace s18  }
0x93: {  	s3 =	sld [smem:$0x3FFC];
	_ =	sdelay $0x3  }
0x94: {  	_ =	strace s3  }
0x95: {  	s3 =	sld [smem:$0x3FFD];
	_ =	sdelay $0x3  }
0x96: {  	_ =	strace s3  }
0x97: {  	_ =	strace $0x8FFFFFFF  }
0x98: {  	s19 =	sld [smem:$0x3FDB];
	_ =	sdelay $0x1  }
0x99: {  	s4 =	simm.s32 $_scs_section_size  }
0x9a: {  	s5 =	simm.s32 $_size__tile_overlayer_lowered;
	s6 =	simm.s32 $_tile_overlayer_lowered  }
0x9b: {  	s22 =	simm.s32 $0x1BFF;
	s21 =	sshll.u32 s6, $0x1;
	s3 =	sadd.s32 s4, s19  }
0x9c: {  	s7 =	simm.s32 $0x0;
	s20 =	sshll.u32 s5, $0x1;
	s5 =	sadd.s32 s21, s3  }
0x9d: {  	[timem:s7], [sflag:s22] =	dma.local [hbm:s5], s20  }
0x9e: {  	_ =	swait.ge [sflag:s22], s20  }
0x9f: {  	s4 =	ssub.s32 $0x0, s20;
	[sflag:s22] =	ssyncset.done $0x0  }
0xa0: {  	[sflag:s22] =	ssyncadd.s32 s4;
	_ =	sdelay $0x1  }
0xa1: {  	s23 =	simm.s32 $0x1B8B  }
0xa2: {  	_ =	swait.ge [sflag:s23], $0x1  }
0xa3: {  	[sflag:s23] =	ssyncset.done $0x0  }
0xa4: {  	s25 =	simm.s32 $0x1B8E;
	s24 =	sld [smem:$0x3FFE];
	[sflag:s23] =	ssyncadd.s32 $0xFFFFFFFF  }
0xa5: {  	s26 =	simm.s32 $execute0_lowered;
	[smem:$0x3FD2] =	sst s25  }
0xa6: {  	s5 =	sshll.u32 s26, $0x1;
	_ =	strace $0x80000046;
	[dreg:$0x1] =	wrdreg $0xFFFFFFFF  }
0xa7: {  	s28 =	simm.s32 $_size_execute0_lowered;
	s3 =	sadd.s32 s3, s5;
	[dreg:$0x0] =	wrdreg $0x0  }
0xa8: {  	s5 =	sshll.u32 s28, $0x1;
	[dreg:$0x2] =	wrdreg s3  }
0xa9: {  	[dreg:$0x3] =	wrdreg s5  }
0xaa: {  	[dreg:$0x4] =	wrdreg $0xC0  }
0xab: {  	_ =	task [dreg:s7], $0x5FFFF  }
0xac: {  	[dreg:$0x1] =	wrdreg $0xFFFFFFFF  }
0xad: {  	[dreg:$0x0] =	wrdreg $0x60  }
0xae: {  	[dreg:$0x2] =	wrdreg s2  }
0xaf: {  	[dreg:$0x3] =	wrdreg s24  }
0xb0: {  	[dreg:$0x4] =	wrdreg $0x7F200  }
0xb1: {  	[dreg:$0x5] =	wrdreg $0x9  }
0xb2: {  	_ =	task.clear_ibuf [dreg:s7], $0x6FFFF;
	_ =	strace $0x90000046  }
0xb3: {  	s29 =	simm.s32 $0x9;
	_ =	strace $0x80000048  }
0xb4: {  	_ =	swait.ge [sflag:s29], $0x1  }
0xb5: {  	[sflag:s29] =	ssyncadd.s32 $0xFFFFFFFF  }
0xb6: {  	_ =	strace $0x90000048  }
0xb7: {  	_ =	sfence  }
0xb8: {  	s30 =	sld [smem:$0x0];
	_ =	sdelay $0x2  }
0xb9: {  	s31 =	sshll.u32 s1, $0xD;
	s1 =	sshrl.u32 s1, $0x2  }
0xba: {  	s3 =	sand.u32 $0x4000, s31;
	s1 =	sadd.s32 s1, s30  }
0xbb: {  	s0 =	sor.u32 s3, s0;
	s1 =	sshll.u32 s1, $0x11  }
0xbc: {  	s0 =	sor.u32 s1, s0  }
0xbd: {  	s0 =	sadd.s32 $0x8F2B, s0  }
0xbe: {  	[sflag:s0] =	ssyncadd.remote.s32 $0x1  }
0xbf: {  	_ =	sfence.sel $0xFFFF  }
0xc0: {  	[dreg:$0x0] =	wrdreg $0xFFFFFFFF;
	(pc) =	sbr.abs _section_cstart, $3  }
0xc1: {  	[dreg:$0x1] =	wrdreg $0xFFFFFFFF  }
0xc2: {  	_ =	task.clear_ibuf [dreg:s7], $0x2FFFF;
	_ =	strace $0x9FFFFFFF  }
0xc3: {  	(tm) =	ssettm $0x7FFFFFFF  }
tec
execute0_lowered:
.L_overlay_start_1:
0x0: {  	(tag) =	ssettag $0x1  }
0x1: {  	s1 =	srdreg.scid;
	s5 =	rddreg [dreg:$0x0]  }
0x2: {  	s0 =	stileid.u32;
	s6 =	rddreg [dreg:$0x1]  }
0x3: {  	s2 =	rddreg [dreg:$0x2];
	s3 =	simm.s32 $0x0;
	s14 =	simm.s32 $0x4E00  }
0x4: {  	s15 =	simm.s32 $0x4E10;
	s16 =	simm.s32 $0x80;
	s17 =	simm.s32 $0x4E20  }
0x5: {  	s18 =	simm.s32 $0x10;
	s19 =	simm.s32 $0x5620;
	s4 =	sand.u32 $0x1, s1  }
0x6: {  	s29 =	sshll.u32 s0, $0x1;
	s1 =	rddreg [dreg:$0x3];
	s9 =	smul.u32 $0x2800, s0  }
0x7: {  	[smem:$0x7FF] =	sst s3;
	s7 =	sor.u32 s4, s29;
	s10 =	smul.u32 $0x28000, s4  }
0x8: {  	_ =	strace $0x80000047;
	s4 =	ssub.s32 $0x2, s4;
	s8 =	smul.u32 $0x4E0, s7  }
0x9: {  	s7 =	sshll.u32 s7, $0x1;
	s31 =	sshrl.u32 s4, $0x1;
	s10 =	sadd.s32 s9, s10  }
0xa: {  	s12 =	sadd.s32 s7, s6;
	s11 =	sadd.s32 s8, s6;
	s30 =	sshrl.u32 s10, $0x3  }
0xb: {  	s10 =	ssub.s32 s4, s31;
	s4 =	sadd.s32 s9, s2;
	s5 =	sadd.s32 s5, s8  }
0xc: {  	s7 =	sadd.s32 $0xBE00, s12;
	s8 =	sadd.s32 $0x2000, s12;
	s12 =	simm.s32 $0x1  }
0xd: {  	s13 =	sadd.s32 s30, s6;
	s6 =	sadd.s32 $0x2200, s11;
	s10 =	smax.u32 s10, $0x1  }
0xe: {  	v0 =	vimm.f32 $0.0e+00;
	v1 =	vimm.f32 $1.000000000e+00;
	s11 =	simm.s32 $0x5720;
	s9 =	sadd.s32 $0xC200, s13;
	s13 =	simm.s32 $0x2700  }
.LBB2_1:
0xf: {  	s20 =	simm.s32 $0x40;
	s21 =	simm.s32 $0x0  }
.LBB2_2:
0x10: {  	p0 =	sne.s32 s20, $0x9FC0;
	[tilespmem:s21+$0x5720] =	vst v0;
	s21 =	smov.u32 s20;
	s20 =	sadd.s32 $0x40, s20  }
.Ltmp0:
0x11: {  	(pc) =	sbr.rel @p0 .LBB2_2-.Ltmp0, $2  }
0x12: {  	_ =	sdelay $0x2  }
0x13: {  	s21 =	sshra.s32 s21, $0x2  }
0x14: {  	[tilespmem:s21+$0x5720] =	vst v0  }
0x15: {  	[spmem:s4] =	stream.linear.scatter [tilespmem:s11], [sflag:$0x1], $0x2800, $0x38;
	[tilespmem:$0xA720] =	vst v63  }
0x16: {  	_ =	swait.ge [sflag:s12], $0x2800  }
0x17: {  	[sflag:s12] =	ssyncset.done $0x0  }
0x18: {  	s20 =	simm.s32 $0x40;
	s21 =	simm.s32 $0x0;
	[sflag:s12] =	ssyncadd.s32 $0xFFFFD800  }
.LBB2_4:
0x19: {  	p0 =	sne.s32 s20, $0x1FC0;
	[tilespmem:s21+$0x4E20] =	vst v1;
	s21 =	smov.u32 s20;
	s20 =	sadd.s32 $0x40, s20  }
.Ltmp1:
0x1a: {  	(pc) =	sbr.rel @p0 .LBB2_4-.Ltmp1, $2  }
0x1b: {  	_ =	sdelay $0x2  }
0x1c: {  	s21 =	sshra.s32 s21, $0x2  }
0x1d: {  	[tilespmem:s21+$0x4E20] =	vst v1  }
0x1e: {  	[tilespmem:$0x5620] =	vst v1  }
0x1f: {  	[tilespmem:$0x5630] =	vst v1  }
0x20: {  	[tilespmem:$0x5640] =	vst v1  }
0x21: {  	[tilespmem:$0x5650] =	vst v1  }
0x22: {  	[tilespmem:$0x5660] =	vst v1  }
0x23: {  	[tilespmem:$0x5670] =	vst v1  }
0x24: {  	[tilespmem:$0x5680] =	vst v1  }
0x25: {  	[tilespmem:$0x5690] =	vst v1  }
0x26: {  	[tilespmem:$0x56A0] =	vst v1  }
0x27: {  	[tilespmem:$0x56B0] =	vst v1  }
0x28: {  	[tilespmem:$0x56C0] =	vst v1  }
0x29: {  	[tilespmem:$0x56D0] =	vst v1  }
0x2a: {  	[tilespmem:$0x56E0] =	vst v1  }
0x2b: {  	[tilespmem:$0x56F0] =	vst v1  }
0x2c: {  	[tilespmem:$0x5700] =	vst v1  }
0x2d: {  	s20 =	simm.s32 $0x0;
	[tilespmem:$0x5710] =	vst v1  }
0x2e: {  	[tilespmem:s20], [sflag:$0x1] =	stream.linear.gather [hbm4b:s5+s20], $0x2700, $0x38;
	[tilespmem:$0xA720] =	vst v63  }
0x2f: {  	_ =	swait.ge [sflag:s12], $0x2700  }
0x30: {  	[sflag:s12] =	ssyncset.done $0x0  }
0x31: {  	[sflag:s12] =	ssyncadd.s32 $0xFFFFD900  }
0x32: {  	[tilespmem:s13], [sflag:$0x1] =	stream.linear.gather [hbm4b:s6+s20], $0x2700, $0x38;
	[tilespmem:$0xA720] =	vst v63  }
0x33: {  	_ =	swait.ge [sflag:s12], $0x2700  }
0x34: {  	[sflag:s12] =	ssyncset.done $0x0  }
0x35: {  	[sflag:s12] =	ssyncadd.s32 $0xFFFFD900  }
0x36: {  	[tilespmem:s14], [sflag:$0x1] =	stream.linear.gather [hbm4b:s7+s20], $0x10, $0x38;
	[tilespmem:$0xA720] =	vst v63  }
0x37: {  	_ =	swait.ge [sflag:s12], $0x10  }
0x38: {  	[sflag:s12] =	ssyncset.done $0x0  }
0x39: {  	[sflag:s12] =	ssyncadd.s32 $0xFFFFFFF0  }
0x3a: {  	[tilespmem:s15], [sflag:$0x1] =	stream.linear.gather [hbm4b:s8+s20], $0x10, $0x38;
	[tilespmem:$0xA720] =	vst v63  }
0x3b: {  	_ =	swait.ge [sflag:s12], $0x10  }
0x3c: {  	[sflag:s12] =	ssyncset.done $0x0  }
0x3d: {  	[sflag:s12] =	ssyncadd.s32 $0xFFFFFFF0  }
0x3e: {  	s31 =	simm.s32 $0x2700;
	[bflag:$0x0] =	sbarrier.arrive $0xFFFF  }
0x3f: {  	[spmem:s2] =	stream.indirect.scatter.add.f32 [tilespmem:s17], [sflag:$0x1], $0x10, s31, s16, $0xb8;
	[tilespmem:$0xA720] =	vst v63  }
0x40: {  	s20 =	simm.s32 $0x200;
	_ =	swait.ge [sflag:s12], $0x800  }
.LBB2_6:
0x41: {  	s21 =	sshra.s32 s20, $0x2;
	[sflag:s12] =	ssyncset.done $0x0;
	p0 =	sne.s32 s20, $0x9A00  }
.Ltmp2:
0x42: {  	s21 =	sadd.s32 $0x2700, s21;
	[sflag:s12] =	ssyncadd.s32 $0xFFFFF800;
	(pc) =	sbr.rel @p0 .LBB2_6-.Ltmp2, $3  }
0x43: {  	[spmem:s2] =	stream.indirect.scatter.add.f32 [tilespmem:s17], [sflag:$0x1], $0x10, s21, s16, $0xb8;
	[tilespmem:$0xA720] =	vst v63  }
0x44: {  	s20 =	sadd.s32 $0x200, s20;
	_ =	sdelay $0x1  }
0x45: {  	_ =	swait.ge [sflag:s12], $0x800  }
0x46: {  	[sflag:s12] =	ssyncset.done $0x0  }
0x47: {  	[sflag:s12] =	ssyncadd.s32 $0xFFFFF800  }
0x48: {  	[spmem:s2] =	stream.indirect.scatter.add.f32 [tilespmem:s19], [sflag:$0x1], $0x10, s15, s18, $0xb8;
	[tilespmem:$0xA720] =	vst v63  }
0x49: {  	_ =	swait.ge [sflag:s12], $0x100  }
0x4a: {  	s20 =	sshll.u32 s0, $0x6;
	s3 =	sadd.s32 $0x1, s3;
	[sflag:s12] =	ssyncset.done $0x0  }
0x4b: {  	s21 =	sshrl.u32 s4, $0x3;
	p0 =	sne.s32 s3, s10;
	[sflag:s12] =	ssyncadd.s32 $0xFFFFFF00  }
.Ltmp3:
0x4c: {  	s20 =	sor.u32 $0x1C01, s20;
	[bflag:$0x0] =	sbarrier.arrive $0xFFFF;
	(pc) =	sbr.rel @p0 .LBB2_1-.Ltmp3, $4  }
0x4d: {  	[hbm:s9], [sflag:s20] =	dma.local [spmem:s21], $0x500  }
0x4e: {  	_ =	swait.ge [sflag:s12], $0x500  }
0x4f: {  	[sflag:s12] =	ssyncset.done $0x0  }
0x50: {  	[sflag:s12] =	ssyncadd.s32 $0xFFFFFB00  }
0x51: {  	_ =	sfence.sel $0x180000  }
0x52: {  	[bflag:$0x0] =	sbarrier.arrive $0xFFFF  }
0x53: {  	p0 =	sne.s32 s0, $0x0;
	_ =	strace $0x90000047  }
0x54: {  	s0 =	sadd.s32 @!p0 $0x100000, s1;
	[bflag:$0x2] =	sbarrier.arrive $0xFFFF  }
0x55: {  	[sflag:s0] =	ssyncadd.tile.s32 @!p0 $0x1;
	_ =	shalt  }
.Lfunc_end2:
_tile_overlayer_lowered:
.L_overlay_start_2:
0x56: {  	(tag) =	ssettag $0x2  }
0x57: {  	s0 =	rddreg [dreg:$0x0];
	s2 =	stileid.u32  }
0x58: {  	s1 =	rddreg [dreg:$0x1];
	p0 =	sne.s32 s2, $0x0  }
0x59: {  	s3 =	rddreg [dreg:$0x2];
	[bflag:$0x3] =	sbarrier.arrive $0xFFFF;
	s2 =	simm.s32 @!p0 $0x1C01  }
0x5a: {  	[timem:s3], [sflag:s2] =	dma.local @!p0 [hbm:s0], s1  }
0x5b: {  	s0 =	simm.s32 @!p0 $0x1  }
0x5c: {  	_ =	swait.ge @!p0 [sflag:s0], s1  }
0x5d: {  	s1 =	ssub.s32 @!p0 $0x0, s1;
	[sflag:s0] =	ssyncset.done @!p0 $0x0  }
0x5e: {  	[sflag:s0] =	ssyncadd.s32 @!p0 s1  }
0x5f: {  	[bflag:$0x3] =	sbarrier.arrive $0xFFFF  }
0x60: {  	_ =	shalt  }

</sc_bundles>
